<compile_context>
chip_gen: v7x
topology: tpu7x:2x2x1
jax: 0.10.2.dev20260603
libtpu: 0.0.44.dev20260713+nightly
codegen_flags: <defaults>
</compile_context>

<pallas_src>
import functools

import jax
import jax.numpy as jnp
from jax import lax
from jax.experimental import pallas as pl
from jax.experimental.pallas import tpu as pltpu
from jax.experimental.pallas import tpu_sc as plsc

NC = 2
NS = 16
NW = NC * NS


_K = 80
_NBUF = 5


def _make_segsum(n_nodes, n_acc, d, n_edges_pad):
  K = _K
  e_per_w = n_edges_pad // NW
  assert e_per_w * NW == n_edges_pad and e_per_w % (K * _NBUF) == 0
  n_chunks = e_per_w // K
  rows_a = ((n_nodes // NS) + 7) // 8 * 8
  rows_last = n_nodes - (NS - 1) * rows_a
  assert rows_last > 0

  mesh = plsc.VectorSubcoreMesh(core_axis_name="c", subcore_axis_name="s")

  @functools.partial(
      pl.kernel,
      out_type=jax.ShapeDtypeStruct((NC, n_nodes, d), jnp.float32),
      mesh=mesh,
      scratch_types=[
          pltpu.VMEM((n_chunks, K), jnp.int32),
          pltpu.VMEM((n_chunks, K), jnp.int32),
          [pltpu.VMEM((K, d), jnp.float32) for _ in range(_NBUF)],
          pltpu.VMEM_SHARED((n_acc, d), jnp.float32),
          [pltpu.SemaphoreType.DMA for _ in range(_NBUF)],
      ],
      compiler_params=pltpu.CompilerParams(use_tc_tiling_on_sc=False),
  )
  def seg(y_hbm, src_hbm, dst_hbm, out_hbm, src_v, dst_v, bufs,
          acc_sh, gsems):
    c = lax.axis_index("c")
    s = lax.axis_index("s")
    wid = c * NS + s

    idx_s = pltpu.make_async_copy(src_hbm.at[wid], src_v, gsems[0])
    idx_d = pltpu.make_async_copy(dst_hbm.at[wid], dst_v, gsems[1])
    idx_s.start()
    idx_d.start()

    def zstore(t, carry):
      bufs[0][t // (d // 16), pl.ds((t % (d // 16)) * 16, 16)] = (
          jnp.zeros((16,), jnp.float32))
      return carry

    lax.fori_loop(0, K * (d // 16), zstore, 0)

    def zero_rows(base, count):
      full, rem = count // K, count % K
      for k in range(full):
        pltpu.sync_copy(bufs[0], acc_sh.at[pl.ds(base + k * K, K)])
      if rem:
        pltpu.sync_copy(bufs[0].at[pl.ds(0, rem)],
                        acc_sh.at[pl.ds(base + full * K, rem)])

    @pl.when(s < NS - 1)
    def _():
      zero_rows(s * rows_a, rows_a)

    @pl.when(s == NS - 1)
    def _():
      zero_rows((NS - 1) * rows_a, rows_last)

    idx_s.wait()
    idx_d.wait()
    plsc.subcore_barrier()

    for b in range(_NBUF):
      pltpu.make_async_copy(y_hbm.at[src_v.at[b]], bufs[b], gsems[b]).start()

    def round_body(i, carry):
      for b in range(_NBUF):
        j = i * _NBUF + b
        pltpu.make_async_copy(y_hbm.at[src_v.at[j]], bufs[b], gsems[b]).wait()
        pltpu.sync_copy(bufs[b], acc_sh.at[dst_v.at[j]], add=True)
        pltpu.make_async_copy(y_hbm.at[src_v.at[j + _NBUF]], bufs[b],
                              gsems[b]).start()
      return carry

    lax.fori_loop(0, n_chunks // _NBUF - 1, round_body, 0)
    for b in range(_NBUF):
      j = n_chunks - _NBUF + b
      pltpu.make_async_copy(y_hbm.at[src_v.at[j]], bufs[b], gsems[b]).wait()
      pltpu.sync_copy(bufs[b], acc_sh.at[dst_v.at[j]], add=True)
    plsc.subcore_barrier()

    @pl.when(s < NS - 1)
    def _():
      pltpu.sync_copy(acc_sh.at[pl.ds(s * rows_a, rows_a)],
                      out_hbm.at[c, pl.ds(s * rows_a, rows_a)])

    @pl.when(s == NS - 1)
    def _():
      pltpu.sync_copy(acc_sh.at[pl.ds((NS - 1) * rows_a, rows_last)],
                      out_hbm.at[c, pl.ds((NS - 1) * rows_a, rows_last)])

  return seg


def _mm_body(x_ref, w_ref, o_ref):
  o_ref[...] = jnp.dot(x_ref[...], w_ref[...],
                       preferred_element_type=jnp.float32)


def _tc2_body(y_ref, p0_ref, p1_ref, ba_ref, wb_ref, bb_ref, wn_ref, o_ref):
  t = jnp.maximum(y_ref[...] + p0_ref[...] + p1_ref[...] + ba_ref[...], 0.0)
  h = jnp.dot(t, wb_ref[...], preferred_element_type=jnp.float32) + bb_ref[...]
  h = jnp.maximum(h, 0.0)
  o_ref[...] = jnp.dot(h, wn_ref[...], preferred_element_type=jnp.float32)


def _tc3_body(y_ref, p0_ref, p1_ref, ba_ref, wb_ref, bb_ref, wl_ref, bl_ref,
              o_ref):
  t = jnp.maximum(y_ref[...] + p0_ref[...] + p1_ref[...] + ba_ref[...], 0.0)
  h = jnp.dot(t, wb_ref[...], preferred_element_type=jnp.float32) + bb_ref[...]
  h = jnp.maximum(h, 0.0)
  logits = (jnp.dot(h, wl_ref[...], preferred_element_type=jnp.float32)
            + bl_ref[...])
  m = jnp.max(logits, axis=1, keepdims=True)
  lse = m + jnp.log(jnp.sum(jnp.exp(logits - m), axis=1, keepdims=True))
  o_ref[...] = logits - lse


def _row_blocked(body, n, blk, in_shapes, out_cols):
  grid = n // blk
  in_specs = []
  for shp in in_shapes:
    if shp[0] == n:
      in_specs.append(
          pl.BlockSpec((blk,) + shp[1:],
                       lambda i, r=len(shp) - 1: (i,) + (0,) * r))
    else:
      in_specs.append(pl.BlockSpec(shp, lambda i, r=len(shp): (0,) * r))
  return pl.pallas_call(
      body,
      grid=(grid,),
      in_specs=in_specs,
      out_specs=pl.BlockSpec((blk, out_cols), lambda i: (i, 0)),
      out_shape=jax.ShapeDtypeStruct((n, out_cols), jnp.float32),
  )


def kernel(x, edge_index, W1a, b1a, W1b, b1b, W2a, b2a, W2b, b2b, Wl, bl):
  n, d_in = x.shape
  hidden = W1a.shape[1]
  n_classes = Wl.shape[1]
  n_edges = edge_index.shape[1]
  unit = NW * _K * _NBUF
  n_edges_pad = ((n_edges + unit - 1) // unit) * unit
  pad = n_edges_pad - n_edges

  src = edge_index[0].astype(jnp.int32)
  dst = edge_index[1].astype(jnp.int32)
  if pad:
    src = jnp.concatenate([src, jnp.zeros((pad,), jnp.int32)])
    dst = jnp.concatenate(
        [dst, n + (jnp.arange(pad, dtype=jnp.int32) % 128)])
  src3 = src.reshape(NW, -1, _K)
  dst3 = dst.reshape(NW, -1, _K)
  b1a_r = b1a.reshape(1, hidden)
  b1b_r = b1b.reshape(1, hidden)
  b2a_r = b2a.reshape(1, hidden)
  b2b_r = b2b.reshape(1, hidden)
  bl_r = bl.reshape(1, n_classes)

  segsum = _make_segsum(n, n + 128, hidden, n_edges_pad)
  blk = 1000

  y1 = _row_blocked(_mm_body, n, blk, [(n, d_in), (d_in, hidden)], hidden)(
      x, W1a)
  p1 = segsum(y1, src3, dst3)
  y2 = _row_blocked(
      _tc2_body, n, blk,
      [(n, hidden), (n, hidden), (n, hidden), (1, hidden), (hidden, hidden),
       (1, hidden), (hidden, hidden)], hidden)(
           y1, p1[0], p1[1], b1a_r, W1b, b1b_r, W2a)

  p2 = segsum(y2, src3, dst3)
  out = _row_blocked(
      _tc3_body, n, blk,
      [(n, hidden), (n, hidden), (n, hidden), (1, hidden), (hidden, hidden),
       (1, hidden), (hidden, n_classes), (1, n_classes)], n_classes)(
           y2, p2[0], p2[1], b2a_r, W2b, b2b_r, Wl, bl_r)
  return out

# --- scband reference (transcript-rebuilt; emitter-appended) ---
"""Pipeline reference for scband-gin-23364622090833 (READ-ONLY COPY).

The authoritative reference and input builder live on the scoring server;
editing this copy changes nothing except your own understanding.
"""

import jax, jax.numpy as jnp
import numpy as np

N_NODES = 10000
N_EDGES = 320000
D_IN = 128
HIDDEN = 64
N_CLASSES = 40

def setup_inputs(seed: int = 0) -> dict:
    key = jax.random.key(seed)
    ks = jax.random.split(key, 12)
    x = jax.random.normal(ks[0], (N_NODES, D_IN), dtype=jnp.float32)
    edge_index = jax.random.randint(ks[1], (2, N_EDGES), 0, N_NODES, dtype=jnp.int64 if jax.config.jax_enable_x64 else jnp.int32)
    # conv1 MLP: Linear(D_IN, HIDDEN) -> ReLU -> Linear(HIDDEN, HIDDEN)
    W1a = jax.random.normal(ks[2], (D_IN, HIDDEN), dtype=jnp.float32) * (1.0 / np.sqrt(D_IN))
    b1a = jnp.zeros((HIDDEN,), dtype=jnp.float32)
    W1b = jax.random.normal(ks[3], (HIDDEN, HIDDEN), dtype=jnp.float32) * (1.0 / np.sqrt(HIDDEN))
    b1b = jnp.zeros((HIDDEN,), dtype=jnp.float32)
    # conv2 MLP: Linear(HIDDEN, HIDDEN) -> ReLU -> Linear(HIDDEN, HIDDEN)
    W2a = jax.random.normal(ks[4], (HIDDEN, HIDDEN), dtype=jnp.float32) * (1.0 / np.sqrt(HIDDEN))
    b2a = jnp.zeros((HIDDEN,), dtype=jnp.float32)
    W2b = jax.random.normal(ks[5], (HIDDEN, HIDDEN), dtype=jnp.float32) * (1.0 / np.sqrt(HIDDEN))
    b2b = jnp.zeros((HIDDEN,), dtype=jnp.float32)
    # final Linear(HIDDEN, N_CLASSES)
    Wl = jax.random.normal(ks[6], (HIDDEN, N_CLASSES), dtype=jnp.float32) * (1.0 / np.sqrt(HIDDEN))
    bl = jnp.zeros((N_CLASSES,), dtype=jnp.float32)
    return {"x": x, "edge_index": edge_index, "W1a": W1a, "b1a": b1a, "W1b": W1b, "b1b": b1b, "W2a": W2a, "b2a": b2a, "W2b": W2b, "b2b": b2b, "Wl": Wl, "bl": bl}

def _gin_conv(x, edge_index, Wa, ba, Wb, bb, eps=0.0):
    src = edge_index[0]
    dst = edge_index[1]
    msgs = jnp.take(x, src, axis=0)
    aggr = jax.ops.segment_sum(msgs, dst, num_segments=x.shape[0])
    h = (1.0 + eps) * x + aggr
    h = jnp.maximum(h @ Wa + ba, 0.0)
    h = h @ Wb + bb
    return h

def reference(x, edge_index, W1a, b1a, W1b, b1b, W2a, b2a, W2b, b2b, Wl, bl):
    h = _gin_conv(x, edge_index, W1a, b1a, W1b, b1b)
    h = jnp.maximum(h, 0.0)
    h = _gin_conv(h, edge_index, W2a, b2a, W2b, b2b)
    h = jnp.maximum(h, 0.0)
    logits = h @ Wl + bl
    return jax.nn.log_softmax(logits, axis=1)

if __name__ == "__main__":
    import jax
    _d = setup_inputs()
    print(jax.jit(kernel)(*tuple(_d.values())))

</pallas_src>

<mosaic_0001>
#map = affine_map<(d0, d1) -> (0, 0)>
#map1 = affine_map<(d0, d1) -> (0, 0, 0)>
module attributes {stable_mosaic.version = 14 : i64} {
  func.func @seg(%arg0: i32, %arg1: i32, %arg2: memref<10000x64xf32, #tpu.memory_space<hbm>>, %arg3: memref<32x125x80xi32, #tpu.memory_space<hbm>>, %arg4: memref<32x125x80xi32, #tpu.memory_space<hbm>>, %arg5: memref<2x10000x64xf32, #tpu.memory_space<hbm>>, %arg6: memref<125x80xi32, #tpu.memory_space<vmem>>, %arg7: memref<125x80xi32, #tpu.memory_space<vmem>>, %arg8: memref<80x64xf32, #tpu.memory_space<vmem>>, %arg9: memref<80x64xf32, #tpu.memory_space<vmem>>, %arg10: memref<80x64xf32, #tpu.memory_space<vmem>>, %arg11: memref<80x64xf32, #tpu.memory_space<vmem>>, %arg12: memref<80x64xf32, #tpu.memory_space<vmem>>, %arg13: memref<10128x64xf32, #tpu.memory_space<vmem_shared>>, %arg14: memref<!tpu.dma_semaphore, #tpu.memory_space<semaphore_mem>>, %arg15: memref<!tpu.dma_semaphore, #tpu.memory_space<semaphore_mem>>, %arg16: memref<!tpu.dma_semaphore, #tpu.memory_space<semaphore_mem>>, %arg17: memref<!tpu.dma_semaphore, #tpu.memory_space<semaphore_mem>>, %arg18: memref<!tpu.dma_semaphore, #tpu.memory_space<semaphore_mem>>) attributes {dimension_semantics = [#tpu.dimension_semantics<core_parallel>, #tpu.dimension_semantics<subcore_parallel>], iteration_bounds = array<i64: 2, 16>, scalar_prefetch = 0 : i64, scratch_operands = 13 : i64, tpu.core_type = #tpu.core_type<sc_vector_subcore>, window_params = [{transform_indices = #map}, {transform_indices = #map1}, {transform_indices = #map1}, {transform_indices = #map1}]} {
    %mul3A = arith.constant 16 : i32
    %mul3A_0 = arith.muli %arg0, %mul3A : i32
    %add3A = arith.addi %mul3A_0, %arg1 : i32
    %dma_start3A = arith.constant 0 : i32
    %dma_start3A_1 = arith.constant 0 : i32
    %dma_start3A_2 = tpu.memref_slice %arg3[%add3A, %dma_start3A, %dma_start3A_1] : memref<32x125x80xi32, #tpu.memory_space<hbm>> -> memref<1x125x80xi32, #tpu.memory_space<hbm>>
    %dma_start3A_3 = tpu.memref_squeeze %dma_start3A_2 : memref<1x125x80xi32, #tpu.memory_space<hbm>> -> memref<125x80xi32, #tpu.memory_space<hbm>>
    %dma_start3A_4 = arith.constant 0 : i32
    %dma_start3A_5 = arith.constant 0 : i32
    %dma_start3A_6 = tpu.memref_slice %arg3[%add3A, %dma_start3A_4, %dma_start3A_5] : memref<32x125x80xi32, #tpu.memory_space<hbm>> -> memref<1x125x80xi32, #tpu.memory_space<hbm>>
    %dma_start3A_7 = tpu.memref_squeeze %dma_start3A_6 : memref<1x125x80xi32, #tpu.memory_space<hbm>> -> memref<125x80xi32, #tpu.memory_space<hbm>>
    tpu.enqueue_dma source(%dma_start3A_7 : memref<125x80xi32, #tpu.memory_space<hbm>>) target(%arg6 : memref<125x80xi32, #tpu.memory_space<vmem>>) target_semaphore(%arg14 : memref<!tpu.dma_semaphore, #tpu.memory_space<semaphore_mem>>)
    %dma_start3A_8 = arith.constant 0 : i32
    %dma_start3A_9 = arith.constant 0 : i32
    %dma_start3A_10 = tpu.memref_slice %arg4[%add3A, %dma_start3A_8, %dma_start3A_9] : memref<32x125x80xi32, #tpu.memory_space<hbm>> -> memref<1x125x80xi32, #tpu.memory_space<hbm>>
    %dma_start3A_11 = tpu.memref_squeeze %dma_start3A_10 : memref<1x125x80xi32, #tpu.memory_space<hbm>> -> memref<125x80xi32, #tpu.memory_space<hbm>>
    %dma_start3A_12 = arith.constant 0 : i32
    %dma_start3A_13 = arith.constant 0 : i32
    %dma_start3A_14 = tpu.memref_slice %arg4[%add3A, %dma_start3A_12, %dma_start3A_13] : memref<32x125x80xi32, #tpu.memory_space<hbm>> -> memref<1x125x80xi32, #tpu.memory_space<hbm>>
    %dma_start3A_15 = tpu.memref_squeeze %dma_start3A_14 : memref<1x125x80xi32, #tpu.memory_space<hbm>> -> memref<125x80xi32, #tpu.memory_space<hbm>>
    tpu.enqueue_dma source(%dma_start3A_15 : memref<125x80xi32, #tpu.memory_space<hbm>>) target(%arg7 : memref<125x80xi32, #tpu.memory_space<vmem>>) target_semaphore(%arg15 : memref<!tpu.dma_semaphore, #tpu.memory_space<semaphore_mem>>)
    %scan3A = arith.constant 0 : i32
    %scan3A_16 = arith.constant 0 : i32
    %scan3A_17 = arith.constant 320 : i32
    %scan3A_18 = arith.addi %scan3A_16, %scan3A_17 : i32
    %scan3A_19 = arith.constant 1 : i32
    scf.for %scan3A_133 = %scan3A_16 to %scan3A_18 step %scan3A_19  : i32 {
      %broadcast_in_dim3A = arith.constant 0.000000e+00 : f32
      %broadcast_in_dim3A_134 = vector.broadcast %broadcast_in_dim3A : f32 to vector<16xf32>
      %jit3A = arith.constant 4 : i32
      %div3A = arith.divsi %scan3A_133, %jit3A : i32
      %sign3A = arith.constant 0 : i32
      %sign3A_135 = arith.cmpi sgt, %scan3A_133, %sign3A : i32
      %sign3A_136 = arith.extui %sign3A_135 : i1 to i32
      %sign3A_137 = arith.constant 0 : i32
      %sign3A_138 = arith.cmpi slt, %scan3A_133, %sign3A_137 : i32
      %sign3A_139 = arith.extui %sign3A_138 : i1 to i32
      %sign3A_140 = arith.subi %sign3A_136, %sign3A_139 : i32
      %sign3A_141 = arith.constant 0 : i32
      %sign3A_142 = arith.cmpi sgt, %jit3A, %sign3A_141 : i32
      %sign3A_143 = arith.extui %sign3A_142 : i1 to i32
      %sign3A_144 = arith.constant 0 : i32
      %sign3A_145 = arith.cmpi slt, %jit3A, %sign3A_144 : i32
      %sign3A_146 = arith.extui %sign3A_145 : i1 to i32
      %sign3A_147 = arith.subi %sign3A_143, %sign3A_146 : i32
      %ne3A = arith.cmpi ne, %sign3A_140, %sign3A_147 : i32
      %rem3A = arith.remsi %scan3A_133, %jit3A : i32
      %ne3A_148 = arith.constant 0 : i32
      %ne3A_149 = arith.cmpi ne, %rem3A, %ne3A_148 : i32
      %and3A = arith.andi %ne3A, %ne3A_149 : i1
      %sub3A = arith.constant 1 : i32
      %sub3A_150 = arith.subi %div3A, %sub3A : i32
      %select_n3A = arith.select %and3A, %sub3A_150, %div3A : i32
      %jit3A_151 = arith.constant 4 : i32
      %eq3A_152 = arith.constant 0 : i32
      %eq3A_153 = arith.cmpi eq, %jit3A_151, %eq3A_152 : i32
      %jit3A_154 = arith.constant 1 : i32
      %select_n3A_155 = arith.select %eq3A_153, %jit3A_154, %jit3A_151 : i32
      %rem3A_156 = arith.remsi %scan3A_133, %select_n3A_155 : i32
      %ne3A_157 = arith.constant 0 : i32
      %ne3A_158 = arith.cmpi ne, %rem3A_156, %ne3A_157 : i32
      %lt3A_159 = arith.constant 0 : i32
      %lt3A_160 = arith.cmpi slt, %rem3A_156, %lt3A_159 : i32
      %lt3A_161 = arith.constant 0 : i32
      %lt3A_162 = arith.cmpi slt, %select_n3A_155, %lt3A_161 : i32
      %ne3A_163 = arith.xori %lt3A_160, %lt3A_162 : i1
      %and3A_164 = arith.andi %ne3A_163, %ne3A_158 : i1
      %add3A_165 = arith.addi %rem3A_156, %select_n3A_155 : i32
      %select_n3A_166 = arith.select %and3A_164, %add3A_165, %rem3A_156 : i32
      %mul3A_167 = arith.constant 16 : i32
      %mul3A_168 = arith.muli %select_n3A_166, %mul3A_167 : i32
      %swap3A = arith.index_cast %select_n3A : i32 to index
      %swap3A_169 = arith.index_cast %mul3A_168 : i32 to index
      %swap3A_170 = tpu.vector_load %arg8[%swap3A, %swap3A_169] {strides = array<i32>} : memref<80x64xf32, #tpu.memory_space<vmem>>, vector<1x16xf32>,
      %swap3A_171 = vector.shape_cast %swap3A_170 : vector<1x16xf32> to vector<16xf32>
      %swap3A_172 = vector.shape_cast %broadcast_in_dim3A_134 : vector<16xf32> to vector<1x16xf32>
      tpu.vector_store %arg8[%swap3A, %swap3A_169], %swap3A_172 {strides = array<i32>} : memref<80x64xf32, #tpu.memory_space<vmem>>, vector<1x16xf32>,
    }
    %scan3A_20 = arith.constant 320 : i32
    %lt3A = arith.constant 15 : i32
    %lt3A_21 = arith.cmpi slt, %arg1, %lt3A : i32
    %convert_element_type3A = arith.extui %lt3A_21 : i1 to i32
    %cond3A = arith.constant 0 : i32
    %cond3A_22 = arith.cmpi ne, %convert_element_type3A, %cond3A : i32
    scf.if %cond3A_22 {
      %mul3A_133 = arith.constant 632 : i32
      %mul3A_134 = arith.muli %arg1, %mul3A_133 : i32
      %add3A_135 = arith.constant 0 : i32
      %add3A_136 = arith.addi %mul3A_134, %add3A_135 : i32
      "tpu.region"() ({
        %run_scoped3A_151 = tpu.sem_alloc : memref<!tpu.dma_semaphore, #tpu.memory_space<semaphore_mem>>
        %dma_start3A_152 = arith.constant 0 : i32
        %dma_start3A_153 = tpu.memref_slice %arg13[%add3A_136, %dma_start3A_152] : memref<10128x64xf32, #tpu.memory_space<vmem_shared>> -> memref<80x64xf32, #tpu.memory_space<vmem_shared>>
        %dma_start3A_154 = arith.constant 0 : i32
        %dma_start3A_155 = tpu.memref_slice %arg13[%add3A_136, %dma_start3A_154] : memref<10128x64xf32, #tpu.memory_space<vmem_shared>> -> memref<80x64xf32, #tpu.memory_space<vmem_shared>>
        tpu.enqueue_dma source(%arg8 : memref<80x64xf32, #tpu.memory_space<vmem>>) target(%dma_start3A_155 : memref<80x64xf32, #tpu.memory_space<vmem_shared>>) target_semaphore(%run_scoped3A_151 : memref<!tpu.dma_semaphore, #tpu.memory_space<semaphore_mem>>)
        %dma_wait3A_156 = arith.constant 0 : i32
        %dma_wait3A_157 = tpu.memref_slice %arg13[%add3A_136, %dma_wait3A_156] : memref<10128x64xf32, #tpu.memory_space<vmem_shared>> -> memref<80x64xf32, #tpu.memory_space<vmem_shared>>
        %dma_wait3A_158 = arith.constant 0 : i32
        %dma_wait3A_159 = tpu.memref_slice %arg13[%add3A_136, %dma_wait3A_158] : memref<10128x64xf32, #tpu.memory_space<vmem_shared>> -> memref<80x64xf32, #tpu.memory_space<vmem_shared>>
        tpu.wait_dma2 semaphore(%run_scoped3A_151 : memref<!tpu.dma_semaphore, #tpu.memory_space<semaphore_mem>>) src(%arg8 : memref<80x64xf32, #tpu.memory_space<vmem>>) dst(%dma_wait3A_159 : memref<80x64xf32, #tpu.memory_space<vmem_shared>>)
        tpu.yield
      }) : () -> ()
      %add3A_137 = arith.constant 80 : i32
      %add3A_138 = arith.addi %mul3A_134, %add3A_137 : i32
      "tpu.region"() ({
        %run_scoped3A_151 = tpu.sem_alloc : memref<!tpu.dma_semaphore, #tpu.memory_space<semaphore_mem>>
        %dma_start3A_152 = arith.constant 0 : i32
        %dma_start3A_153 = tpu.memref_slice %arg13[%add3A_138, %dma_start3A_152] : memref<10128x64xf32, #tpu.memory_space<vmem_shared>> -> memref<80x64xf32, #tpu.memory_space<vmem_shared>>
        %dma_start3A_154 = arith.constant 0 : i32
        %dma_start3A_155 = tpu.memref_slice %arg13[%add3A_138, %dma_start3A_154] : memref<10128x64xf32, #tpu.memory_space<vmem_shared>> -> memref<80x64xf32, #tpu.memory_space<vmem_shared>>
        tpu.enqueue_dma source(%arg8 : memref<80x64xf32, #tpu.memory_space<vmem>>) target(%dma_start3A_155 : memref<80x64xf32, #tpu.memory_space<vmem_shared>>) target_semaphore(%run_scoped3A_151 : memref<!tpu.dma_semaphore, #tpu.memory_space<semaphore_mem>>)
        %dma_wait3A_156 = arith.constant 0 : i32
        %dma_wait3A_157 = tpu.memref_slice %arg13[%add3A_138, %dma_wait3A_156] : memref<10128x64xf32, #tpu.memory_space<vmem_shared>> -> memref<80x64xf32, #tpu.memory_space<vmem_shared>>
        %dma_wait3A_158 = arith.constant 0 : i32
        %dma_wait3A_159 = tpu.memref_slice %arg13[%add3A_138, %dma_wait3A_158] : memref<10128x64xf32, #tpu.memory_space<vmem_shared>> -> memref<80x64xf32, #tpu.memory_space<vmem_shared>>
        tpu.wait_dma2 semaphore(%run_scoped3A_151 : memref<!tpu.dma_semaphore, #tpu.memory_space<semaphore_mem>>) src(%arg8 : memref<80x64xf32, #tpu.memory_space<vmem>>) dst(%dma_wait3A_159 : memref<80x64xf32, #tpu.memory_space<vmem_shared>>)
        tpu.yield
      }) : () -> ()
      %add3A_139 = arith.constant 160 : i32
      %add3A_140 = arith.addi %mul3A_134, %add3A_139 : i32
      "tpu.region"() ({
        %run_scoped3A_151 = tpu.sem_alloc : memref<!tpu.dma_semaphore, #tpu.memory_space<semaphore_mem>>
        %dma_start3A_152 = arith.constant 0 : i32
        %dma_start3A_153 = tpu.memref_slice %arg13[%add3A_140, %dma_start3A_152] : memref<10128x64xf32, #tpu.memory_space<vmem_shared>> -> memref<80x64xf32, #tpu.memory_space<vmem_shared>>
        %dma_start3A_154 = arith.constant 0 : i32
        %dma_start3A_155 = tpu.memref_slice %arg13[%add3A_140, %dma_start3A_154] : memref<10128x64xf32, #tpu.memory_space<vmem_shared>> -> memref<80x64xf32, #tpu.memory_space<vmem_shared>>
        tpu.enqueue_dma source(%arg8 : memref<80x64xf32, #tpu.memory_space<vmem>>) target(%dma_start3A_155 : memref<80x64xf32, #tpu.memory_space<vmem_shared>>) target_semaphore(%run_scoped3A_151 : memref<!tpu.dma_semaphore, #tpu.memory_space<semaphore_mem>>)
        %dma_wait3A_156 = arith.constant 0 : i32
        %dma_wait3A_157 = tpu.memref_slice %arg13[%add3A_140, %dma_wait3A_156] : memref<10128x64xf32, #tpu.memory_space<vmem_shared>> -> memref<80x64xf32, #tpu.memory_space<vmem_shared>>
        %dma_wait3A_158 = arith.constant 0 : i32
        %dma_wait3A_159 = tpu.memref_slice %arg13[%add3A_140, %dma_wait3A_158] : memref<10128x64xf32, #tpu.memory_space<vmem_shared>> -> memref<80x64xf32, #tpu.memory_space<vmem_shared>>
        tpu.wait_dma2 semaphore(%run_scoped3A_151 : memref<!tpu.dma_semaphore, #tpu.memory_space<semaphore_mem>>) src(%arg8 : memref<80x64xf32, #tpu.memory_space<vmem>>) dst(%dma_wait3A_159 : memref<80x64xf32, #tpu.memory_space<vmem_shared>>)
        tpu.yield
      }) : () -> ()
      %add3A_141 = arith.constant 240 : i32
      %add3A_142 = arith.addi %mul3A_134, %add3A_141 : i32
      "tpu.region"() ({
        %run_scoped3A_151 = tpu.sem_alloc : memref<!tpu.dma_semaphore, #tpu.memory_space<semaphore_mem>>
        %dma_start3A_152 = arith.constant 0 : i32
        %dma_start3A_153 = tpu.memref_slice %arg13[%add3A_142, %dma_start3A_152] : memref<10128x64xf32, #tpu.memory_space<vmem_shared>> -> memref<80x64xf32, #tpu.memory_space<vmem_shared>>
        %dma_start3A_154 = arith.constant 0 : i32
        %dma_start3A_155 = tpu.memref_slice %arg13[%add3A_142, %dma_start3A_154] : memref<10128x64xf32, #tpu.memory_space<vmem_shared>> -> memref<80x64xf32, #tpu.memory_space<vmem_shared>>
        tpu.enqueue_dma source(%arg8 : memref<80x64xf32, #tpu.memory_space<vmem>>) target(%dma_start3A_155 : memref<80x64xf32, #tpu.memory_space<vmem_shared>>) target_semaphore(%run_scoped3A_151 : memref<!tpu.dma_semaphore, #tpu.memory_space<semaphore_mem>>)
        %dma_wait3A_156 = arith.constant 0 : i32
        %dma_wait3A_157 = tpu.memref_slice %arg13[%add3A_142, %dma_wait3A_156] : memref<10128x64xf32, #tpu.memory_space<vmem_shared>> -> memref<80x64xf32, #tpu.memory_space<vmem_shared>>
        %dma_wait3A_158 = arith.constant 0 : i32
        %dma_wait3A_159 = tpu.memref_slice %arg13[%add3A_142, %dma_wait3A_158] : memref<10128x64xf32, #tpu.memory_space<vmem_shared>> -> memref<80x64xf32, #tpu.memory_space<vmem_shared>>
        tpu.wait_dma2 semaphore(%run_scoped3A_151 : memref<!tpu.dma_semaphore, #tpu.memory_space<semaphore_mem>>) src(%arg8 : memref<80x64xf32, #tpu.memory_space<vmem>>) dst(%dma_wait3A_159 : memref<80x64xf32, #tpu.memory_space<vmem_shared>>)
        tpu.yield
      }) : () -> ()
      %add3A_143 = arith.constant 320 : i32
      %add3A_144 = arith.addi %mul3A_134, %add3A_143 : i32
      "tpu.region"() ({
        %run_scoped3A_151 = tpu.sem_alloc : memref<!tpu.dma_semaphore, #tpu.memory_space<semaphore_mem>>
        %dma_start3A_152 = arith.constant 0 : i32
        %dma_start3A_153 = tpu.memref_slice %arg13[%add3A_144, %dma_start3A_152] : memref<10128x64xf32, #tpu.memory_space<vmem_shared>> -> memref<80x64xf32, #tpu.memory_space<vmem_shared>>
        %dma_start3A_154 = arith.constant 0 : i32
        %dma_start3A_155 = tpu.memref_slice %arg13[%add3A_144, %dma_start3A_154] : memref<10128x64xf32, #tpu.memory_space<vmem_shared>> -> memref<80x64xf32, #tpu.memory_space<vmem_shared>>
        tpu.enqueue_dma source(%arg8 : memref<80x64xf32, #tpu.memory_space<vmem>>) target(%dma_start3A_155 : memref<80x64xf32, #tpu.memory_space<vmem_shared>>) target_semaphore(%run_scoped3A_151 : memref<!tpu.dma_semaphore, #tpu.memory_space<semaphore_mem>>)
        %dma_wait3A_156 = arith.constant 0 : i32
        %dma_wait3A_157 = tpu.memref_slice %arg13[%add3A_144, %dma_wait3A_156] : memref<10128x64xf32, #tpu.memory_space<vmem_shared>> -> memref<80x64xf32, #tpu.memory_space<vmem_shared>>
        %dma_wait3A_158 = arith.constant 0 : i32
        %dma_wait3A_159 = tpu.memref_slice %arg13[%add3A_144, %dma_wait3A_158] : memref<10128x64xf32, #tpu.memory_space<vmem_shared>> -> memref<80x64xf32, #tpu.memory_space<vmem_shared>>
        tpu.wait_dma2 semaphore(%run_scoped3A_151 : memref<!tpu.dma_semaphore, #tpu.memory_space<semaphore_mem>>) src(%arg8 : memref<80x64xf32, #tpu.memory_space<vmem>>) dst(%dma_wait3A_159 : memref<80x64xf32, #tpu.memory_space<vmem_shared>>)
        tpu.yield
      }) : () -> ()
      %add3A_145 = arith.constant 400 : i32
      %add3A_146 = arith.addi %mul3A_134, %add3A_145 : i32
      "tpu.region"() ({
        %run_scoped3A_151 = tpu.sem_alloc : memref<!tpu.dma_semaphore, #tpu.memory_space<semaphore_mem>>
        %dma_start3A_152 = arith.constant 0 : i32
        %dma_start3A_153 = tpu.memref_slice %arg13[%add3A_146, %dma_start3A_152] : memref<10128x64xf32, #tpu.memory_space<vmem_shared>> -> memref<80x64xf32, #tpu.memory_space<vmem_shared>>
        %dma_start3A_154 = arith.constant 0 : i32
        %dma_start3A_155 = tpu.memref_slice %arg13[%add3A_146, %dma_start3A_154] : memref<10128x64xf32, #tpu.memory_space<vmem_shared>> -> memref<80x64xf32, #tpu.memory_space<vmem_shared>>
        tpu.enqueue_dma source(%arg8 : memref<80x64xf32, #tpu.memory_space<vmem>>) target(%dma_start3A_155 : memref<80x64xf32, #tpu.memory_space<vmem_shared>>) target_semaphore(%run_scoped3A_151 : memref<!tpu.dma_semaphore, #tpu.memory_space<semaphore_mem>>)
        %dma_wait3A_156 = arith.constant 0 : i32
        %dma_wait3A_157 = tpu.memref_slice %arg13[%add3A_146, %dma_wait3A_156] : memref<10128x64xf32, #tpu.memory_space<vmem_shared>> -> memref<80x64xf32, #tpu.memory_space<vmem_shared>>
        %dma_wait3A_158 = arith.constant 0 : i32
        %dma_wait3A_159 = tpu.memref_slice %arg13[%add3A_146, %dma_wait3A_158] : memref<10128x64xf32, #tpu.memory_space<vmem_shared>> -> memref<80x64xf32, #tpu.memory_space<vmem_shared>>
        tpu.wait_dma2 semaphore(%run_scoped3A_151 : memref<!tpu.dma_semaphore, #tpu.memory_space<semaphore_mem>>) src(%arg8 : memref<80x64xf32, #tpu.memory_space<vmem>>) dst(%dma_wait3A_159 : memref<80x64xf32, #tpu.memory_space<vmem_shared>>)
        tpu.yield
      }) : () -> ()
      %add3A_147 = arith.constant 480 : i32
      %add3A_148 = arith.addi %mul3A_134, %add3A_147 : i32
      "tpu.region"() ({
        %run_scoped3A_151 = tpu.sem_alloc : memref<!tpu.dma_semaphore, #tpu.memory_space<semaphore_mem>>
        %dma_start3A_152 = arith.constant 0 : i32
        %dma_start3A_153 = tpu.memref_slice %arg13[%add3A_148, %dma_start3A_152] : memref<10128x64xf32, #tpu.memory_space<vmem_shared>> -> memref<80x64xf32, #tpu.memory_space<vmem_shared>>
        %dma_start3A_154 = arith.constant 0 : i32
        %dma_start3A_155 = tpu.memref_slice %arg13[%add3A_148, %dma_start3A_154] : memref<10128x64xf32, #tpu.memory_space<vmem_shared>> -> memref<80x64xf32, #tpu.memory_space<vmem_shared>>
        tpu.enqueue_dma source(%arg8 : memref<80x64xf32, #tpu.memory_space<vmem>>) target(%dma_start3A_155 : memref<80x64xf32, #tpu.memory_space<vmem_shared>>) target_semaphore(%run_scoped3A_151 : memref<!tpu.dma_semaphore, #tpu.memory_space<semaphore_mem>>)
        %dma_wait3A_156 = arith.constant 0 : i32
        %dma_wait3A_157 = tpu.memref_slice %arg13[%add3A_148, %dma_wait3A_156] : memref<10128x64xf32, #tpu.memory_space<vmem_shared>> -> memref<80x64xf32, #tpu.memory_space<vmem_shared>>
        %dma_wait3A_158 = arith.constant 0 : i32
        %dma_wait3A_159 = tpu.memref_slice %arg13[%add3A_148, %dma_wait3A_158] : memref<10128x64xf32, #tpu.memory_space<vmem_shared>> -> memref<80x64xf32, #tpu.memory_space<vmem_shared>>
        tpu.wait_dma2 semaphore(%run_scoped3A_151 : memref<!tpu.dma_semaphore, #tpu.memory_space<semaphore_mem>>) src(%arg8 : memref<80x64xf32, #tpu.memory_space<vmem>>) dst(%dma_wait3A_159 : memref<80x64xf32, #tpu.memory_space<vmem_shared>>)
        tpu.yield
      }) : () -> ()
      %add3A_149 = arith.constant 560 : i32
      %add3A_150 = arith.addi %mul3A_134, %add3A_149 : i32
      "tpu.region"() ({
        %run_scoped3A_151 = tpu.sem_alloc : memref<!tpu.dma_semaphore, #tpu.memory_space<semaphore_mem>>
        %dma_start3A_152 = arith.constant 0 : i32
        %dma_start3A_153 = arith.constant 0 : i32
        %dma_start3A_154 = tpu.memref_slice %arg8[%dma_start3A_152, %dma_start3A_153] : memref<80x64xf32, #tpu.memory_space<vmem>> -> memref<72x64xf32, #tpu.memory_space<vmem>>
        %dma_start3A_155 = arith.constant 0 : i32
        %dma_start3A_156 = tpu.memref_slice %arg13[%add3A_150, %dma_start3A_155] : memref<10128x64xf32, #tpu.memory_space<vmem_shared>> -> memref<72x64xf32, #tpu.memory_space<vmem_shared>>
        %dma_start3A_157 = arith.constant 0 : i32
        %dma_start3A_158 = tpu.memref_slice %arg13[%add3A_150, %dma_start3A_157] : memref<10128x64xf32, #tpu.memory_space<vmem_shared>> -> memref<72x64xf32, #tpu.memory_space<vmem_shared>>
        %dma_start3A_159 = arith.constant 0 : i32
        %dma_start3A_160 = arith.constant 0 : i32
        %dma_start3A_161 = tpu.memref_slice %arg8[%dma_start3A_159, %dma_start3A_160] : memref<80x64xf32, #tpu.memory_space<vmem>> -> memref<72x64xf32, #tpu.memory_space<vmem>>
        tpu.enqueue_dma source(%dma_start3A_161 : memref<72x64xf32, #tpu.memory_space<vmem>>) target(%dma_start3A_158 : memref<72x64xf32, #tpu.memory_space<vmem_shared>>) target_semaphore(%run_scoped3A_151 : memref<!tpu.dma_semaphore, #tpu.memory_space<semaphore_mem>>)
        %dma_wait3A_162 = arith.constant 0 : i32
        %dma_wait3A_163 = arith.constant 0 : i32
        %dma_wait3A_164 = tpu.memref_slice %arg8[%dma_wait3A_162, %dma_wait3A_163] : memref<80x64xf32, #tpu.memory_space<vmem>> -> memref<72x64xf32, #tpu.memory_space<vmem>>
        %dma_wait3A_165 = arith.constant 0 : i32
        %dma_wait3A_166 = tpu.memref_slice %arg13[%add3A_150, %dma_wait3A_165] : memref<10128x64xf32, #tpu.memory_space<vmem_shared>> -> memref<72x64xf32, #tpu.memory_space<vmem_shared>>
        %dma_wait3A_167 = arith.constant 0 : i32
        %dma_wait3A_168 = tpu.memref_slice %arg13[%add3A_150, %dma_wait3A_167] : memref<10128x64xf32, #tpu.memory_space<vmem_shared>> -> memref<72x64xf32, #tpu.memory_space<vmem_shared>>
        %dma_wait3A_169 = arith.constant 0 : i32
        %dma_wait3A_170 = arith.constant 0 : i32
        %dma_wait3A_171 = tpu.memref_slice %arg8[%dma_wait3A_169, %dma_wait3A_170] : memref<80x64xf32, #tpu.memory_space<vmem>> -> memref<72x64xf32, #tpu.memory_space<vmem>>
        tpu.wait_dma2 semaphore(%run_scoped3A_151 : memref<!tpu.dma_semaphore, #tpu.memory_space<semaphore_mem>>) src(%dma_wait3A_171 : memref<72x64xf32, #tpu.memory_space<vmem>>) dst(%dma_wait3A_168 : memref<72x64xf32, #tpu.memory_space<vmem_shared>>)
        tpu.yield
      }) : () -> ()
    } else {
    }
    %eq3A = arith.constant 15 : i32
    %eq3A_23 = arith.cmpi eq, %arg1, %eq3A : i32
    %convert_element_type3A_24 = arith.extui %eq3A_23 : i1 to i32
    %cond3A_25 = arith.constant 0 : i32
    %cond3A_26 = arith.cmpi ne, %convert_element_type3A_24, %cond3A_25 : i32
    scf.if %cond3A_26 {
      "tpu.region"() ({
        %run_scoped3A_133 = tpu.sem_alloc : memref<!tpu.dma_semaphore, #tpu.memory_space<semaphore_mem>>
        %dma_start3A_134 = arith.constant 9480 : i32
        %dma_start3A_135 = arith.constant 0 : i32
        %dma_start3A_136 = tpu.memref_slice %arg13[%dma_start3A_134, %dma_start3A_135] : memref<10128x64xf32, #tpu.memory_space<vmem_shared>> -> memref<80x64xf32, #tpu.memory_space<vmem_shared>>
        %dma_start3A_137 = arith.constant 9480 : i32
        %dma_start3A_138 = arith.constant 0 : i32
        %dma_start3A_139 = tpu.memref_slice %arg13[%dma_start3A_137, %dma_start3A_138] : memref<10128x64xf32, #tpu.memory_space<vmem_shared>> -> memref<80x64xf32, #tpu.memory_space<vmem_shared>>
        tpu.enqueue_dma source(%arg8 : memref<80x64xf32, #tpu.memory_space<vmem>>) target(%dma_start3A_139 : memref<80x64xf32, #tpu.memory_space<vmem_shared>>) target_semaphore(%run_scoped3A_133 : memref<!tpu.dma_semaphore, #tpu.memory_space<semaphore_mem>>)
        %dma_wait3A_140 = arith.constant 9480 : i32
        %dma_wait3A_141 = arith.constant 0 : i32
        %dma_wait3A_142 = tpu.memref_slice %arg13[%dma_wait3A_140, %dma_wait3A_141] : memref<10128x64xf32, #tpu.memory_space<vmem_shared>> -> memref<80x64xf32, #tpu.memory_space<vmem_shared>>
        %dma_wait3A_143 = arith.constant 9480 : i32
        %dma_wait3A_144 = arith.constant 0 : i32
        %dma_wait3A_145 = tpu.memref_slice %arg13[%dma_wait3A_143, %dma_wait3A_144] : memref<10128x64xf32, #tpu.memory_space<vmem_shared>> -> memref<80x64xf32, #tpu.memory_space<vmem_shared>>
        tpu.wait_dma2 semaphore(%run_scoped3A_133 : memref<!tpu.dma_semaphore, #tpu.memory_space<semaphore_mem>>) src(%arg8 : memref<80x64xf32, #tpu.memory_space<vmem>>) dst(%dma_wait3A_145 : memref<80x64xf32, #tpu.memory_space<vmem_shared>>)
        tpu.yield
      }) : () -> ()
      "tpu.region"() ({
        %run_scoped3A_133 = tpu.sem_alloc : memref<!tpu.dma_semaphore, #tpu.memory_space<semaphore_mem>>
        %dma_start3A_134 = arith.constant 9560 : i32
        %dma_start3A_135 = arith.constant 0 : i32
        %dma_start3A_136 = tpu.memref_slice %arg13[%dma_start3A_134, %dma_start3A_135] : memref<10128x64xf32, #tpu.memory_space<vmem_shared>> -> memref<80x64xf32, #tpu.memory_space<vmem_shared>>
        %dma_start3A_137 = arith.constant 9560 : i32
        %dma_start3A_138 = arith.constant 0 : i32
        %dma_start3A_139 = tpu.memref_slice %arg13[%dma_start3A_137, %dma_start3A_138] : memref<10128x64xf32, #tpu.memory_space<vmem_shared>> -> memref<80x64xf32, #tpu.memory_space<vmem_shared>>
        tpu.enqueue_dma source(%arg8 : memref<80x64xf32, #tpu.memory_space<vmem>>) target(%dma_start3A_139 : memref<80x64xf32, #tpu.memory_space<vmem_shared>>) target_semaphore(%run_scoped3A_133 : memref<!tpu.dma_semaphore, #tpu.memory_space<semaphore_mem>>)
        %dma_wait3A_140 = arith.constant 9560 : i32
        %dma_wait3A_141 = arith.constant 0 : i32
        %dma_wait3A_142 = tpu.memref_slice %arg13[%dma_wait3A_140, %dma_wait3A_141] : memref<10128x64xf32, #tpu.memory_space<vmem_shared>> -> memref<80x64xf32, #tpu.memory_space<vmem_shared>>
        %dma_wait3A_143 = arith.constant 9560 : i32
        %dma_wait3A_144 = arith.constant 0 : i32
        %dma_wait3A_145 = tpu.memref_slice %arg13[%dma_wait3A_143, %dma_wait3A_144] : memref<10128x64xf32, #tpu.memory_space<vmem_shared>> -> memref<80x64xf32, #tpu.memory_space<vmem_shared>>
        tpu.wait_dma2 semaphore(%run_scoped3A_133 : memref<!tpu.dma_semaphore, #tpu.memory_space<semaphore_mem>>) src(%arg8 : memref<80x64xf32, #tpu.memory_space<vmem>>) dst(%dma_wait3A_145 : memref<80x64xf32, #tpu.memory_space<vmem_shared>>)
        tpu.yield
      }) : () -> ()
      "tpu.region"() ({
        %run_scoped3A_133 = tpu.sem_alloc : memref<!tpu.dma_semaphore, #tpu.memory_space<semaphore_mem>>
        %dma_start3A_134 = arith.constant 9640 : i32
        %dma_start3A_135 = arith.constant 0 : i32
        %dma_start3A_136 = tpu.memref_slice %arg13[%dma_start3A_134, %dma_start3A_135] : memref<10128x64xf32, #tpu.memory_space<vmem_shared>> -> memref<80x64xf32, #tpu.memory_space<vmem_shared>>
        %dma_start3A_137 = arith.constant 9640 : i32
        %dma_start3A_138 = arith.constant 0 : i32
        %dma_start3A_139 = tpu.memref_slice %arg13[%dma_start3A_137, %dma_start3A_138] : memref<10128x64xf32, #tpu.memory_space<vmem_shared>> -> memref<80x64xf32, #tpu.memory_space<vmem_shared>>
        tpu.enqueue_dma source(%arg8 : memref<80x64xf32, #tpu.memory_space<vmem>>) target(%dma_start3A_139 : memref<80x64xf32, #tpu.memory_space<vmem_shared>>) target_semaphore(%run_scoped3A_133 : memref<!tpu.dma_semaphore, #tpu.memory_space<semaphore_mem>>)
        %dma_wait3A_140 = arith.constant 9640 : i32
        %dma_wait3A_141 = arith.constant 0 : i32
        %dma_wait3A_142 = tpu.memref_slice %arg13[%dma_wait3A_140, %dma_wait3A_141] : memref<10128x64xf32, #tpu.memory_space<vmem_shared>> -> memref<80x64xf32, #tpu.memory_space<vmem_shared>>
        %dma_wait3A_143 = arith.constant 9640 : i32
        %dma_wait3A_144 = arith.constant 0 : i32
        %dma_wait3A_145 = tpu.memref_slice %arg13[%dma_wait3A_143, %dma_wait3A_144] : memref<10128x64xf32, #tpu.memory_space<vmem_shared>> -> memref<80x64xf32, #tpu.memory_space<vmem_shared>>
        tpu.wait_dma2 semaphore(%run_scoped3A_133 : memref<!tpu.dma_semaphore, #tpu.memory_space<semaphore_mem>>) src(%arg8 : memref<80x64xf32, #tpu.memory_space<vmem>>) dst(%dma_wait3A_145 : memref<80x64xf32, #tpu.memory_space<vmem_shared>>)
        tpu.yield
      }) : () -> ()
      "tpu.region"() ({
        %run_scoped3A_133 = tpu.sem_alloc : memref<!tpu.dma_semaphore, #tpu.memory_space<semaphore_mem>>
        %dma_start3A_134 = arith.constant 9720 : i32
        %dma_start3A_135 = arith.constant 0 : i32
        %dma_start3A_136 = tpu.memref_slice %arg13[%dma_start3A_134, %dma_start3A_135] : memref<10128x64xf32, #tpu.memory_space<vmem_shared>> -> memref<80x64xf32, #tpu.memory_space<vmem_shared>>
        %dma_start3A_137 = arith.constant 9720 : i32
        %dma_start3A_138 = arith.constant 0 : i32
        %dma_start3A_139 = tpu.memref_slice %arg13[%dma_start3A_137, %dma_start3A_138] : memref<10128x64xf32, #tpu.memory_space<vmem_shared>> -> memref<80x64xf32, #tpu.memory_space<vmem_shared>>
        tpu.enqueue_dma source(%arg8 : memref<80x64xf32, #tpu.memory_space<vmem>>) target(%dma_start3A_139 : memref<80x64xf32, #tpu.memory_space<vmem_shared>>) target_semaphore(%run_scoped3A_133 : memref<!tpu.dma_semaphore, #tpu.memory_space<semaphore_mem>>)
        %dma_wait3A_140 = arith.constant 9720 : i32
        %dma_wait3A_141 = arith.constant 0 : i32
        %dma_wait3A_142 = tpu.memref_slice %arg13[%dma_wait3A_140, %dma_wait3A_141] : memref<10128x64xf32, #tpu.memory_space<vmem_shared>> -> memref<80x64xf32, #tpu.memory_space<vmem_shared>>
        %dma_wait3A_143 = arith.constant 9720 : i32
        %dma_wait3A_144 = arith.constant 0 : i32
        %dma_wait3A_145 = tpu.memref_slice %arg13[%dma_wait3A_143, %dma_wait3A_144] : memref<10128x64xf32, #tpu.memory_space<vmem_shared>> -> memref<80x64xf32, #tpu.memory_space<vmem_shared>>
        tpu.wait_dma2 semaphore(%run_scoped3A_133 : memref<!tpu.dma_semaphore, #tpu.memory_space<semaphore_mem>>) src(%arg8 : memref<80x64xf32, #tpu.memory_space<vmem>>) dst(%dma_wait3A_145 : memref<80x64xf32, #tpu.memory_space<vmem_shared>>)
        tpu.yield
      }) : () -> ()
      "tpu.region"() ({
        %run_scoped3A_133 = tpu.sem_alloc : memref<!tpu.dma_semaphore, #tpu.memory_space<semaphore_mem>>
        %dma_start3A_134 = arith.constant 9800 : i32
        %dma_start3A_135 = arith.constant 0 : i32
        %dma_start3A_136 = tpu.memref_slice %arg13[%dma_start3A_134, %dma_start3A_135] : memref<10128x64xf32, #tpu.memory_space<vmem_shared>> -> memref<80x64xf32, #tpu.memory_space<vmem_shared>>
        %dma_start3A_137 = arith.constant 9800 : i32
        %dma_start3A_138 = arith.constant 0 : i32
        %dma_start3A_139 = tpu.memref_slice %arg13[%dma_start3A_137, %dma_start3A_138] : memref<10128x64xf32, #tpu.memory_space<vmem_shared>> -> memref<80x64xf32, #tpu.memory_space<vmem_shared>>
        tpu.enqueue_dma source(%arg8 : memref<80x64xf32, #tpu.memory_space<vmem>>) target(%dma_start3A_139 : memref<80x64xf32, #tpu.memory_space<vmem_shared>>) target_semaphore(%run_scoped3A_133 : memref<!tpu.dma_semaphore, #tpu.memory_space<semaphore_mem>>)
        %dma_wait3A_140 = arith.constant 9800 : i32
        %dma_wait3A_141 = arith.constant 0 : i32
        %dma_wait3A_142 = tpu.memref_slice %arg13[%dma_wait3A_140, %dma_wait3A_141] : memref<10128x64xf32, #tpu.memory_space<vmem_shared>> -> memref<80x64xf32, #tpu.memory_space<vmem_shared>>
        %dma_wait3A_143 = arith.constant 9800 : i32
        %dma_wait3A_144 = arith.constant 0 : i32
        %dma_wait3A_145 = tpu.memref_slice %arg13[%dma_wait3A_143, %dma_wait3A_144] : memref<10128x64xf32, #tpu.memory_space<vmem_shared>> -> memref<80x64xf32, #tpu.memory_space<vmem_shared>>
        tpu.wait_dma2 semaphore(%run_scoped3A_133 : memref<!tpu.dma_semaphore, #tpu.memory_space<semaphore_mem>>) src(%arg8 : memref<80x64xf32, #tpu.memory_space<vmem>>) dst(%dma_wait3A_145 : memref<80x64xf32, #tpu.memory_space<vmem_shared>>)
        tpu.yield
      }) : () -> ()
      "tpu.region"() ({
        %run_scoped3A_133 = tpu.sem_alloc : memref<!tpu.dma_semaphore, #tpu.memory_space<semaphore_mem>>
        %dma_start3A_134 = arith.constant 9880 : i32
        %dma_start3A_135 = arith.constant 0 : i32
        %dma_start3A_136 = tpu.memref_slice %arg13[%dma_start3A_134, %dma_start3A_135] : memref<10128x64xf32, #tpu.memory_space<vmem_shared>> -> memref<80x64xf32, #tpu.memory_space<vmem_shared>>
        %dma_start3A_137 = arith.constant 9880 : i32
        %dma_start3A_138 = arith.constant 0 : i32
        %dma_start3A_139 = tpu.memref_slice %arg13[%dma_start3A_137, %dma_start3A_138] : memref<10128x64xf32, #tpu.memory_space<vmem_shared>> -> memref<80x64xf32, #tpu.memory_space<vmem_shared>>
        tpu.enqueue_dma source(%arg8 : memref<80x64xf32, #tpu.memory_space<vmem>>) target(%dma_start3A_139 : memref<80x64xf32, #tpu.memory_space<vmem_shared>>) target_semaphore(%run_scoped3A_133 : memref<!tpu.dma_semaphore, #tpu.memory_space<semaphore_mem>>)
        %dma_wait3A_140 = arith.constant 9880 : i32
        %dma_wait3A_141 = arith.constant 0 : i32
        %dma_wait3A_142 = tpu.memref_slice %arg13[%dma_wait3A_140, %dma_wait3A_141] : memref<10128x64xf32, #tpu.memory_space<vmem_shared>> -> memref<80x64xf32, #tpu.memory_space<vmem_shared>>
        %dma_wait3A_143 = arith.constant 9880 : i32
        %dma_wait3A_144 = arith.constant 0 : i32
        %dma_wait3A_145 = tpu.memref_slice %arg13[%dma_wait3A_143, %dma_wait3A_144] : memref<10128x64xf32, #tpu.memory_space<vmem_shared>> -> memref<80x64xf32, #tpu.memory_space<vmem_shared>>
        tpu.wait_dma2 semaphore(%run_scoped3A_133 : memref<!tpu.dma_semaphore, #tpu.memory_space<semaphore_mem>>) src(%arg8 : memref<80x64xf32, #tpu.memory_space<vmem>>) dst(%dma_wait3A_145 : memref<80x64xf32, #tpu.memory_space<vmem_shared>>)
        tpu.yield
      }) : () -> ()
      "tpu.region"() ({
        %run_scoped3A_133 = tpu.sem_alloc : memref<!tpu.dma_semaphore, #tpu.memory_space<semaphore_mem>>
        %dma_start3A_134 = arith.constant 0 : i32
        %dma_start3A_135 = arith.constant 0 : i32
        %dma_start3A_136 = tpu.memref_slice %arg8[%dma_start3A_134, %dma_start3A_135] : memref<80x64xf32, #tpu.memory_space<vmem>> -> memref<40x64xf32, #tpu.memory_space<vmem>>
        %dma_start3A_137 = arith.constant 9960 : i32
        %dma_start3A_138 = arith.constant 0 : i32
        %dma_start3A_139 = tpu.memref_slice %arg13[%dma_start3A_137, %dma_start3A_138] : memref<10128x64xf32, #tpu.memory_space<vmem_shared>> -> memref<40x64xf32, #tpu.memory_space<vmem_shared>>
        %dma_start3A_140 = arith.constant 9960 : i32
        %dma_start3A_141 = arith.constant 0 : i32
        %dma_start3A_142 = tpu.memref_slice %arg13[%dma_start3A_140, %dma_start3A_141] : memref<10128x64xf32, #tpu.memory_space<vmem_shared>> -> memref<40x64xf32, #tpu.memory_space<vmem_shared>>
        %dma_start3A_143 = arith.constant 0 : i32
        %dma_start3A_144 = arith.constant 0 : i32
        %dma_start3A_145 = tpu.memref_slice %arg8[%dma_start3A_143, %dma_start3A_144] : memref<80x64xf32, #tpu.memory_space<vmem>> -> memref<40x64xf32, #tpu.memory_space<vmem>>
        tpu.enqueue_dma source(%dma_start3A_145 : memref<40x64xf32, #tpu.memory_space<vmem>>) target(%dma_start3A_142 : memref<40x64xf32, #tpu.memory_space<vmem_shared>>) target_semaphore(%run_scoped3A_133 : memref<!tpu.dma_semaphore, #tpu.memory_space<semaphore_mem>>)
        %dma_wait3A_146 = arith.constant 0 : i32
        %dma_wait3A_147 = arith.constant 0 : i32
        %dma_wait3A_148 = tpu.memref_slice %arg8[%dma_wait3A_146, %dma_wait3A_147] : memref<80x64xf32, #tpu.memory_space<vmem>> -> memref<40x64xf32, #tpu.memory_space<vmem>>
        %dma_wait3A_149 = arith.constant 9960 : i32
        %dma_wait3A_150 = arith.constant 0 : i32
        %dma_wait3A_151 = tpu.memref_slice %arg13[%dma_wait3A_149, %dma_wait3A_150] : memref<10128x64xf32, #tpu.memory_space<vmem_shared>> -> memref<40x64xf32, #tpu.memory_space<vmem_shared>>
        %dma_wait3A_152 = arith.constant 9960 : i32
        %dma_wait3A_153 = arith.constant 0 : i32
        %dma_wait3A_154 = tpu.memref_slice %arg13[%dma_wait3A_152, %dma_wait3A_153] : memref<10128x64xf32, #tpu.memory_space<vmem_shared>> -> memref<40x64xf32, #tpu.memory_space<vmem_shared>>
        %dma_wait3A_155 = arith.constant 0 : i32
        %dma_wait3A_156 = arith.constant 0 : i32
        %dma_wait3A_157 = tpu.memref_slice %arg8[%dma_wait3A_155, %dma_wait3A_156] : memref<80x64xf32, #tpu.memory_space<vmem>> -> memref<40x64xf32, #tpu.memory_space<vmem>>
        tpu.wait_dma2 semaphore(%run_scoped3A_133 : memref<!tpu.dma_semaphore, #tpu.memory_space<semaphore_mem>>) src(%dma_wait3A_157 : memref<40x64xf32, #tpu.memory_space<vmem>>) dst(%dma_wait3A_154 : memref<40x64xf32, #tpu.memory_space<vmem_shared>>)
        tpu.yield
      }) : () -> ()
    } else {
    }
    %dma_wait3A = arith.constant 0 : i32
    %dma_wait3A_27 = arith.constant 0 : i32
    %dma_wait3A_28 = tpu.memref_slice %arg3[%add3A, %dma_wait3A, %dma_wait3A_27] : memref<32x125x80xi32, #tpu.memory_space<hbm>> -> memref<1x125x80xi32, #tpu.memory_space<hbm>>
    %dma_wait3A_29 = tpu.memref_squeeze %dma_wait3A_28 : memref<1x125x80xi32, #tpu.memory_space<hbm>> -> memref<125x80xi32, #tpu.memory_space<hbm>>
    %dma_wait3A_30 = arith.constant 0 : i32
    %dma_wait3A_31 = arith.constant 0 : i32
    %dma_wait3A_32 = tpu.memref_slice %arg3[%add3A, %dma_wait3A_30, %dma_wait3A_31] : memref<32x125x80xi32, #tpu.memory_space<hbm>> -> memref<1x125x80xi32, #tpu.memory_space<hbm>>
    %dma_wait3A_33 = tpu.memref_squeeze %dma_wait3A_32 : memref<1x125x80xi32, #tpu.memory_space<hbm>> -> memref<125x80xi32, #tpu.memory_space<hbm>>
    tpu.wait_dma2 semaphore(%arg14 : memref<!tpu.dma_semaphore, #tpu.memory_space<semaphore_mem>>) src(%dma_wait3A_33 : memref<125x80xi32, #tpu.memory_space<hbm>>) dst(%arg6 : memref<125x80xi32, #tpu.memory_space<vmem>>)
    %dma_wait3A_34 = arith.constant 0 : i32
    %dma_wait3A_35 = arith.constant 0 : i32
    %dma_wait3A_36 = tpu.memref_slice %arg4[%add3A, %dma_wait3A_34, %dma_wait3A_35] : memref<32x125x80xi32, #tpu.memory_space<hbm>> -> memref<1x125x80xi32, #tpu.memory_space<hbm>>
    %dma_wait3A_37 = tpu.memref_squeeze %dma_wait3A_36 : memref<1x125x80xi32, #tpu.memory_space<hbm>> -> memref<125x80xi32, #tpu.memory_space<hbm>>
    %dma_wait3A_38 = arith.constant 0 : i32
    %dma_wait3A_39 = arith.constant 0 : i32
    %dma_wait3A_40 = tpu.memref_slice %arg4[%add3A, %dma_wait3A_38, %dma_wait3A_39] : memref<32x125x80xi32, #tpu.memory_space<hbm>> -> memref<1x125x80xi32, #tpu.memory_space<hbm>>
    %dma_wait3A_41 = tpu.memref_squeeze %dma_wait3A_40 : memref<1x125x80xi32, #tpu.memory_space<hbm>> -> memref<125x80xi32, #tpu.memory_space<hbm>>
    tpu.wait_dma2 semaphore(%arg15 : memref<!tpu.dma_semaphore, #tpu.memory_space<semaphore_mem>>) src(%dma_wait3A_41 : memref<125x80xi32, #tpu.memory_space<hbm>>) dst(%arg7 : memref<125x80xi32, #tpu.memory_space<vmem>>)
    %barrier3A = arith.constant 0 : index
    tpu.barrier barrier_id(%barrier3A)
    %dma_start3A_42 = arith.constant 0 : i32
    %dma_start3A_43 = arith.constant 0 : i32
    %dma_start3A_44 = tpu.memref_slice %arg6[%dma_start3A_42, %dma_start3A_43] : memref<125x80xi32, #tpu.memory_space<vmem>> -> memref<1x80xi32, #tpu.memory_space<vmem>>
    %dma_start3A_45 = tpu.memref_squeeze %dma_start3A_44 : memref<1x80xi32, #tpu.memory_space<vmem>> -> memref<80xi32, #tpu.memory_space<vmem>>
    %dma_start3A_46 = arith.constant 0 : i32
    %dma_start3A_47 = arith.constant 0 : i32
    %dma_start3A_48 = tpu.memref_slice %arg2[%dma_start3A_46, %dma_start3A_47] : memref<10000x64xf32, #tpu.memory_space<hbm>> -> memref<10000x64xf32, #tpu.memory_space<hbm>>
    tpu.enqueue_indirect_dma source(%dma_start3A_48 : memref<10000x64xf32, #tpu.memory_space<hbm>>) target(%arg8 : memref<80x64xf32, #tpu.memory_space<vmem>>) offsets(%dma_start3A_45 : memref<80xi32, #tpu.memory_space<vmem>>) semaphore(%arg14 : memref<!tpu.dma_semaphore, #tpu.memory_space<semaphore_mem>>)
    %dma_start3A_49 = arith.constant 1 : i32
    %dma_start3A_50 = arith.constant 0 : i32
    %dma_start3A_51 = tpu.memref_slice %arg6[%dma_start3A_49, %dma_start3A_50] : memref<125x80xi32, #tpu.memory_space<vmem>> -> memref<1x80xi32, #tpu.memory_space<vmem>>
    %dma_start3A_52 = tpu.memref_squeeze %dma_start3A_51 : memref<1x80xi32, #tpu.memory_space<vmem>> -> memref<80xi32, #tpu.memory_space<vmem>>
    %dma_start3A_53 = arith.constant 0 : i32
    %dma_start3A_54 = arith.constant 0 : i32
    %dma_start3A_55 = tpu.memref_slice %arg2[%dma_start3A_53, %dma_start3A_54] : memref<10000x64xf32, #tpu.memory_space<hbm>> -> memref<10000x64xf32, #tpu.memory_space<hbm>>
    tpu.enqueue_indirect_dma source(%dma_start3A_55 : memref<10000x64xf32, #tpu.memory_space<hbm>>) target(%arg9 : memref<80x64xf32, #tpu.memory_space<vmem>>) offsets(%dma_start3A_52 : memref<80xi32, #tpu.memory_space<vmem>>) semaphore(%arg15 : memref<!tpu.dma_semaphore, #tpu.memory_space<semaphore_mem>>)
    %dma_start3A_56 = arith.constant 2 : i32
    %dma_start3A_57 = arith.constant 0 : i32
    %dma_start3A_58 = tpu.memref_slice %arg6[%dma_start3A_56, %dma_start3A_57] : memref<125x80xi32, #tpu.memory_space<vmem>> -> memref<1x80xi32, #tpu.memory_space<vmem>>
    %dma_start3A_59 = tpu.memref_squeeze %dma_start3A_58 : memref<1x80xi32, #tpu.memory_space<vmem>> -> memref<80xi32, #tpu.memory_space<vmem>>
    %dma_start3A_60 = arith.constant 0 : i32
    %dma_start3A_61 = arith.constant 0 : i32
    %dma_start3A_62 = tpu.memref_slice %arg2[%dma_start3A_60, %dma_start3A_61] : memref<10000x64xf32, #tpu.memory_space<hbm>> -> memref<10000x64xf32, #tpu.memory_space<hbm>>
    tpu.enqueue_indirect_dma source(%dma_start3A_62 : memref<10000x64xf32, #tpu.memory_space<hbm>>) target(%arg10 : memref<80x64xf32, #tpu.memory_space<vmem>>) offsets(%dma_start3A_59 : memref<80xi32, #tpu.memory_space<vmem>>) semaphore(%arg16 : memref<!tpu.dma_semaphore, #tpu.memory_space<semaphore_mem>>)
    %dma_start3A_63 = arith.constant 3 : i32
    %dma_start3A_64 = arith.constant 0 : i32
    %dma_start3A_65 = tpu.memref_slice %arg6[%dma_start3A_63, %dma_start3A_64] : memref<125x80xi32, #tpu.memory_space<vmem>> -> memref<1x80xi32, #tpu.memory_space<vmem>>
    %dma_start3A_66 = tpu.memref_squeeze %dma_start3A_65 : memref<1x80xi32, #tpu.memory_space<vmem>> -> memref<80xi32, #tpu.memory_space<vmem>>
    %dma_start3A_67 = arith.constant 0 : i32
    %dma_start3A_68 = arith.constant 0 : i32
    %dma_start3A_69 = tpu.memref_slice %arg2[%dma_start3A_67, %dma_start3A_68] : memref<10000x64xf32, #tpu.memory_space<hbm>> -> memref<10000x64xf32, #tpu.memory_space<hbm>>
    tpu.enqueue_indirect_dma source(%dma_start3A_69 : memref<10000x64xf32, #tpu.memory_space<hbm>>) target(%arg11 : memref<80x64xf32, #tpu.memory_space<vmem>>) offsets(%dma_start3A_66 : memref<80xi32, #tpu.memory_space<vmem>>) semaphore(%arg17 : memref<!tpu.dma_semaphore, #tpu.memory_space<semaphore_mem>>)
    %dma_start3A_70 = arith.constant 4 : i32
    %dma_start3A_71 = arith.constant 0 : i32
    %dma_start3A_72 = tpu.memref_slice %arg6[%dma_start3A_70, %dma_start3A_71] : memref<125x80xi32, #tpu.memory_space<vmem>> -> memref<1x80xi32, #tpu.memory_space<vmem>>
    %dma_start3A_73 = tpu.memref_squeeze %dma_start3A_72 : memref<1x80xi32, #tpu.memory_space<vmem>> -> memref<80xi32, #tpu.memory_space<vmem>>
    %dma_start3A_74 = arith.constant 0 : i32
    %dma_start3A_75 = arith.constant 0 : i32
    %dma_start3A_76 = tpu.memref_slice %arg2[%dma_start3A_74, %dma_start3A_75] : memref<10000x64xf32, #tpu.memory_space<hbm>> -> memref<10000x64xf32, #tpu.memory_space<hbm>>
    tpu.enqueue_indirect_dma source(%dma_start3A_76 : memref<10000x64xf32, #tpu.memory_space<hbm>>) target(%arg12 : memref<80x64xf32, #tpu.memory_space<vmem>>) offsets(%dma_start3A_73 : memref<80xi32, #tpu.memory_space<vmem>>) semaphore(%arg18 : memref<!tpu.dma_semaphore, #tpu.memory_space<semaphore_mem>>)
    %scan3A_77 = arith.constant 0 : i32
    %scan3A_78 = arith.constant 0 : i32
    %scan3A_79 = arith.constant 24 : i32
    %scan3A_80 = arith.addi %scan3A_78, %scan3A_79 : i32
    %scan3A_81 = arith.constant 1 : i32
    scf.for %scan3A_133 = %scan3A_78 to %scan3A_80 step %scan3A_81  : i32 {
      %mul3A_134 = arith.constant 5 : i32
      %mul3A_135 = arith.muli %scan3A_133, %mul3A_134 : i32
      %add3A_136 = arith.constant 0 : i32
      %add3A_137 = arith.addi %mul3A_135, %add3A_136 : i32
      %dma_wait3A_138 = arith.constant 0 : i32
      %dma_wait3A_139 = tpu.memref_slice %arg6[%add3A_137, %dma_wait3A_138] : memref<125x80xi32, #tpu.memory_space<vmem>> -> memref<1x80xi32, #tpu.memory_space<vmem>>
      %dma_wait3A_140 = tpu.memref_squeeze %dma_wait3A_139 : memref<1x80xi32, #tpu.memory_space<vmem>> -> memref<80xi32, #tpu.memory_space<vmem>>
      %dma_wait3A_141 = arith.constant 0 : i32
      %dma_wait3A_142 = arith.constant 0 : i32
      %dma_wait3A_143 = tpu.memref_slice %arg2[%dma_wait3A_141, %dma_wait3A_142] : memref<10000x64xf32, #tpu.memory_space<hbm>> -> memref<10000x64xf32, #tpu.memory_space<hbm>>
      tpu.wait_indirect_dma semaphore(%arg14 : memref<!tpu.dma_semaphore, #tpu.memory_space<semaphore_mem>>) src(%dma_wait3A_143 : memref<10000x64xf32, #tpu.memory_space<hbm>>) dst(%arg8 : memref<80x64xf32, #tpu.memory_space<vmem>>)
      "tpu.region"() ({
        %run_scoped3A_224 = tpu.sem_alloc : memref<!tpu.dma_semaphore, #tpu.memory_space<semaphore_mem>>
        %dma_start3A_225 = arith.constant 0 : i32
        %dma_start3A_226 = tpu.memref_slice %arg7[%add3A_137, %dma_start3A_225] : memref<125x80xi32, #tpu.memory_space<vmem>> -> memref<1x80xi32, #tpu.memory_space<vmem>>
        %dma_start3A_227 = tpu.memref_squeeze %dma_start3A_226 : memref<1x80xi32, #tpu.memory_space<vmem>> -> memref<80xi32, #tpu.memory_space<vmem>>
        %dma_start3A_228 = arith.constant 0 : i32
        %dma_start3A_229 = arith.constant 0 : i32
        %dma_start3A_230 = tpu.memref_slice %arg13[%dma_start3A_228, %dma_start3A_229] : memref<10128x64xf32, #tpu.memory_space<vmem_shared>> -> memref<10128x64xf32, #tpu.memory_space<vmem_shared>>
        tpu.enqueue_indirect_dma source(%arg8 : memref<80x64xf32, #tpu.memory_space<vmem>>) target(%dma_start3A_230 : memref<10128x64xf32, #tpu.memory_space<vmem_shared>>) offsets(%dma_start3A_227 : memref<80xi32, #tpu.memory_space<vmem>>) semaphore(%run_scoped3A_224 : memref<!tpu.dma_semaphore, #tpu.memory_space<semaphore_mem>>) {add = true}
        %dma_wait3A_231 = arith.constant 0 : i32
        %dma_wait3A_232 = tpu.memref_slice %arg7[%add3A_137, %dma_wait3A_231] : memref<125x80xi32, #tpu.memory_space<vmem>> -> memref<1x80xi32, #tpu.memory_space<vmem>>
        %dma_wait3A_233 = tpu.memref_squeeze %dma_wait3A_232 : memref<1x80xi32, #tpu.memory_space<vmem>> -> memref<80xi32, #tpu.memory_space<vmem>>
        %dma_wait3A_234 = arith.constant 0 : i32
        %dma_wait3A_235 = arith.constant 0 : i32
        %dma_wait3A_236 = tpu.memref_slice %arg13[%dma_wait3A_234, %dma_wait3A_235] : memref<10128x64xf32, #tpu.memory_space<vmem_shared>> -> memref<10128x64xf32, #tpu.memory_space<vmem_shared>>
        tpu.wait_indirect_dma semaphore(%run_scoped3A_224 : memref<!tpu.dma_semaphore, #tpu.memory_space<semaphore_mem>>) src(%arg8 : memref<80x64xf32, #tpu.memory_space<vmem>>) dst(%dma_wait3A_236 : memref<10128x64xf32, #tpu.memory_space<vmem_shared>>)
        tpu.yield
      }) : () -> ()
      %add3A_144 = arith.constant 5 : i32
      %add3A_145 = arith.addi %add3A_137, %add3A_144 : i32
      %dma_start3A_146 = arith.constant 0 : i32
      %dma_start3A_147 = tpu.memref_slice %arg6[%add3A_145, %dma_start3A_146] : memref<125x80xi32, #tpu.memory_space<vmem>> -> memref<1x80xi32, #tpu.memory_space<vmem>>
      %dma_start3A_148 = tpu.memref_squeeze %dma_start3A_147 : memref<1x80xi32, #tpu.memory_space<vmem>> -> memref<80xi32, #tpu.memory_space<vmem>>
      %dma_start3A_149 = arith.constant 0 : i32
      %dma_start3A_150 = arith.constant 0 : i32
      %dma_start3A_151 = tpu.memref_slice %arg2[%dma_start3A_149, %dma_start3A_150] : memref<10000x64xf32, #tpu.memory_space<hbm>> -> memref<10000x64xf32, #tpu.memory_space<hbm>>
      tpu.enqueue_indirect_dma source(%dma_start3A_151 : memref<10000x64xf32, #tpu.memory_space<hbm>>) target(%arg8 : memref<80x64xf32, #tpu.memory_space<vmem>>) offsets(%dma_start3A_148 : memref<80xi32, #tpu.memory_space<vmem>>) semaphore(%arg14 : memref<!tpu.dma_semaphore, #tpu.memory_space<semaphore_mem>>)
      %mul3A_152 = arith.constant 5 : i32
      %mul3A_153 = arith.muli %scan3A_133, %mul3A_152 : i32
      %add3A_154 = arith.constant 1 : i32
      %add3A_155 = arith.addi %mul3A_153, %add3A_154 : i32
      %dma_wait3A_156 = arith.constant 0 : i32
      %dma_wait3A_157 = tpu.memref_slice %arg6[%add3A_155, %dma_wait3A_156] : memref<125x80xi32, #tpu.memory_space<vmem>> -> memref<1x80xi32, #tpu.memory_space<vmem>>
      %dma_wait3A_158 = tpu.memref_squeeze %dma_wait3A_157 : memref<1x80xi32, #tpu.memory_space<vmem>> -> memref<80xi32, #tpu.memory_space<vmem>>
      %dma_wait3A_159 = arith.constant 0 : i32
      %dma_wait3A_160 = arith.constant 0 : i32
      %dma_wait3A_161 = tpu.memref_slice %arg2[%dma_wait3A_159, %dma_wait3A_160] : memref<10000x64xf32, #tpu.memory_space<hbm>> -> memref<10000x64xf32, #tpu.memory_space<hbm>>
      tpu.wait_indirect_dma semaphore(%arg15 : memref<!tpu.dma_semaphore, #tpu.memory_space<semaphore_mem>>) src(%dma_wait3A_161 : memref<10000x64xf32, #tpu.memory_space<hbm>>) dst(%arg9 : memref<80x64xf32, #tpu.memory_space<vmem>>)
      "tpu.region"() ({
        %run_scoped3A_224 = tpu.sem_alloc : memref<!tpu.dma_semaphore, #tpu.memory_space<semaphore_mem>>
        %dma_start3A_225 = arith.constant 0 : i32
        %dma_start3A_226 = tpu.memref_slice %arg7[%add3A_155, %dma_start3A_225] : memref<125x80xi32, #tpu.memory_space<vmem>> -> memref<1x80xi32, #tpu.memory_space<vmem>>
        %dma_start3A_227 = tpu.memref_squeeze %dma_start3A_226 : memref<1x80xi32, #tpu.memory_space<vmem>> -> memref<80xi32, #tpu.memory_space<vmem>>
        %dma_start3A_228 = arith.constant 0 : i32
        %dma_start3A_229 = arith.constant 0 : i32
        %dma_start3A_230 = tpu.memref_slice %arg13[%dma_start3A_228, %dma_start3A_229] : memref<10128x64xf32, #tpu.memory_space<vmem_shared>> -> memref<10128x64xf32, #tpu.memory_space<vmem_shared>>
        tpu.enqueue_indirect_dma source(%arg9 : memref<80x64xf32, #tpu.memory_space<vmem>>) target(%dma_start3A_230 : memref<10128x64xf32, #tpu.memory_space<vmem_shared>>) offsets(%dma_start3A_227 : memref<80xi32, #tpu.memory_space<vmem>>) semaphore(%run_scoped3A_224 : memref<!tpu.dma_semaphore, #tpu.memory_space<semaphore_mem>>) {add = true}
        %dma_wait3A_231 = arith.constant 0 : i32
        %dma_wait3A_232 = tpu.memref_slice %arg7[%add3A_155, %dma_wait3A_231] : memref<125x80xi32, #tpu.memory_space<vmem>> -> memref<1x80xi32, #tpu.memory_space<vmem>>
        %dma_wait3A_233 = tpu.memref_squeeze %dma_wait3A_232 : memref<1x80xi32, #tpu.memory_space<vmem>> -> memref<80xi32, #tpu.memory_space<vmem>>
        %dma_wait3A_234 = arith.constant 0 : i32
        %dma_wait3A_235 = arith.constant 0 : i32
        %dma_wait3A_236 = tpu.memref_slice %arg13[%dma_wait3A_234, %dma_wait3A_235] : memref<10128x64xf32, #tpu.memory_space<vmem_shared>> -> memref<10128x64xf32, #tpu.memory_space<vmem_shared>>
        tpu.wait_indirect_dma semaphore(%run_scoped3A_224 : memref<!tpu.dma_semaphore, #tpu.memory_space<semaphore_mem>>) src(%arg9 : memref<80x64xf32, #tpu.memory_space<vmem>>) dst(%dma_wait3A_236 : memref<10128x64xf32, #tpu.memory_space<vmem_shared>>)
        tpu.yield
      }) : () -> ()
      %add3A_162 = arith.constant 5 : i32
      %add3A_163 = arith.addi %add3A_155, %add3A_162 : i32
      %dma_start3A_164 = arith.constant 0 : i32
      %dma_start3A_165 = tpu.memref_slice %arg6[%add3A_163, %dma_start3A_164] : memref<125x80xi32, #tpu.memory_space<vmem>> -> memref<1x80xi32, #tpu.memory_space<vmem>>
      %dma_start3A_166 = tpu.memref_squeeze %dma_start3A_165 : memref<1x80xi32, #tpu.memory_space<vmem>> -> memref<80xi32, #tpu.memory_space<vmem>>
      %dma_start3A_167 = arith.constant 0 : i32
      %dma_start3A_168 = arith.constant 0 : i32
      %dma_start3A_169 = tpu.memref_slice %arg2[%dma_start3A_167, %dma_start3A_168] : memref<10000x64xf32, #tpu.memory_space<hbm>> -> memref<10000x64xf32, #tpu.memory_space<hbm>>
      tpu.enqueue_indirect_dma source(%dma_start3A_169 : memref<10000x64xf32, #tpu.memory_space<hbm>>) target(%arg9 : memref<80x64xf32, #tpu.memory_space<vmem>>) offsets(%dma_start3A_166 : memref<80xi32, #tpu.memory_space<vmem>>) semaphore(%arg15 : memref<!tpu.dma_semaphore, #tpu.memory_space<semaphore_mem>>)
      %mul3A_170 = arith.constant 5 : i32
      %mul3A_171 = arith.muli %scan3A_133, %mul3A_170 : i32
      %add3A_172 = arith.constant 2 : i32
      %add3A_173 = arith.addi %mul3A_171, %add3A_172 : i32
      %dma_wait3A_174 = arith.constant 0 : i32
      %dma_wait3A_175 = tpu.memref_slice %arg6[%add3A_173, %dma_wait3A_174] : memref<125x80xi32, #tpu.memory_space<vmem>> -> memref<1x80xi32, #tpu.memory_space<vmem>>
      %dma_wait3A_176 = tpu.memref_squeeze %dma_wait3A_175 : memref<1x80xi32, #tpu.memory_space<vmem>> -> memref<80xi32, #tpu.memory_space<vmem>>
      %dma_wait3A_177 = arith.constant 0 : i32
      %dma_wait3A_178 = arith.constant 0 : i32
      %dma_wait3A_179 = tpu.memref_slice %arg2[%dma_wait3A_177, %dma_wait3A_178] : memref<10000x64xf32, #tpu.memory_space<hbm>> -> memref<10000x64xf32, #tpu.memory_space<hbm>>
      tpu.wait_indirect_dma semaphore(%arg16 : memref<!tpu.dma_semaphore, #tpu.memory_space<semaphore_mem>>) src(%dma_wait3A_179 : memref<10000x64xf32, #tpu.memory_space<hbm>>) dst(%arg10 : memref<80x64xf32, #tpu.memory_space<vmem>>)
      "tpu.region"() ({
        %run_scoped3A_224 = tpu.sem_alloc : memref<!tpu.dma_semaphore, #tpu.memory_space<semaphore_mem>>
        %dma_start3A_225 = arith.constant 0 : i32
        %dma_start3A_226 = tpu.memref_slice %arg7[%add3A_173, %dma_start3A_225] : memref<125x80xi32, #tpu.memory_space<vmem>> -> memref<1x80xi32, #tpu.memory_space<vmem>>
        %dma_start3A_227 = tpu.memref_squeeze %dma_start3A_226 : memref<1x80xi32, #tpu.memory_space<vmem>> -> memref<80xi32, #tpu.memory_space<vmem>>
        %dma_start3A_228 = arith.constant 0 : i32
        %dma_start3A_229 = arith.constant 0 : i32
        %dma_start3A_230 = tpu.memref_slice %arg13[%dma_start3A_228, %dma_start3A_229] : memref<10128x64xf32, #tpu.memory_space<vmem_shared>> -> memref<10128x64xf32, #tpu.memory_space<vmem_shared>>
        tpu.enqueue_indirect_dma source(%arg10 : memref<80x64xf32, #tpu.memory_space<vmem>>) target(%dma_start3A_230 : memref<10128x64xf32, #tpu.memory_space<vmem_shared>>) offsets(%dma_start3A_227 : memref<80xi32, #tpu.memory_space<vmem>>) semaphore(%run_scoped3A_224 : memref<!tpu.dma_semaphore, #tpu.memory_space<semaphore_mem>>) {add = true}
        %dma_wait3A_231 = arith.constant 0 : i32
        %dma_wait3A_232 = tpu.memref_slice %arg7[%add3A_173, %dma_wait3A_231] : memref<125x80xi32, #tpu.memory_space<vmem>> -> memref<1x80xi32, #tpu.memory_space<vmem>>
        %dma_wait3A_233 = tpu.memref_squeeze %dma_wait3A_232 : memref<1x80xi32, #tpu.memory_space<vmem>> -> memref<80xi32, #tpu.memory_space<vmem>>
        %dma_wait3A_234 = arith.constant 0 : i32
        %dma_wait3A_235 = arith.constant 0 : i32
        %dma_wait3A_236 = tpu.memref_slice %arg13[%dma_wait3A_234, %dma_wait3A_235] : memref<10128x64xf32, #tpu.memory_space<vmem_shared>> -> memref<10128x64xf32, #tpu.memory_space<vmem_shared>>
        tpu.wait_indirect_dma semaphore(%run_scoped3A_224 : memref<!tpu.dma_semaphore, #tpu.memory_space<semaphore_mem>>) src(%arg10 : memref<80x64xf32, #tpu.memory_space<vmem>>) dst(%dma_wait3A_236 : memref<10128x64xf32, #tpu.memory_space<vmem_shared>>)
        tpu.yield
      }) : () -> ()
      %add3A_180 = arith.constant 5 : i32
      %add3A_181 = arith.addi %add3A_173, %add3A_180 : i32
      %dma_start3A_182 = arith.constant 0 : i32
      %dma_start3A_183 = tpu.memref_slice %arg6[%add3A_181, %dma_start3A_182] : memref<125x80xi32, #tpu.memory_space<vmem>> -> memref<1x80xi32, #tpu.memory_space<vmem>>
      %dma_start3A_184 = tpu.memref_squeeze %dma_start3A_183 : memref<1x80xi32, #tpu.memory_space<vmem>> -> memref<80xi32, #tpu.memory_space<vmem>>
      %dma_start3A_185 = arith.constant 0 : i32
      %dma_start3A_186 = arith.constant 0 : i32
      %dma_start3A_187 = tpu.memref_slice %arg2[%dma_start3A_185, %dma_start3A_186] : memref<10000x64xf32, #tpu.memory_space<hbm>> -> memref<10000x64xf32, #tpu.memory_space<hbm>>
      tpu.enqueue_indirect_dma source(%dma_start3A_187 : memref<10000x64xf32, #tpu.memory_space<hbm>>) target(%arg10 : memref<80x64xf32, #tpu.memory_space<vmem>>) offsets(%dma_start3A_184 : memref<80xi32, #tpu.memory_space<vmem>>) semaphore(%arg16 : memref<!tpu.dma_semaphore, #tpu.memory_space<semaphore_mem>>)
      %mul3A_188 = arith.constant 5 : i32
      %mul3A_189 = arith.muli %scan3A_133, %mul3A_188 : i32
      %add3A_190 = arith.constant 3 : i32
      %add3A_191 = arith.addi %mul3A_189, %add3A_190 : i32
      %dma_wait3A_192 = arith.constant 0 : i32
      %dma_wait3A_193 = tpu.memref_slice %arg6[%add3A_191, %dma_wait3A_192] : memref<125x80xi32, #tpu.memory_space<vmem>> -> memref<1x80xi32, #tpu.memory_space<vmem>>
      %dma_wait3A_194 = tpu.memref_squeeze %dma_wait3A_193 : memref<1x80xi32, #tpu.memory_space<vmem>> -> memref<80xi32, #tpu.memory_space<vmem>>
      %dma_wait3A_195 = arith.constant 0 : i32
      %dma_wait3A_196 = arith.constant 0 : i32
      %dma_wait3A_197 = tpu.memref_slice %arg2[%dma_wait3A_195, %dma_wait3A_196] : memref<10000x64xf32, #tpu.memory_space<hbm>> -> memref<10000x64xf32, #tpu.memory_space<hbm>>
      tpu.wait_indirect_dma semaphore(%arg17 : memref<!tpu.dma_semaphore, #tpu.memory_space<semaphore_mem>>) src(%dma_wait3A_197 : memref<10000x64xf32, #tpu.memory_space<hbm>>) dst(%arg11 : memref<80x64xf32, #tpu.memory_space<vmem>>)
      "tpu.region"() ({
        %run_scoped3A_224 = tpu.sem_alloc : memref<!tpu.dma_semaphore, #tpu.memory_space<semaphore_mem>>
        %dma_start3A_225 = arith.constant 0 : i32
        %dma_start3A_226 = tpu.memref_slice %arg7[%add3A_191, %dma_start3A_225] : memref<125x80xi32, #tpu.memory_space<vmem>> -> memref<1x80xi32, #tpu.memory_space<vmem>>
        %dma_start3A_227 = tpu.memref_squeeze %dma_start3A_226 : memref<1x80xi32, #tpu.memory_space<vmem>> -> memref<80xi32, #tpu.memory_space<vmem>>
        %dma_start3A_228 = arith.constant 0 : i32
        %dma_start3A_229 = arith.constant 0 : i32
        %dma_start3A_230 = tpu.memref_slice %arg13[%dma_start3A_228, %dma_start3A_229] : memref<10128x64xf32, #tpu.memory_space<vmem_shared>> -> memref<10128x64xf32, #tpu.memory_space<vmem_shared>>
        tpu.enqueue_indirect_dma source(%arg11 : memref<80x64xf32, #tpu.memory_space<vmem>>) target(%dma_start3A_230 : memref<10128x64xf32, #tpu.memory_space<vmem_shared>>) offsets(%dma_start3A_227 : memref<80xi32, #tpu.memory_space<vmem>>) semaphore(%run_scoped3A_224 : memref<!tpu.dma_semaphore, #tpu.memory_space<semaphore_mem>>) {add = true}
        %dma_wait3A_231 = arith.constant 0 : i32
        %dma_wait3A_232 = tpu.memref_slice %arg7[%add3A_191, %dma_wait3A_231] : memref<125x80xi32, #tpu.memory_space<vmem>> -> memref<1x80xi32, #tpu.memory_space<vmem>>
        %dma_wait3A_233 = tpu.memref_squeeze %dma_wait3A_232 : memref<1x80xi32, #tpu.memory_space<vmem>> -> memref<80xi32, #tpu.memory_space<vmem>>
        %dma_wait3A_234 = arith.constant 0 : i32
        %dma_wait3A_235 = arith.constant 0 : i32
        %dma_wait3A_236 = tpu.memref_slice %arg13[%dma_wait3A_234, %dma_wait3A_235] : memref<10128x64xf32, #tpu.memory_space<vmem_shared>> -> memref<10128x64xf32, #tpu.memory_space<vmem_shared>>
        tpu.wait_indirect_dma semaphore(%run_scoped3A_224 : memref<!tpu.dma_semaphore, #tpu.memory_space<semaphore_mem>>) src(%arg11 : memref<80x64xf32, #tpu.memory_space<vmem>>) dst(%dma_wait3A_236 : memref<10128x64xf32, #tpu.memory_space<vmem_shared>>)
        tpu.yield
      }) : () -> ()
      %add3A_198 = arith.constant 5 : i32
      %add3A_199 = arith.addi %add3A_191, %add3A_198 : i32
      %dma_start3A_200 = arith.constant 0 : i32
      %dma_start3A_201 = tpu.memref_slice %arg6[%add3A_199, %dma_start3A_200] : memref<125x80xi32, #tpu.memory_space<vmem>> -> memref<1x80xi32, #tpu.memory_space<vmem>>
      %dma_start3A_202 = tpu.memref_squeeze %dma_start3A_201 : memref<1x80xi32, #tpu.memory_space<vmem>> -> memref<80xi32, #tpu.memory_space<vmem>>
      %dma_start3A_203 = arith.constant 0 : i32
      %dma_start3A_204 = arith.constant 0 : i32
      %dma_start3A_205 = tpu.memref_slice %arg2[%dma_start3A_203, %dma_start3A_204] : memref<10000x64xf32, #tpu.memory_space<hbm>> -> memref<10000x64xf32, #tpu.memory_space<hbm>>
      tpu.enqueue_indirect_dma source(%dma_start3A_205 : memref<10000x64xf32, #tpu.memory_space<hbm>>) target(%arg11 : memref<80x64xf32, #tpu.memory_space<vmem>>) offsets(%dma_start3A_202 : memref<80xi32, #tpu.memory_space<vmem>>) semaphore(%arg17 : memref<!tpu.dma_semaphore, #tpu.memory_space<semaphore_mem>>)
      %mul3A_206 = arith.constant 5 : i32
      %mul3A_207 = arith.muli %scan3A_133, %mul3A_206 : i32
      %add3A_208 = arith.constant 4 : i32
      %add3A_209 = arith.addi %mul3A_207, %add3A_208 : i32
      %dma_wait3A_210 = arith.constant 0 : i32
      %dma_wait3A_211 = tpu.memref_slice %arg6[%add3A_209, %dma_wait3A_210] : memref<125x80xi32, #tpu.memory_space<vmem>> -> memref<1x80xi32, #tpu.memory_space<vmem>>
      %dma_wait3A_212 = tpu.memref_squeeze %dma_wait3A_211 : memref<1x80xi32, #tpu.memory_space<vmem>> -> memref<80xi32, #tpu.memory_space<vmem>>
      %dma_wait3A_213 = arith.constant 0 : i32
      %dma_wait3A_214 = arith.constant 0 : i32
      %dma_wait3A_215 = tpu.memref_slice %arg2[%dma_wait3A_213, %dma_wait3A_214] : memref<10000x64xf32, #tpu.memory_space<hbm>> -> memref<10000x64xf32, #tpu.memory_space<hbm>>
      tpu.wait_indirect_dma semaphore(%arg18 : memref<!tpu.dma_semaphore, #tpu.memory_space<semaphore_mem>>) src(%dma_wait3A_215 : memref<10000x64xf32, #tpu.memory_space<hbm>>) dst(%arg12 : memref<80x64xf32, #tpu.memory_space<vmem>>)
      "tpu.region"() ({
        %run_scoped3A_224 = tpu.sem_alloc : memref<!tpu.dma_semaphore, #tpu.memory_space<semaphore_mem>>
        %dma_start3A_225 = arith.constant 0 : i32
        %dma_start3A_226 = tpu.memref_slice %arg7[%add3A_209, %dma_start3A_225] : memref<125x80xi32, #tpu.memory_space<vmem>> -> memref<1x80xi32, #tpu.memory_space<vmem>>
        %dma_start3A_227 = tpu.memref_squeeze %dma_start3A_226 : memref<1x80xi32, #tpu.memory_space<vmem>> -> memref<80xi32, #tpu.memory_space<vmem>>
        %dma_start3A_228 = arith.constant 0 : i32
        %dma_start3A_229 = arith.constant 0 : i32
        %dma_start3A_230 = tpu.memref_slice %arg13[%dma_start3A_228, %dma_start3A_229] : memref<10128x64xf32, #tpu.memory_space<vmem_shared>> -> memref<10128x64xf32, #tpu.memory_space<vmem_shared>>
        tpu.enqueue_indirect_dma source(%arg12 : memref<80x64xf32, #tpu.memory_space<vmem>>) target(%dma_start3A_230 : memref<10128x64xf32, #tpu.memory_space<vmem_shared>>) offsets(%dma_start3A_227 : memref<80xi32, #tpu.memory_space<vmem>>) semaphore(%run_scoped3A_224 : memref<!tpu.dma_semaphore, #tpu.memory_space<semaphore_mem>>) {add = true}
        %dma_wait3A_231 = arith.constant 0 : i32
        %dma_wait3A_232 = tpu.memref_slice %arg7[%add3A_209, %dma_wait3A_231] : memref<125x80xi32, #tpu.memory_space<vmem>> -> memref<1x80xi32, #tpu.memory_space<vmem>>
        %dma_wait3A_233 = tpu.memref_squeeze %dma_wait3A_232 : memref<1x80xi32, #tpu.memory_space<vmem>> -> memref<80xi32, #tpu.memory_space<vmem>>
        %dma_wait3A_234 = arith.constant 0 : i32
        %dma_wait3A_235 = arith.constant 0 : i32
        %dma_wait3A_236 = tpu.memref_slice %arg13[%dma_wait3A_234, %dma_wait3A_235] : memref<10128x64xf32, #tpu.memory_space<vmem_shared>> -> memref<10128x64xf32, #tpu.memory_space<vmem_shared>>
        tpu.wait_indirect_dma semaphore(%run_scoped3A_224 : memref<!tpu.dma_semaphore, #tpu.memory_space<semaphore_mem>>) src(%arg12 : memref<80x64xf32, #tpu.memory_space<vmem>>) dst(%dma_wait3A_236 : memref<10128x64xf32, #tpu.memory_space<vmem_shared>>)
        tpu.yield
      }) : () -> ()
      %add3A_216 = arith.constant 5 : i32
      %add3A_217 = arith.addi %add3A_209, %add3A_216 : i32
      %dma_start3A_218 = arith.constant 0 : i32
      %dma_start3A_219 = tpu.memref_slice %arg6[%add3A_217, %dma_start3A_218] : memref<125x80xi32, #tpu.memory_space<vmem>> -> memref<1x80xi32, #tpu.memory_space<vmem>>
      %dma_start3A_220 = tpu.memref_squeeze %dma_start3A_219 : memref<1x80xi32, #tpu.memory_space<vmem>> -> memref<80xi32, #tpu.memory_space<vmem>>
      %dma_start3A_221 = arith.constant 0 : i32
      %dma_start3A_222 = arith.constant 0 : i32
      %dma_start3A_223 = tpu.memref_slice %arg2[%dma_start3A_221, %dma_start3A_222] : memref<10000x64xf32, #tpu.memory_space<hbm>> -> memref<10000x64xf32, #tpu.memory_space<hbm>>
      tpu.enqueue_indirect_dma source(%dma_start3A_223 : memref<10000x64xf32, #tpu.memory_space<hbm>>) target(%arg12 : memref<80x64xf32, #tpu.memory_space<vmem>>) offsets(%dma_start3A_220 : memref<80xi32, #tpu.memory_space<vmem>>) semaphore(%arg18 : memref<!tpu.dma_semaphore, #tpu.memory_space<semaphore_mem>>)
    }
    %scan3A_82 = arith.constant 24 : i32
    %dma_wait3A_83 = arith.constant 120 : i32
    %dma_wait3A_84 = arith.constant 0 : i32
    %dma_wait3A_85 = tpu.memref_slice %arg6[%dma_wait3A_83, %dma_wait3A_84] : memref<125x80xi32, #tpu.memory_space<vmem>> -> memref<1x80xi32, #tpu.memory_space<vmem>>
    %dma_wait3A_86 = tpu.memref_squeeze %dma_wait3A_85 : memref<1x80xi32, #tpu.memory_space<vmem>> -> memref<80xi32, #tpu.memory_space<vmem>>
    %dma_wait3A_87 = arith.constant 0 : i32
    %dma_wait3A_88 = arith.constant 0 : i32
    %dma_wait3A_89 = tpu.memref_slice %arg2[%dma_wait3A_87, %dma_wait3A_88] : memref<10000x64xf32, #tpu.memory_space<hbm>> -> memref<10000x64xf32, #tpu.memory_space<hbm>>
    tpu.wait_indirect_dma semaphore(%arg14 : memref<!tpu.dma_semaphore, #tpu.memory_space<semaphore_mem>>) src(%dma_wait3A_89 : memref<10000x64xf32, #tpu.memory_space<hbm>>) dst(%arg8 : memref<80x64xf32, #tpu.memory_space<vmem>>)
    %run_scoped3A = arith.constant 120 : i32
    "tpu.region"() ({
      %run_scoped3A_133 = tpu.sem_alloc : memref<!tpu.dma_semaphore, #tpu.memory_space<semaphore_mem>>
      %dma_start3A_134 = arith.constant 0 : i32
      %dma_start3A_135 = tpu.memref_slice %arg7[%run_scoped3A, %dma_start3A_134] : memref<125x80xi32, #tpu.memory_space<vmem>> -> memref<1x80xi32, #tpu.memory_space<vmem>>
      %dma_start3A_136 = tpu.memref_squeeze %dma_start3A_135 : memref<1x80xi32, #tpu.memory_space<vmem>> -> memref<80xi32, #tpu.memory_space<vmem>>
      %dma_start3A_137 = arith.constant 0 : i32
      %dma_start3A_138 = arith.constant 0 : i32
      %dma_start3A_139 = tpu.memref_slice %arg13[%dma_start3A_137, %dma_start3A_138] : memref<10128x64xf32, #tpu.memory_space<vmem_shared>> -> memref<10128x64xf32, #tpu.memory_space<vmem_shared>>
      tpu.enqueue_indirect_dma source(%arg8 : memref<80x64xf32, #tpu.memory_space<vmem>>) target(%dma_start3A_139 : memref<10128x64xf32, #tpu.memory_space<vmem_shared>>) offsets(%dma_start3A_136 : memref<80xi32, #tpu.memory_space<vmem>>) semaphore(%run_scoped3A_133 : memref<!tpu.dma_semaphore, #tpu.memory_space<semaphore_mem>>) {add = true}
      %dma_wait3A_140 = arith.constant 0 : i32
      %dma_wait3A_141 = tpu.memref_slice %arg7[%run_scoped3A, %dma_wait3A_140] : memref<125x80xi32, #tpu.memory_space<vmem>> -> memref<1x80xi32, #tpu.memory_space<vmem>>
      %dma_wait3A_142 = tpu.memref_squeeze %dma_wait3A_141 : memref<1x80xi32, #tpu.memory_space<vmem>> -> memref<80xi32, #tpu.memory_space<vmem>>
      %dma_wait3A_143 = arith.constant 0 : i32
      %dma_wait3A_144 = arith.constant 0 : i32
      %dma_wait3A_145 = tpu.memref_slice %arg13[%dma_wait3A_143, %dma_wait3A_144] : memref<10128x64xf32, #tpu.memory_space<vmem_shared>> -> memref<10128x64xf32, #tpu.memory_space<vmem_shared>>
      tpu.wait_indirect_dma semaphore(%run_scoped3A_133 : memref<!tpu.dma_semaphore, #tpu.memory_space<semaphore_mem>>) src(%arg8 : memref<80x64xf32, #tpu.memory_space<vmem>>) dst(%dma_wait3A_145 : memref<10128x64xf32, #tpu.memory_space<vmem_shared>>)
      tpu.yield
    }) : () -> ()
    %dma_wait3A_90 = arith.constant 121 : i32
    %dma_wait3A_91 = arith.constant 0 : i32
    %dma_wait3A_92 = tpu.memref_slice %arg6[%dma_wait3A_90, %dma_wait3A_91] : memref<125x80xi32, #tpu.memory_space<vmem>> -> memref<1x80xi32, #tpu.memory_space<vmem>>
    %dma_wait3A_93 = tpu.memref_squeeze %dma_wait3A_92 : memref<1x80xi32, #tpu.memory_space<vmem>> -> memref<80xi32, #tpu.memory_space<vmem>>
    %dma_wait3A_94 = arith.constant 0 : i32
    %dma_wait3A_95 = arith.constant 0 : i32
    %dma_wait3A_96 = tpu.memref_slice %arg2[%dma_wait3A_94, %dma_wait3A_95] : memref<10000x64xf32, #tpu.memory_space<hbm>> -> memref<10000x64xf32, #tpu.memory_space<hbm>>
    tpu.wait_indirect_dma semaphore(%arg15 : memref<!tpu.dma_semaphore, #tpu.memory_space<semaphore_mem>>) src(%dma_wait3A_96 : memref<10000x64xf32, #tpu.memory_space<hbm>>) dst(%arg9 : memref<80x64xf32, #tpu.memory_space<vmem>>)
    %run_scoped3A_97 = arith.constant 121 : i32
    "tpu.region"() ({
      %run_scoped3A_133 = tpu.sem_alloc : memref<!tpu.dma_semaphore, #tpu.memory_space<semaphore_mem>>
      %dma_start3A_134 = arith.constant 0 : i32
      %dma_start3A_135 = tpu.memref_slice %arg7[%run_scoped3A_97, %dma_start3A_134] : memref<125x80xi32, #tpu.memory_space<vmem>> -> memref<1x80xi32, #tpu.memory_space<vmem>>
      %dma_start3A_136 = tpu.memref_squeeze %dma_start3A_135 : memref<1x80xi32, #tpu.memory_space<vmem>> -> memref<80xi32, #tpu.memory_space<vmem>>
      %dma_start3A_137 = arith.constant 0 : i32
      %dma_start3A_138 = arith.constant 0 : i32
      %dma_start3A_139 = tpu.memref_slice %arg13[%dma_start3A_137, %dma_start3A_138] : memref<10128x64xf32, #tpu.memory_space<vmem_shared>> -> memref<10128x64xf32, #tpu.memory_space<vmem_shared>>
      tpu.enqueue_indirect_dma source(%arg9 : memref<80x64xf32, #tpu.memory_space<vmem>>) target(%dma_start3A_139 : memref<10128x64xf32, #tpu.memory_space<vmem_shared>>) offsets(%dma_start3A_136 : memref<80xi32, #tpu.memory_space<vmem>>) semaphore(%run_scoped3A_133 : memref<!tpu.dma_semaphore, #tpu.memory_space<semaphore_mem>>) {add = true}
      %dma_wait3A_140 = arith.constant 0 : i32
      %dma_wait3A_141 = tpu.memref_slice %arg7[%run_scoped3A_97, %dma_wait3A_140] : memref<125x80xi32, #tpu.memory_space<vmem>> -> memref<1x80xi32, #tpu.memory_space<vmem>>
      %dma_wait3A_142 = tpu.memref_squeeze %dma_wait3A_141 : memref<1x80xi32, #tpu.memory_space<vmem>> -> memref<80xi32, #tpu.memory_space<vmem>>
      %dma_wait3A_143 = arith.constant 0 : i32
      %dma_wait3A_144 = arith.constant 0 : i32
      %dma_wait3A_145 = tpu.memref_slice %arg13[%dma_wait3A_143, %dma_wait3A_144] : memref<10128x64xf32, #tpu.memory_space<vmem_shared>> -> memref<10128x64xf32, #tpu.memory_space<vmem_shared>>
      tpu.wait_indirect_dma semaphore(%run_scoped3A_133 : memref<!tpu.dma_semaphore, #tpu.memory_space<semaphore_mem>>) src(%arg9 : memref<80x64xf32, #tpu.memory_space<vmem>>) dst(%dma_wait3A_145 : memref<10128x64xf32, #tpu.memory_space<vmem_shared>>)
      tpu.yield
    }) : () -> ()
    %dma_wait3A_98 = arith.constant 122 : i32
    %dma_wait3A_99 = arith.constant 0 : i32
    %dma_wait3A_100 = tpu.memref_slice %arg6[%dma_wait3A_98, %dma_wait3A_99] : memref<125x80xi32, #tpu.memory_space<vmem>> -> memref<1x80xi32, #tpu.memory_space<vmem>>
    %dma_wait3A_101 = tpu.memref_squeeze %dma_wait3A_100 : memref<1x80xi32, #tpu.memory_space<vmem>> -> memref<80xi32, #tpu.memory_space<vmem>>
    %dma_wait3A_102 = arith.constant 0 : i32
    %dma_wait3A_103 = arith.constant 0 : i32
    %dma_wait3A_104 = tpu.memref_slice %arg2[%dma_wait3A_102, %dma_wait3A_103] : memref<10000x64xf32, #tpu.memory_space<hbm>> -> memref<10000x64xf32, #tpu.memory_space<hbm>>
    tpu.wait_indirect_dma semaphore(%arg16 : memref<!tpu.dma_semaphore, #tpu.memory_space<semaphore_mem>>) src(%dma_wait3A_104 : memref<10000x64xf32, #tpu.memory_space<hbm>>) dst(%arg10 : memref<80x64xf32, #tpu.memory_space<vmem>>)
    %run_scoped3A_105 = arith.constant 122 : i32
    "tpu.region"() ({
      %run_scoped3A_133 = tpu.sem_alloc : memref<!tpu.dma_semaphore, #tpu.memory_space<semaphore_mem>>
      %dma_start3A_134 = arith.constant 0 : i32
      %dma_start3A_135 = tpu.memref_slice %arg7[%run_scoped3A_105, %dma_start3A_134] : memref<125x80xi32, #tpu.memory_space<vmem>> -> memref<1x80xi32, #tpu.memory_space<vmem>>
      %dma_start3A_136 = tpu.memref_squeeze %dma_start3A_135 : memref<1x80xi32, #tpu.memory_space<vmem>> -> memref<80xi32, #tpu.memory_space<vmem>>
      %dma_start3A_137 = arith.constant 0 : i32
      %dma_start3A_138 = arith.constant 0 : i32
      %dma_start3A_139 = tpu.memref_slice %arg13[%dma_start3A_137, %dma_start3A_138] : memref<10128x64xf32, #tpu.memory_space<vmem_shared>> -> memref<10128x64xf32, #tpu.memory_space<vmem_shared>>
      tpu.enqueue_indirect_dma source(%arg10 : memref<80x64xf32, #tpu.memory_space<vmem>>) target(%dma_start3A_139 : memref<10128x64xf32, #tpu.memory_space<vmem_shared>>) offsets(%dma_start3A_136 : memref<80xi32, #tpu.memory_space<vmem>>) semaphore(%run_scoped3A_133 : memref<!tpu.dma_semaphore, #tpu.memory_space<semaphore_mem>>) {add = true}
      %dma_wait3A_140 = arith.constant 0 : i32
      %dma_wait3A_141 = tpu.memref_slice %arg7[%run_scoped3A_105, %dma_wait3A_140] : memref<125x80xi32, #tpu.memory_space<vmem>> -> memref<1x80xi32, #tpu.memory_space<vmem>>
      %dma_wait3A_142 = tpu.memref_squeeze %dma_wait3A_141 : memref<1x80xi32, #tpu.memory_space<vmem>> -> memref<80xi32, #tpu.memory_space<vmem>>
      %dma_wait3A_143 = arith.constant 0 : i32
      %dma_wait3A_144 = arith.constant 0 : i32
      %dma_wait3A_145 = tpu.memref_slice %arg13[%dma_wait3A_143, %dma_wait3A_144] : memref<10128x64xf32, #tpu.memory_space<vmem_shared>> -> memref<10128x64xf32, #tpu.memory_space<vmem_shared>>
      tpu.wait_indirect_dma semaphore(%run_scoped3A_133 : memref<!tpu.dma_semaphore, #tpu.memory_space<semaphore_mem>>) src(%arg10 : memref<80x64xf32, #tpu.memory_space<vmem>>) dst(%dma_wait3A_145 : memref<10128x64xf32, #tpu.memory_space<vmem_shared>>)
      tpu.yield
    }) : () -> ()
    %dma_wait3A_106 = arith.constant 123 : i32
    %dma_wait3A_107 = arith.constant 0 : i32
    %dma_wait3A_108 = tpu.memref_slice %arg6[%dma_wait3A_106, %dma_wait3A_107] : memref<125x80xi32, #tpu.memory_space<vmem>> -> memref<1x80xi32, #tpu.memory_space<vmem>>
    %dma_wait3A_109 = tpu.memref_squeeze %dma_wait3A_108 : memref<1x80xi32, #tpu.memory_space<vmem>> -> memref<80xi32, #tpu.memory_space<vmem>>
    %dma_wait3A_110 = arith.constant 0 : i32
    %dma_wait3A_111 = arith.constant 0 : i32
    %dma_wait3A_112 = tpu.memref_slice %arg2[%dma_wait3A_110, %dma_wait3A_111] : memref<10000x64xf32, #tpu.memory_space<hbm>> -> memref<10000x64xf32, #tpu.memory_space<hbm>>
    tpu.wait_indirect_dma semaphore(%arg17 : memref<!tpu.dma_semaphore, #tpu.memory_space<semaphore_mem>>) src(%dma_wait3A_112 : memref<10000x64xf32, #tpu.memory_space<hbm>>) dst(%arg11 : memref<80x64xf32, #tpu.memory_space<vmem>>)
    %run_scoped3A_113 = arith.constant 123 : i32
    "tpu.region"() ({
      %run_scoped3A_133 = tpu.sem_alloc : memref<!tpu.dma_semaphore, #tpu.memory_space<semaphore_mem>>
      %dma_start3A_134 = arith.constant 0 : i32
      %dma_start3A_135 = tpu.memref_slice %arg7[%run_scoped3A_113, %dma_start3A_134] : memref<125x80xi32, #tpu.memory_space<vmem>> -> memref<1x80xi32, #tpu.memory_space<vmem>>
      %dma_start3A_136 = tpu.memref_squeeze %dma_start3A_135 : memref<1x80xi32, #tpu.memory_space<vmem>> -> memref<80xi32, #tpu.memory_space<vmem>>
      %dma_start3A_137 = arith.constant 0 : i32
      %dma_start3A_138 = arith.constant 0 : i32
      %dma_start3A_139 = tpu.memref_slice %arg13[%dma_start3A_137, %dma_start3A_138] : memref<10128x64xf32, #tpu.memory_space<vmem_shared>> -> memref<10128x64xf32, #tpu.memory_space<vmem_shared>>
      tpu.enqueue_indirect_dma source(%arg11 : memref<80x64xf32, #tpu.memory_space<vmem>>) target(%dma_start3A_139 : memref<10128x64xf32, #tpu.memory_space<vmem_shared>>) offsets(%dma_start3A_136 : memref<80xi32, #tpu.memory_space<vmem>>) semaphore(%run_scoped3A_133 : memref<!tpu.dma_semaphore, #tpu.memory_space<semaphore_mem>>) {add = true}
      %dma_wait3A_140 = arith.constant 0 : i32
      %dma_wait3A_141 = tpu.memref_slice %arg7[%run_scoped3A_113, %dma_wait3A_140] : memref<125x80xi32, #tpu.memory_space<vmem>> -> memref<1x80xi32, #tpu.memory_space<vmem>>
      %dma_wait3A_142 = tpu.memref_squeeze %dma_wait3A_141 : memref<1x80xi32, #tpu.memory_space<vmem>> -> memref<80xi32, #tpu.memory_space<vmem>>
      %dma_wait3A_143 = arith.constant 0 : i32
      %dma_wait3A_144 = arith.constant 0 : i32
      %dma_wait3A_145 = tpu.memref_slice %arg13[%dma_wait3A_143, %dma_wait3A_144] : memref<10128x64xf32, #tpu.memory_space<vmem_shared>> -> memref<10128x64xf32, #tpu.memory_space<vmem_shared>>
      tpu.wait_indirect_dma semaphore(%run_scoped3A_133 : memref<!tpu.dma_semaphore, #tpu.memory_space<semaphore_mem>>) src(%arg11 : memref<80x64xf32, #tpu.memory_space<vmem>>) dst(%dma_wait3A_145 : memref<10128x64xf32, #tpu.memory_space<vmem_shared>>)
      tpu.yield
    }) : () -> ()
    %dma_wait3A_114 = arith.constant 124 : i32
    %dma_wait3A_115 = arith.constant 0 : i32
    %dma_wait3A_116 = tpu.memref_slice %arg6[%dma_wait3A_114, %dma_wait3A_115] : memref<125x80xi32, #tpu.memory_space<vmem>> -> memref<1x80xi32, #tpu.memory_space<vmem>>
    %dma_wait3A_117 = tpu.memref_squeeze %dma_wait3A_116 : memref<1x80xi32, #tpu.memory_space<vmem>> -> memref<80xi32, #tpu.memory_space<vmem>>
    %dma_wait3A_118 = arith.constant 0 : i32
    %dma_wait3A_119 = arith.constant 0 : i32
    %dma_wait3A_120 = tpu.memref_slice %arg2[%dma_wait3A_118, %dma_wait3A_119] : memref<10000x64xf32, #tpu.memory_space<hbm>> -> memref<10000x64xf32, #tpu.memory_space<hbm>>
    tpu.wait_indirect_dma semaphore(%arg18 : memref<!tpu.dma_semaphore, #tpu.memory_space<semaphore_mem>>) src(%dma_wait3A_120 : memref<10000x64xf32, #tpu.memory_space<hbm>>) dst(%arg12 : memref<80x64xf32, #tpu.memory_space<vmem>>)
    %run_scoped3A_121 = arith.constant 124 : i32
    "tpu.region"() ({
      %run_scoped3A_133 = tpu.sem_alloc : memref<!tpu.dma_semaphore, #tpu.memory_space<semaphore_mem>>
      %dma_start3A_134 = arith.constant 0 : i32
      %dma_start3A_135 = tpu.memref_slice %arg7[%run_scoped3A_121, %dma_start3A_134] : memref<125x80xi32, #tpu.memory_space<vmem>> -> memref<1x80xi32, #tpu.memory_space<vmem>>
      %dma_start3A_136 = tpu.memref_squeeze %dma_start3A_135 : memref<1x80xi32, #tpu.memory_space<vmem>> -> memref<80xi32, #tpu.memory_space<vmem>>
      %dma_start3A_137 = arith.constant 0 : i32
      %dma_start3A_138 = arith.constant 0 : i32
      %dma_start3A_139 = tpu.memref_slice %arg13[%dma_start3A_137, %dma_start3A_138] : memref<10128x64xf32, #tpu.memory_space<vmem_shared>> -> memref<10128x64xf32, #tpu.memory_space<vmem_shared>>
      tpu.enqueue_indirect_dma source(%arg12 : memref<80x64xf32, #tpu.memory_space<vmem>>) target(%dma_start3A_139 : memref<10128x64xf32, #tpu.memory_space<vmem_shared>>) offsets(%dma_start3A_136 : memref<80xi32, #tpu.memory_space<vmem>>) semaphore(%run_scoped3A_133 : memref<!tpu.dma_semaphore, #tpu.memory_space<semaphore_mem>>) {add = true}
      %dma_wait3A_140 = arith.constant 0 : i32
      %dma_wait3A_141 = tpu.memref_slice %arg7[%run_scoped3A_121, %dma_wait3A_140] : memref<125x80xi32, #tpu.memory_space<vmem>> -> memref<1x80xi32, #tpu.memory_space<vmem>>
      %dma_wait3A_142 = tpu.memref_squeeze %dma_wait3A_141 : memref<1x80xi32, #tpu.memory_space<vmem>> -> memref<80xi32, #tpu.memory_space<vmem>>
      %dma_wait3A_143 = arith.constant 0 : i32
      %dma_wait3A_144 = arith.constant 0 : i32
      %dma_wait3A_145 = tpu.memref_slice %arg13[%dma_wait3A_143, %dma_wait3A_144] : memref<10128x64xf32, #tpu.memory_space<vmem_shared>> -> memref<10128x64xf32, #tpu.memory_space<vmem_shared>>
      tpu.wait_indirect_dma semaphore(%run_scoped3A_133 : memref<!tpu.dma_semaphore, #tpu.memory_space<semaphore_mem>>) src(%arg12 : memref<80x64xf32, #tpu.memory_space<vmem>>) dst(%dma_wait3A_145 : memref<10128x64xf32, #tpu.memory_space<vmem_shared>>)
      tpu.yield
    }) : () -> ()
    %barrier3A_122 = arith.constant 0 : index
    tpu.barrier barrier_id(%barrier3A_122)
    %lt3A_123 = arith.constant 15 : i32
    %lt3A_124 = arith.cmpi slt, %arg1, %lt3A_123 : i32
    %convert_element_type3A_125 = arith.extui %lt3A_124 : i1 to i32
    %cond3A_126 = arith.constant 0 : i32
    %cond3A_127 = arith.cmpi ne, %convert_element_type3A_125, %cond3A_126 : i32
    scf.if %cond3A_127 {
      %mul3A_133 = arith.constant 632 : i32
      %mul3A_134 = arith.muli %arg1, %mul3A_133 : i32
      %mul3A_135 = arith.constant 632 : i32
      %mul3A_136 = arith.muli %arg1, %mul3A_135 : i32
      "tpu.region"() ({
        %run_scoped3A_137 = tpu.sem_alloc : memref<!tpu.dma_semaphore, #tpu.memory_space<semaphore_mem>>
        %dma_start3A_138 = arith.constant 0 : i32
        %dma_start3A_139 = tpu.memref_slice %arg5[%arg0, %mul3A_136, %dma_start3A_138] : memref<2x10000x64xf32, #tpu.memory_space<hbm>> -> memref<1x632x64xf32, #tpu.memory_space<hbm>>
        %dma_start3A_140 = tpu.memref_squeeze %dma_start3A_139 : memref<1x632x64xf32, #tpu.memory_space<hbm>> -> memref<632x64xf32, #tpu.memory_space<hbm>>
        %dma_start3A_141 = arith.constant 0 : i32
        %dma_start3A_142 = tpu.memref_slice %arg13[%mul3A_134, %dma_start3A_141] : memref<10128x64xf32, #tpu.memory_space<vmem_shared>> -> memref<632x64xf32, #tpu.memory_space<vmem_shared>>
        tpu.enqueue_dma source(%dma_start3A_142 : memref<632x64xf32, #tpu.memory_space<vmem_shared>>) target(%dma_start3A_140 : memref<632x64xf32, #tpu.memory_space<hbm>>) target_semaphore(%run_scoped3A_137 : memref<!tpu.dma_semaphore, #tpu.memory_space<semaphore_mem>>)
        %dma_wait3A_143 = arith.constant 0 : i32
        %dma_wait3A_144 = tpu.memref_slice %arg5[%arg0, %mul3A_136, %dma_wait3A_143] : memref<2x10000x64xf32, #tpu.memory_space<hbm>> -> memref<1x632x64xf32, #tpu.memory_space<hbm>>
        %dma_wait3A_145 = tpu.memref_squeeze %dma_wait3A_144 : memref<1x632x64xf32, #tpu.memory_space<hbm>> -> memref<632x64xf32, #tpu.memory_space<hbm>>
        %dma_wait3A_146 = arith.constant 0 : i32
        %dma_wait3A_147 = tpu.memref_slice %arg13[%mul3A_134, %dma_wait3A_146] : memref<10128x64xf32, #tpu.memory_space<vmem_shared>> -> memref<632x64xf32, #tpu.memory_space<vmem_shared>>
        tpu.wait_dma2 semaphore(%run_scoped3A_137 : memref<!tpu.dma_semaphore, #tpu.memory_space<semaphore_mem>>) src(%dma_wait3A_147 : memref<632x64xf32, #tpu.memory_space<vmem_shared>>) dst(%dma_wait3A_145 : memref<632x64xf32, #tpu.memory_space<hbm>>)
        tpu.yield
      }) : () -> ()
    } else {
    }
    %eq3A_128 = arith.constant 15 : i32
    %eq3A_129 = arith.cmpi eq, %arg1, %eq3A_128 : i32
    %convert_element_type3A_130 = arith.extui %eq3A_129 : i1 to i32
    %cond3A_131 = arith.constant 0 : i32
    %cond3A_132 = arith.cmpi ne, %convert_element_type3A_130, %cond3A_131 : i32
    scf.if %cond3A_132 {
      "tpu.region"() ({
        %run_scoped3A_133 = tpu.sem_alloc : memref<!tpu.dma_semaphore, #tpu.memory_space<semaphore_mem>>
        %dma_start3A_134 = arith.constant 9480 : i32
        %dma_start3A_135 = arith.constant 0 : i32
        %dma_start3A_136 = tpu.memref_slice %arg5[%arg0, %dma_start3A_134, %dma_start3A_135] : memref<2x10000x64xf32, #tpu.memory_space<hbm>> -> memref<1x520x64xf32, #tpu.memory_space<hbm>>
        %dma_start3A_137 = tpu.memref_squeeze %dma_start3A_136 : memref<1x520x64xf32, #tpu.memory_space<hbm>> -> memref<520x64xf32, #tpu.memory_space<hbm>>
        %dma_start3A_138 = arith.constant 9480 : i32
        %dma_start3A_139 = arith.constant 0 : i32
        %dma_start3A_140 = tpu.memref_slice %arg13[%dma_start3A_138, %dma_start3A_139] : memref<10128x64xf32, #tpu.memory_space<vmem_shared>> -> memref<520x64xf32, #tpu.memory_space<vmem_shared>>
        tpu.enqueue_dma source(%dma_start3A_140 : memref<520x64xf32, #tpu.memory_space<vmem_shared>>) target(%dma_start3A_137 : memref<520x64xf32, #tpu.memory_space<hbm>>) target_semaphore(%run_scoped3A_133 : memref<!tpu.dma_semaphore, #tpu.memory_space<semaphore_mem>>)
        %dma_wait3A_141 = arith.constant 9480 : i32
        %dma_wait3A_142 = arith.constant 0 : i32
        %dma_wait3A_143 = tpu.memref_slice %arg5[%arg0, %dma_wait3A_141, %dma_wait3A_142] : memref<2x10000x64xf32, #tpu.memory_space<hbm>> -> memref<1x520x64xf32, #tpu.memory_space<hbm>>
        %dma_wait3A_144 = tpu.memref_squeeze %dma_wait3A_143 : memref<1x520x64xf32, #tpu.memory_space<hbm>> -> memref<520x64xf32, #tpu.memory_space<hbm>>
        %dma_wait3A_145 = arith.constant 9480 : i32
        %dma_wait3A_146 = arith.constant 0 : i32
        %dma_wait3A_147 = tpu.memref_slice %arg13[%dma_wait3A_145, %dma_wait3A_146] : memref<10128x64xf32, #tpu.memory_space<vmem_shared>> -> memref<520x64xf32, #tpu.memory_space<vmem_shared>>
        tpu.wait_dma2 semaphore(%run_scoped3A_133 : memref<!tpu.dma_semaphore, #tpu.memory_space<semaphore_mem>>) src(%dma_wait3A_147 : memref<520x64xf32, #tpu.memory_space<vmem_shared>>) dst(%dma_wait3A_144 : memref<520x64xf32, #tpu.memory_space<hbm>>)
        tpu.yield
      }) : () -> ()
    } else {
    }
    return
  }
}

#map = affine_map<(d0, d1) -> (0, 0)>
#map1 = affine_map<(d0, d1) -> (0, 0, 0)>
module attributes {stable_mosaic.version = 14 : i64} {
  func.func @seg(%arg0: i32, %arg1: i32, %arg2: memref<10000x64xf32, #tpu.memory_space<hbm>>, %arg3: memref<32x125x80xi32, #tpu.memory_space<hbm>>, %arg4: memref<32x125x80xi32, #tpu.memory_space<hbm>>, %arg5: memref<2x10000x64xf32, #tpu.memory_space<hbm>>, %arg6: memref<125x80xi32, #tpu.memory_space<vmem>>, %arg7: memref<125x80xi32, #tpu.memory_space<vmem>>, %arg8: memref<80x64xf32, #tpu.memory_space<vmem>>, %arg9: memref<80x64xf32, #tpu.memory_space<vmem>>, %arg10: memref<80x64xf32, #tpu.memory_space<vmem>>, %arg11: memref<80x64xf32, #tpu.memory_space<vmem>>, %arg12: memref<80x64xf32, #tpu.memory_space<vmem>>, %arg13: memref<10128x64xf32, #tpu.memory_space<vmem_shared>>, %arg14: memref<!tpu.dma_semaphore, #tpu.memory_space<semaphore_mem>>, %arg15: memref<!tpu.dma_semaphore, #tpu.memory_space<semaphore_mem>>, %arg16: memref<!tpu.dma_semaphore, #tpu.memory_space<semaphore_mem>>, %arg17: memref<!tpu.dma_semaphore, #tpu.memory_space<semaphore_mem>>, %arg18: memref<!tpu.dma_semaphore, #tpu.memory_space<semaphore_mem>>) attributes {dimension_semantics = [#tpu.dimension_semantics<core_parallel>, #tpu.dimension_semantics<subcore_parallel>], iteration_bounds = array<i64: 2, 16>, scalar_prefetch = 0 : i64, scratch_operands = 13 : i64, tpu.core_type = #tpu.core_type<sc_vector_subcore>, window_params = [{transform_indices = #map}, {transform_indices = #map1}, {transform_indices = #map1}, {transform_indices = #map1}]} {
    %mul3A = arith.constant 16 : i32
    %mul3A_0 = arith.muli %arg0, %mul3A : i32
    %add3A = arith.addi %mul3A_0, %arg1 : i32
    %dma_start3A = arith.constant 0 : i32
    %dma_start3A_1 = arith.constant 0 : i32
    %dma_start3A_2 = tpu.memref_slice %arg3[%add3A, %dma_start3A, %dma_start3A_1] : memref<32x125x80xi32, #tpu.memory_space<hbm>> -> memref<1x125x80xi32, #tpu.memory_space<hbm>>
    %dma_start3A_3 = tpu.memref_squeeze %dma_start3A_2 : memref<1x125x80xi32, #tpu.memory_space<hbm>> -> memref<125x80xi32, #tpu.memory_space<hbm>>
    %dma_start3A_4 = arith.constant 0 : i32
    %dma_start3A_5 = arith.constant 0 : i32
    %dma_start3A_6 = tpu.memref_slice %arg3[%add3A, %dma_start3A_4, %dma_start3A_5] : memref<32x125x80xi32, #tpu.memory_space<hbm>> -> memref<1x125x80xi32, #tpu.memory_space<hbm>>
    %dma_start3A_7 = tpu.memref_squeeze %dma_start3A_6 : memref<1x125x80xi32, #tpu.memory_space<hbm>> -> memref<125x80xi32, #tpu.memory_space<hbm>>
    tpu.enqueue_dma source(%dma_start3A_7 : memref<125x80xi32, #tpu.memory_space<hbm>>) target(%arg6 : memref<125x80xi32, #tpu.memory_space<vmem>>) target_semaphore(%arg14 : memref<!tpu.dma_semaphore, #tpu.memory_space<semaphore_mem>>)
    %dma_start3A_8 = arith.constant 0 : i32
    %dma_start3A_9 = arith.constant 0 : i32
    %dma_start3A_10 = tpu.memref_slice %arg4[%add3A, %dma_start3A_8, %dma_start3A_9] : memref<32x125x80xi32, #tpu.memory_space<hbm>> -> memref<1x125x80xi32, #tpu.memory_space<hbm>>
    %dma_start3A_11 = tpu.memref_squeeze %dma_start3A_10 : memref<1x125x80xi32, #tpu.memory_space<hbm>> -> memref<125x80xi32, #tpu.memory_space<hbm>>
    %dma_start3A_12 = arith.constant 0 : i32
    %dma_start3A_13 = arith.constant 0 : i32
    %dma_start3A_14 = tpu.memref_slice %arg4[%add3A, %dma_start3A_12, %dma_start3A_13] : memref<32x125x80xi32, #tpu.memory_space<hbm>> -> memref<1x125x80xi32, #tpu.memory_space<hbm>>
    %dma_start3A_15 = tpu.memref_squeeze %dma_start3A_14 : memref<1x125x80xi32, #tpu.memory_space<hbm>> -> memref<125x80xi32, #tpu.memory_space<hbm>>
    tpu.enqueue_dma source(%dma_start3A_15 : memref<125x80xi32, #tpu.memory_space<hbm>>) target(%arg7 : memref<125x80xi32, #tpu.memory_space<vmem>>) target_semaphore(%arg15 : memref<!tpu.dma_semaphore, #tpu.memory_space<semaphore_mem>>)
    %scan3A = arith.constant 0 : i32
    %scan3A_16 = arith.constant 0 : i32
    %scan3A_17 = arith.constant 320 : i32
    %scan3A_18 = arith.addi %scan3A_16, %scan3A_17 : i32
    %scan3A_19 = arith.constant 1 : i32
    scf.for %scan3A_133 = %scan3A_16 to %scan3A_18 step %scan3A_19  : i32 {
      %broadcast_in_dim3A = arith.constant 0.000000e+00 : f32
      %broadcast_in_dim3A_134 = vector.broadcast %broadcast_in_dim3A : f32 to vector<16xf32>
      %jit3A = arith.constant 4 : i32
      %div3A = arith.divsi %scan3A_133, %jit3A : i32
      %sign3A = arith.constant 0 : i32
      %sign3A_135 = arith.cmpi sgt, %scan3A_133, %sign3A : i32
      %sign3A_136 = arith.extui %sign3A_135 : i1 to i32
      %sign3A_137 = arith.constant 0 : i32
      %sign3A_138 = arith.cmpi slt, %scan3A_133, %sign3A_137 : i32
      %sign3A_139 = arith.extui %sign3A_138 : i1 to i32
      %sign3A_140 = arith.subi %sign3A_136, %sign3A_139 : i32
      %sign3A_141 = arith.constant 0 : i32
      %sign3A_142 = arith.cmpi sgt, %jit3A, %sign3A_141 : i32
      %sign3A_143 = arith.extui %sign3A_142 : i1 to i32
      %sign3A_144 = arith.constant 0 : i32
      %sign3A_145 = arith.cmpi slt, %jit3A, %sign3A_144 : i32
      %sign3A_146 = arith.extui %sign3A_145 : i1 to i32
      %sign3A_147 = arith.subi %sign3A_143, %sign3A_146 : i32
      %ne3A = arith.cmpi ne, %sign3A_140, %sign3A_147 : i32
      %rem3A = arith.remsi %scan3A_133, %jit3A : i32
      %ne3A_148 = arith.constant 0 : i32
      %ne3A_149 = arith.cmpi ne, %rem3A, %ne3A_148 : i32
      %and3A = arith.andi %ne3A, %ne3A_149 : i1
      %sub3A = arith.constant 1 : i32
      %sub3A_150 = arith.subi %div3A, %sub3A : i32
      %select_n3A = arith.select %and3A, %sub3A_150, %div3A : i32
      %jit3A_151 = arith.constant 4 : i32
      %eq3A_152 = arith.constant 0 : i32
      %eq3A_153 = arith.cmpi eq, %jit3A_151, %eq3A_152 : i32
      %jit3A_154 = arith.constant 1 : i32
      %select_n3A_155 = arith.select %eq3A_153, %jit3A_154, %jit3A_151 : i32
      %rem3A_156 = arith.remsi %scan3A_133, %select_n3A_155 : i32
      %ne3A_157 = arith.constant 0 : i32
      %ne3A_158 = arith.cmpi ne, %rem3A_156, %ne3A_157 : i32
      %lt3A_159 = arith.constant 0 : i32
      %lt3A_160 = arith.cmpi slt, %rem3A_156, %lt3A_159 : i32
      %lt3A_161 = arith.constant 0 : i32
      %lt3A_162 = arith.cmpi slt, %select_n3A_155, %lt3A_161 : i32
      %ne3A_163 = arith.xori %lt3A_160, %lt3A_162 : i1
      %and3A_164 = arith.andi %ne3A_163, %ne3A_158 : i1
      %add3A_165 = arith.addi %rem3A_156, %select_n3A_155 : i32
      %select_n3A_166 = arith.select %and3A_164, %add3A_165, %rem3A_156 : i32
      %mul3A_167 = arith.constant 16 : i32
      %mul3A_168 = arith.muli %select_n3A_166, %mul3A_167 : i32
      %swap3A = arith.index_cast %select_n3A : i32 to index
      %swap3A_169 = arith.index_cast %mul3A_168 : i32 to index
      %swap3A_170 = tpu.vector_load %arg8[%swap3A, %swap3A_169] {strides = array<i32>} : memref<80x64xf32, #tpu.memory_space<vmem>>, vector<1x16xf32>,
      %swap3A_171 = vector.shape_cast %swap3A_170 : vector<1x16xf32> to vector<16xf32>
      %swap3A_172 = vector.shape_cast %broadcast_in_dim3A_134 : vector<16xf32> to vector<1x16xf32>
      tpu.vector_store %arg8[%swap3A, %swap3A_169], %swap3A_172 {strides = array<i32>} : memref<80x64xf32, #tpu.memory_space<vmem>>, vector<1x16xf32>,
    }
    %scan3A_20 = arith.constant 320 : i32
    %lt3A = arith.constant 15 : i32
    %lt3A_21 = arith.cmpi slt, %arg1, %lt3A : i32
    %convert_element_type3A = arith.extui %lt3A_21 : i1 to i32
    %cond3A = arith.constant 0 : i32
    %cond3A_22 = arith.cmpi ne, %convert_element_type3A, %cond3A : i32
    scf.if %cond3A_22 {
      %mul3A_133 = arith.constant 632 : i32
      %mul3A_134 = arith.muli %arg1, %mul3A_133 : i32
      %add3A_135 = arith.constant 0 : i32
      %add3A_136 = arith.addi %mul3A_134, %add3A_135 : i32
      "tpu.region"() ({
        %run_scoped3A_151 = tpu.sem_alloc : memref<!tpu.dma_semaphore, #tpu.memory_space<semaphore_mem>>
        %dma_start3A_152 = arith.constant 0 : i32
        %dma_start3A_153 = tpu.memref_slice %arg13[%add3A_136, %dma_start3A_152] : memref<10128x64xf32, #tpu.memory_space<vmem_shared>> -> memref<80x64xf32, #tpu.memory_space<vmem_shared>>
        %dma_start3A_154 = arith.constant 0 : i32
        %dma_start3A_155 = tpu.memref_slice %arg13[%add3A_136, %dma_start3A_154] : memref<10128x64xf32, #tpu.memory_space<vmem_shared>> -> memref<80x64xf32, #tpu.memory_space<vmem_shared>>
        tpu.enqueue_dma source(%arg8 : memref<80x64xf32, #tpu.memory_space<vmem>>) target(%dma_start3A_155 : memref<80x64xf32, #tpu.memory_space<vmem_shared>>) target_semaphore(%run_scoped3A_151 : memref<!tpu.dma_semaphore, #tpu.memory_space<semaphore_mem>>)
        %dma_wait3A_156 = arith.constant 0 : i32
        %dma_wait3A_157 = tpu.memref_slice %arg13[%add3A_136, %dma_wait3A_156] : memref<10128x64xf32, #tpu.memory_space<vmem_shared>> -> memref<80x64xf32, #tpu.memory_space<vmem_shared>>
        %dma_wait3A_158 = arith.constant 0 : i32
        %dma_wait3A_159 = tpu.memref_slice %arg13[%add3A_136, %dma_wait3A_158] : memref<10128x64xf32, #tpu.memory_space<vmem_shared>> -> memref<80x64xf32, #tpu.memory_space<vmem_shared>>
        tpu.wait_dma2 semaphore(%run_scoped3A_151 : memref<!tpu.dma_semaphore, #tpu.memory_space<semaphore_mem>>) src(%arg8 : memref<80x64xf32, #tpu.memory_space<vmem>>) dst(%dma_wait3A_159 : memref<80x64xf32, #tpu.memory_space<vmem_shared>>)
        tpu.yield
      }) : () -> ()
      %add3A_137 = arith.constant 80 : i32
      %add3A_138 = arith.addi %mul3A_134, %add3A_137 : i32
      "tpu.region"() ({
        %run_scoped3A_151 = tpu.sem_alloc : memref<!tpu.dma_semaphore, #tpu.memory_space<semaphore_mem>>
        %dma_start3A_152 = arith.constant 0 : i32
        %dma_start3A_153 = tpu.memref_slice %arg13[%add3A_138, %dma_start3A_152] : memref<10128x64xf32, #tpu.memory_space<vmem_shared>> -> memref<80x64xf32, #tpu.memory_space<vmem_shared>>
        %dma_start3A_154 = arith.constant 0 : i32
        %dma_start3A_155 = tpu.memref_slice %arg13[%add3A_138, %dma_start3A_154] : memref<10128x64xf32, #tpu.memory_space<vmem_shared>> -> memref<80x64xf32, #tpu.memory_space<vmem_shared>>
        tpu.enqueue_dma source(%arg8 : memref<80x64xf32, #tpu.memory_space<vmem>>) target(%dma_start3A_155 : memref<80x64xf32, #tpu.memory_space<vmem_shared>>) target_semaphore(%run_scoped3A_151 : memref<!tpu.dma_semaphore, #tpu.memory_space<semaphore_mem>>)
        %dma_wait3A_156 = arith.constant 0 : i32
        %dma_wait3A_157 = tpu.memref_slice %arg13[%add3A_138, %dma_wait3A_156] : memref<10128x64xf32, #tpu.memory_space<vmem_shared>> -> memref<80x64xf32, #tpu.memory_space<vmem_shared>>
        %dma_wait3A_158 = arith.constant 0 : i32
        %dma_wait3A_159 = tpu.memref_slice %arg13[%add3A_138, %dma_wait3A_158] : memref<10128x64xf32, #tpu.memory_space<vmem_shared>> -> memref<80x64xf32, #tpu.memory_space<vmem_shared>>
        tpu.wait_dma2 semaphore(%run_scoped3A_151 : memref<!tpu.dma_semaphore, #tpu.memory_space<semaphore_mem>>) src(%arg8 : memref<80x64xf32, #tpu.memory_space<vmem>>) dst(%dma_wait3A_159 : memref<80x64xf32, #tpu.memory_space<vmem_shared>>)
        tpu.yield
      }) : () -> ()
      %add3A_139 = arith.constant 160 : i32
      %add3A_140 = arith.addi %mul3A_134, %add3A_139 : i32
      "tpu.region"() ({
        %run_scoped3A_151 = tpu.sem_alloc : memref<!tpu.dma_semaphore, #tpu.memory_space<semaphore_mem>>
        %dma_start3A_152 = arith.constant 0 : i32
        %dma_start3A_153 = tpu.memref_slice %arg13[%add3A_140, %dma_start3A_152] : memref<10128x64xf32, #tpu.memory_space<vmem_shared>> -> memref<80x64xf32, #tpu.memory_space<vmem_shared>>
        %dma_start3A_154 = arith.constant 0 : i32
        %dma_start3A_155 = tpu.memref_slice %arg13[%add3A_140, %dma_start3A_154] : memref<10128x64xf32, #tpu.memory_space<vmem_shared>> -> memref<80x64xf32, #tpu.memory_space<vmem_shared>>
        tpu.enqueue_dma source(%arg8 : memref<80x64xf32, #tpu.memory_space<vmem>>) target(%dma_start3A_155 : memref<80x64xf32, #tpu.memory_space<vmem_shared>>) target_semaphore(%run_scoped3A_151 : memref<!tpu.dma_semaphore, #tpu.memory_space<semaphore_mem>>)
        %dma_wait3A_156 = arith.constant 0 : i32
        %dma_wait3A_157 = tpu.memref_slice %arg13[%add3A_140, %dma_wait3A_156] : memref<10128x64xf32, #tpu.memory_space<vmem_shared>> -> memref<80x64xf32, #tpu.memory_space<vmem_shared>>
        %dma_wait3A_158 = arith.constant 0 : i32
        %dma_wait3A_159 = tpu.memref_slice %arg13[%add3A_140, %dma_wait3A_158] : memref<10128x64xf32, #tpu.memory_space<vmem_shared>> -> memref<80x64xf32, #tpu.memory_space<vmem_shared>>
        tpu.wait_dma2 semaphore(%run_scoped3A_151 : memref<!tpu.dma_semaphore, #tpu.memory_space<semaphore_mem>>) src(%arg8 : memref<80x64xf32, #tpu.memory_space<vmem>>) dst(%dma_wait3A_159 : memref<80x64xf32, #tpu.memory_space<vmem_shared>>)
        tpu.yield
      }) : () -> ()
      %add3A_141 = arith.constant 240 : i32
      %add3A_142 = arith.addi %mul3A_134, %add3A_141 : i32
      "tpu.region"() ({
        %run_scoped3A_151 = tpu.sem_alloc : memref<!tpu.dma_semaphore, #tpu.memory_space<semaphore_mem>>
        %dma_start3A_152 = arith.constant 0 : i32
        %dma_start3A_153 = tpu.memref_slice %arg13[%add3A_142, %dma_start3A_152] : memref<10128x64xf32, #tpu.memory_space<vmem_shared>> -> memref<80x64xf32, #tpu.memory_space<vmem_shared>>
        %dma_start3A_154 = arith.constant 0 : i32
        %dma_start3A_155 = tpu.memref_slice %arg13[%add3A_142, %dma_start3A_154] : memref<10128x64xf32, #tpu.memory_space<vmem_shared>> -> memref<80x64xf32, #tpu.memory_space<vmem_shared>>
        tpu.enqueue_dma source(%arg8 : memref<80x64xf32, #tpu.memory_space<vmem>>) target(%dma_start3A_155 : memref<80x64xf32, #tpu.memory_space<vmem_shared>>) target_semaphore(%run_scoped3A_151 : memref<!tpu.dma_semaphore, #tpu.memory_space<semaphore_mem>>)
        %dma_wait3A_156 = arith.constant 0 : i32
        %dma_wait3A_157 = tpu.memref_slice %arg13[%add3A_142, %dma_wait3A_156] : memref<10128x64xf32, #tpu.memory_space<vmem_shared>> -> memref<80x64xf32, #tpu.memory_space<vmem_shared>>
        %dma_wait3A_158 = arith.constant 0 : i32
        %dma_wait3A_159 = tpu.memref_slice %arg13[%add3A_142, %dma_wait3A_158] : memref<10128x64xf32, #tpu.memory_space<vmem_shared>> -> memref<80x64xf32, #tpu.memory_space<vmem_shared>>
        tpu.wait_dma2 semaphore(%run_scoped3A_151 : memref<!tpu.dma_semaphore, #tpu.memory_space<semaphore_mem>>) src(%arg8 : memref<80x64xf32, #tpu.memory_space<vmem>>) dst(%dma_wait3A_159 : memref<80x64xf32, #tpu.memory_space<vmem_shared>>)
        tpu.yield
      }) : () -> ()
      %add3A_143 = arith.constant 320 : i32
      %add3A_144 = arith.addi %mul3A_134, %add3A_143 : i32
      "tpu.region"() ({
        %run_scoped3A_151 = tpu.sem_alloc : memref<!tpu.dma_semaphore, #tpu.memory_space<semaphore_mem>>
        %dma_start3A_152 = arith.constant 0 : i32
        %dma_start3A_153 = tpu.memref_slice %arg13[%add3A_144, %dma_start3A_152] : memref<10128x64xf32, #tpu.memory_space<vmem_shared>> -> memref<80x64xf32, #tpu.memory_space<vmem_shared>>
        %dma_start3A_154 = arith.constant 0 : i32
        %dma_start3A_155 = tpu.memref_slice %arg13[%add3A_144, %dma_start3A_154] : memref<10128x64xf32, #tpu.memory_space<vmem_shared>> -> memref<80x64xf32, #tpu.memory_space<vmem_shared>>
        tpu.enqueue_dma source(%arg8 : memref<80x64xf32, #tpu.memory_space<vmem>>) target(%dma_start3A_155 : memref<80x64xf32, #tpu.memory_space<vmem_shared>>) target_semaphore(%run_scoped3A_151 : memref<!tpu.dma_semaphore, #tpu.memory_space<semaphore_mem>>)
        %dma_wait3A_156 = arith.constant 0 : i32
        %dma_wait3A_157 = tpu.memref_slice %arg13[%add3A_144, %dma_wait3A_156] : memref<10128x64xf32, #tpu.memory_space<vmem_shared>> -> memref<80x64xf32, #tpu.memory_space<vmem_shared>>
        %dma_wait3A_158 = arith.constant 0 : i32
        %dma_wait3A_159 = tpu.memref_slice %arg13[%add3A_144, %dma_wait3A_158] : memref<10128x64xf32, #tpu.memory_space<vmem_shared>> -> memref<80x64xf32, #tpu.memory_space<vmem_shared>>
        tpu.wait_dma2 semaphore(%run_scoped3A_151 : memref<!tpu.dma_semaphore, #tpu.memory_space<semaphore_mem>>) src(%arg8 : memref<80x64xf32, #tpu.memory_space<vmem>>) dst(%dma_wait3A_159 : memref<80x64xf32, #tpu.memory_space<vmem_shared>>)
        tpu.yield
      }) : () -> ()
      %add3A_145 = arith.constant 400 : i32
      %add3A_146 = arith.addi %mul3A_134, %add3A_145 : i32
      "tpu.region"() ({
        %run_scoped3A_151 = tpu.sem_alloc : memref<!tpu.dma_semaphore, #tpu.memory_space<semaphore_mem>>
        %dma_start3A_152 = arith.constant 0 : i32
        %dma_start3A_153 = tpu.memref_slice %arg13[%add3A_146, %dma_start3A_152] : memref<10128x64xf32, #tpu.memory_space<vmem_shared>> -> memref<80x64xf32, #tpu.memory_space<vmem_shared>>
        %dma_start3A_154 = arith.constant 0 : i32
        %dma_start3A_155 = tpu.memref_slice %arg13[%add3A_146, %dma_start3A_154] : memref<10128x64xf32, #tpu.memory_space<vmem_shared>> -> memref<80x64xf32, #tpu.memory_space<vmem_shared>>
        tpu.enqueue_dma source(%arg8 : memref<80x64xf32, #tpu.memory_space<vmem>>) target(%dma_start3A_155 : memref<80x64xf32, #tpu.memory_space<vmem_shared>>) target_semaphore(%run_scoped3A_151 : memref<!tpu.dma_semaphore, #tpu.memory_space<semaphore_mem>>)
        %dma_wait3A_156 = arith.constant 0 : i32
        %dma_wait3A_157 = tpu.memref_slice %arg13[%add3A_146, %dma_wait3A_156] : memref<10128x64xf32, #tpu.memory_space<vmem_shared>> -> memref<80x64xf32, #tpu.memory_space<vmem_shared>>
        %dma_wait3A_158 = arith.constant 0 : i32
        %dma_wait3A_159 = tpu.memref_slice %arg13[%add3A_146, %dma_wait3A_158] : memref<10128x64xf32, #tpu.memory_space<vmem_shared>> -> memref<80x64xf32, #tpu.memory_space<vmem_shared>>
        tpu.wait_dma2 semaphore(%run_scoped3A_151 : memref<!tpu.dma_semaphore, #tpu.memory_space<semaphore_mem>>) src(%arg8 : memref<80x64xf32, #tpu.memory_space<vmem>>) dst(%dma_wait3A_159 : memref<80x64xf32, #tpu.memory_space<vmem_shared>>)
        tpu.yield
      }) : () -> ()
      %add3A_147 = arith.constant 480 : i32
      %add3A_148 = arith.addi %mul3A_134, %add3A_147 : i32
      "tpu.region"() ({
        %run_scoped3A_151 = tpu.sem_alloc : memref<!tpu.dma_semaphore, #tpu.memory_space<semaphore_mem>>
        %dma_start3A_152 = arith.constant 0 : i32
        %dma_start3A_153 = tpu.memref_slice %arg13[%add3A_148, %dma_start3A_152] : memref<10128x64xf32, #tpu.memory_space<vmem_shared>> -> memref<80x64xf32, #tpu.memory_space<vmem_shared>>
        %dma_start3A_154 = arith.constant 0 : i32
        %dma_start3A_155 = tpu.memref_slice %arg13[%add3A_148, %dma_start3A_154] : memref<10128x64xf32, #tpu.memory_space<vmem_shared>> -> memref<80x64xf32, #tpu.memory_space<vmem_shared>>
        tpu.enqueue_dma source(%arg8 : memref<80x64xf32, #tpu.memory_space<vmem>>) target(%dma_start3A_155 : memref<80x64xf32, #tpu.memory_space<vmem_shared>>) target_semaphore(%run_scoped3A_151 : memref<!tpu.dma_semaphore, #tpu.memory_space<semaphore_mem>>)
        %dma_wait3A_156 = arith.constant 0 : i32
        %dma_wait3A_157 = tpu.memref_slice %arg13[%add3A_148, %dma_wait3A_156] : memref<10128x64xf32, #tpu.memory_space<vmem_shared>> -> memref<80x64xf32, #tpu.memory_space<vmem_shared>>
        %dma_wait3A_158 = arith.constant 0 : i32
        %dma_wait3A_159 = tpu.memref_slice %arg13[%add3A_148, %dma_wait3A_158] : memref<10128x64xf32, #tpu.memory_space<vmem_shared>> -> memref<80x64xf32, #tpu.memory_space<vmem_shared>>
        tpu.wait_dma2 semaphore(%run_scoped3A_151 : memref<!tpu.dma_semaphore, #tpu.memory_space<semaphore_mem>>) src(%arg8 : memref<80x64xf32, #tpu.memory_space<vmem>>) dst(%dma_wait3A_159 : memref<80x64xf32, #tpu.memory_space<vmem_shared>>)
        tpu.yield
      }) : () -> ()
      %add3A_149 = arith.constant 560 : i32
      %add3A_150 = arith.addi %mul3A_134, %add3A_149 : i32
      "tpu.region"() ({
        %run_scoped3A_151 = tpu.sem_alloc : memref<!tpu.dma_semaphore, #tpu.memory_space<semaphore_mem>>
        %dma_start3A_152 = arith.constant 0 : i32
        %dma_start3A_153 = arith.constant 0 : i32
        %dma_start3A_154 = tpu.memref_slice %arg8[%dma_start3A_152, %dma_start3A_153] : memref<80x64xf32, #tpu.memory_space<vmem>> -> memref<72x64xf32, #tpu.memory_space<vmem>>
        %dma_start3A_155 = arith.constant 0 : i32
        %dma_start3A_156 = tpu.memref_slice %arg13[%add3A_150, %dma_start3A_155] : memref<10128x64xf32, #tpu.memory_space<vmem_shared>> -> memref<72x64xf32, #tpu.memory_space<vmem_shared>>
        %dma_start3A_157 = arith.constant 0 : i32
        %dma_start3A_158 = tpu.memref_slice %arg13[%add3A_150, %dma_start3A_157] : memref<10128x64xf32, #tpu.memory_space<vmem_shared>> -> memref<72x64xf32, #tpu.memory_space<vmem_shared>>
        %dma_start3A_159 = arith.constant 0 : i32
        %dma_start3A_160 = arith.constant 0 : i32
        %dma_start3A_161 = tpu.memref_slice %arg8[%dma_start3A_159, %dma_start3A_160] : memref<80x64xf32, #tpu.memory_space<vmem>> -> memref<72x64xf32, #tpu.memory_space<vmem>>
        tpu.enqueue_dma source(%dma_start3A_161 : memref<72x64xf32, #tpu.memory_space<vmem>>) target(%dma_start3A_158 : memref<72x64xf32, #tpu.memory_space<vmem_shared>>) target_semaphore(%run_scoped3A_151 : memref<!tpu.dma_semaphore, #tpu.memory_space<semaphore_mem>>)
        %dma_wait3A_162 = arith.constant 0 : i32
        %dma_wait3A_163 = arith.constant 0 : i32
        %dma_wait3A_164 = tpu.memref_slice %arg8[%dma_wait3A_162, %dma_wait3A_163] : memref<80x64xf32, #tpu.memory_space<vmem>> -> memref<72x64xf32, #tpu.memory_space<vmem>>
        %dma_wait3A_165 = arith.constant 0 : i32
        %dma_wait3A_166 = tpu.memref_slice %arg13[%add3A_150, %dma_wait3A_165] : memref<10128x64xf32, #tpu.memory_space<vmem_shared>> -> memref<72x64xf32, #tpu.memory_space<vmem_shared>>
        %dma_wait3A_167 = arith.constant 0 : i32
        %dma_wait3A_168 = tpu.memref_slice %arg13[%add3A_150, %dma_wait3A_167] : memref<10128x64xf32, #tpu.memory_space<vmem_shared>> -> memref<72x64xf32, #tpu.memory_space<vmem_shared>>
        %dma_wait3A_169 = arith.constant 0 : i32
        %dma_wait3A_170 = arith.constant 0 : i32
        %dma_wait3A_171 = tpu.memref_slice %arg8[%dma_wait3A_169, %dma_wait3A_170] : memref<80x64xf32, #tpu.memory_space<vmem>> -> memref<72x64xf32, #tpu.memory_space<vmem>>
        tpu.wait_dma2 semaphore(%run_scoped3A_151 : memref<!tpu.dma_semaphore, #tpu.memory_space<semaphore_mem>>) src(%dma_wait3A_171 : memref<72x64xf32, #tpu.memory_space<vmem>>) dst(%dma_wait3A_168 : memref<72x64xf32, #tpu.memory_space<vmem_shared>>)
        tpu.yield
      }) : () -> ()
    } else {
    }
    %eq3A = arith.constant 15 : i32
    %eq3A_23 = arith.cmpi eq, %arg1, %eq3A : i32
    %convert_element_type3A_24 = arith.extui %eq3A_23 : i1 to i32
    %cond3A_25 = arith.constant 0 : i32
    %cond3A_26 = arith.cmpi ne, %convert_element_type3A_24, %cond3A_25 : i32
    scf.if %cond3A_26 {
      "tpu.region"() ({
        %run_scoped3A_133 = tpu.sem_alloc : memref<!tpu.dma_semaphore, #tpu.memory_space<semaphore_mem>>
        %dma_start3A_134 = arith.constant 9480 : i32
        %dma_start3A_135 = arith.constant 0 : i32
        %dma_start3A_136 = tpu.memref_slice %arg13[%dma_start3A_134, %dma_start3A_135] : memref<10128x64xf32, #tpu.memory_space<vmem_shared>> -> memref<80x64xf32, #tpu.memory_space<vmem_shared>>
        %dma_start3A_137 = arith.constant 9480 : i32
        %dma_start3A_138 = arith.constant 0 : i32
        %dma_start3A_139 = tpu.memref_slice %arg13[%dma_start3A_137, %dma_start3A_138] : memref<10128x64xf32, #tpu.memory_space<vmem_shared>> -> memref<80x64xf32, #tpu.memory_space<vmem_shared>>
        tpu.enqueue_dma source(%arg8 : memref<80x64xf32, #tpu.memory_space<vmem>>) target(%dma_start3A_139 : memref<80x64xf32, #tpu.memory_space<vmem_shared>>) target_semaphore(%run_scoped3A_133 : memref<!tpu.dma_semaphore, #tpu.memory_space<semaphore_mem>>)
        %dma_wait3A_140 = arith.constant 9480 : i32
        %dma_wait3A_141 = arith.constant 0 : i32
        %dma_wait3A_142 = tpu.memref_slice %arg13[%dma_wait3A_140, %dma_wait3A_141] : memref<10128x64xf32, #tpu.memory_space<vmem_shared>> -> memref<80x64xf32, #tpu.memory_space<vmem_shared>>
        %dma_wait3A_143 = arith.constant 9480 : i32
        %dma_wait3A_144 = arith.constant 0 : i32
        %dma_wait3A_145 = tpu.memref_slice %arg13[%dma_wait3A_143, %dma_wait3A_144] : memref<10128x64xf32, #tpu.memory_space<vmem_shared>> -> memref<80x64xf32, #tpu.memory_space<vmem_shared>>
        tpu.wait_dma2 semaphore(%run_scoped3A_133 : memref<!tpu.dma_semaphore, #tpu.memory_space<semaphore_mem>>) src(%arg8 : memref<80x64xf32, #tpu.memory_space<vmem>>) dst(%dma_wait3A_145 : memref<80x64xf32, #tpu.memory_space<vmem_shared>>)
        tpu.yield
      }) : () -> ()
      "tpu.region"() ({
        %run_scoped3A_133 = tpu.sem_alloc : memref<!tpu.dma_semaphore, #tpu.memory_space<semaphore_mem>>
        %dma_start3A_134 = arith.constant 9560 : i32
        %dma_start3A_135 = arith.constant 0 : i32
        %dma_start3A_136 = tpu.memref_slice %arg13[%dma_start3A_134, %dma_start3A_135] : memref<10128x64xf32, #tpu.memory_space<vmem_shared>> -> memref<80x64xf32, #tpu.memory_space<vmem_shared>>
        %dma_start3A_137 = arith.constant 9560 : i32
        %dma_start3A_138 = arith.constant 0 : i32
        %dma_start3A_139 = tpu.memref_slice %arg13[%dma_start3A_137, %dma_start3A_138] : memref<10128x64xf32, #tpu.memory_space<vmem_shared>> -> memref<80x64xf32, #tpu.memory_space<vmem_shared>>
        tpu.enqueue_dma source(%arg8 : memref<80x64xf32, #tpu.memory_space<vmem>>) target(%dma_start3A_139 : memref<80x64xf32, #tpu.memory_space<vmem_shared>>) target_semaphore(%run_scoped3A_133 : memref<!tpu.dma_semaphore, #tpu.memory_space<semaphore_mem>>)
        %dma_wait3A_140 = arith.constant 9560 : i32
        %dma_wait3A_141 = arith.constant 0 : i32
        %dma_wait3A_142 = tpu.memref_slice %arg13[%dma_wait3A_140, %dma_wait3A_141] : memref<10128x64xf32, #tpu.memory_space<vmem_shared>> -> memref<80x64xf32, #tpu.memory_space<vmem_shared>>
        %dma_wait3A_143 = arith.constant 9560 : i32
        %dma_wait3A_144 = arith.constant 0 : i32
        %dma_wait3A_145 = tpu.memref_slice %arg13[%dma_wait3A_143, %dma_wait3A_144] : memref<10128x64xf32, #tpu.memory_space<vmem_shared>> -> memref<80x64xf32, #tpu.memory_space<vmem_shared>>
        tpu.wait_dma2 semaphore(%run_scoped3A_133 : memref<!tpu.dma_semaphore, #tpu.memory_space<semaphore_mem>>) src(%arg8 : memref<80x64xf32, #tpu.memory_space<vmem>>) dst(%dma_wait3A_145 : memref<80x64xf32, #tpu.memory_space<vmem_shared>>)
        tpu.yield
      }) : () -> ()
      "tpu.region"() ({
        %run_scoped3A_133 = tpu.sem_alloc : memref<!tpu.dma_semaphore, #tpu.memory_space<semaphore_mem>>
        %dma_start3A_134 = arith.constant 9640 : i32
        %dma_start3A_135 = arith.constant 0 : i32
        %dma_start3A_136 = tpu.memref_slice %arg13[%dma_start3A_134, %dma_start3A_135] : memref<10128x64xf32, #tpu.memory_space<vmem_shared>> -> memref<80x64xf32, #tpu.memory_space<vmem_shared>>
        %dma_start3A_137 = arith.constant 9640 : i32
        %dma_start3A_138 = arith.constant 0 : i32
        %dma_start3A_139 = tpu.memref_slice %arg13[%dma_start3A_137, %dma_start3A_138] : memref<10128x64xf32, #tpu.memory_space<vmem_shared>> -> memref<80x64xf32, #tpu.memory_space<vmem_shared>>
        tpu.enqueue_dma source(%arg8 : memref<80x64xf32, #tpu.memory_space<vmem>>) target(%dma_start3A_139 : memref<80x64xf32, #tpu.memory_space<vmem_shared>>) target_semaphore(%run_scoped3A_133 : memref<!tpu.dma_semaphore, #tpu.memory_space<semaphore_mem>>)
        %dma_wait3A_140 = arith.constant 9640 : i32
        %dma_wait3A_141 = arith.constant 0 : i32
        %dma_wait3A_142 = tpu.memref_slice %arg13[%dma_wait3A_140, %dma_wait3A_141] : memref<10128x64xf32, #tpu.memory_space<vmem_shared>> -> memref<80x64xf32, #tpu.memory_space<vmem_shared>>
        %dma_wait3A_143 = arith.constant 9640 : i32
        %dma_wait3A_144 = arith.constant 0 : i32
        %dma_wait3A_145 = tpu.memref_slice %arg13[%dma_wait3A_143, %dma_wait3A_144] : memref<10128x64xf32, #tpu.memory_space<vmem_shared>> -> memref<80x64xf32, #tpu.memory_space<vmem_shared>>
        tpu.wait_dma2 semaphore(%run_scoped3A_133 : memref<!tpu.dma_semaphore, #tpu.memory_space<semaphore_mem>>) src(%arg8 : memref<80x64xf32, #tpu.memory_space<vmem>>) dst(%dma_wait3A_145 : memref<80x64xf32, #tpu.memory_space<vmem_shared>>)
        tpu.yield
      }) : () -> ()
      "tpu.region"() ({
        %run_scoped3A_133 = tpu.sem_alloc : memref<!tpu.dma_semaphore, #tpu.memory_space<semaphore_mem>>
        %dma_start3A_134 = arith.constant 9720 : i32
        %dma_start3A_135 = arith.constant 0 : i32
        %dma_start3A_136 = tpu.memref_slice %arg13[%dma_start3A_134, %dma_start3A_135] : memref<10128x64xf32, #tpu.memory_space<vmem_shared>> -> memref<80x64xf32, #tpu.memory_space<vmem_shared>>
        %dma_start3A_137 = arith.constant 9720 : i32
        %dma_start3A_138 = arith.constant 0 : i32
        %dma_start3A_139 = tpu.memref_slice %arg13[%dma_start3A_137, %dma_start3A_138] : memref<10128x64xf32, #tpu.memory_space<vmem_shared>> -> memref<80x64xf32, #tpu.memory_space<vmem_shared>>
        tpu.enqueue_dma source(%arg8 : memref<80x64xf32, #tpu.memory_space<vmem>>) target(%dma_start3A_139 : memref<80x64xf32, #tpu.memory_space<vmem_shared>>) target_semaphore(%run_scoped3A_133 : memref<!tpu.dma_semaphore, #tpu.memory_space<semaphore_mem>>)
        %dma_wait3A_140 = arith.constant 9720 : i32
        %dma_wait3A_141 = arith.constant 0 : i32
        %dma_wait3A_142 = tpu.memref_slice %arg13[%dma_wait3A_140, %dma_wait3A_141] : memref<10128x64xf32, #tpu.memory_space<vmem_shared>> -> memref<80x64xf32, #tpu.memory_space<vmem_shared>>
        %dma_wait3A_143 = arith.constant 9720 : i32
        %dma_wait3A_144 = arith.constant 0 : i32
        %dma_wait3A_145 = tpu.memref_slice %arg13[%dma_wait3A_143, %dma_wait3A_144] : memref<10128x64xf32, #tpu.memory_space<vmem_shared>> -> memref<80x64xf32, #tpu.memory_space<vmem_shared>>
        tpu.wait_dma2 semaphore(%run_scoped3A_133 : memref<!tpu.dma_semaphore, #tpu.memory_space<semaphore_mem>>) src(%arg8 : memref<80x64xf32, #tpu.memory_space<vmem>>) dst(%dma_wait3A_145 : memref<80x64xf32, #tpu.memory_space<vmem_shared>>)
        tpu.yield
      }) : () -> ()
      "tpu.region"() ({
        %run_scoped3A_133 = tpu.sem_alloc : memref<!tpu.dma_semaphore, #tpu.memory_space<semaphore_mem>>
        %dma_start3A_134 = arith.constant 9800 : i32
        %dma_start3A_135 = arith.constant 0 : i32
        %dma_start3A_136 = tpu.memref_slice %arg13[%dma_start3A_134, %dma_start3A_135] : memref<10128x64xf32, #tpu.memory_space<vmem_shared>> -> memref<80x64xf32, #tpu.memory_space<vmem_shared>>
        %dma_start3A_137 = arith.constant 9800 : i32
        %dma_start3A_138 = arith.constant 0 : i32
        %dma_start3A_139 = tpu.memref_slice %arg13[%dma_start3A_137, %dma_start3A_138] : memref<10128x64xf32, #tpu.memory_space<vmem_shared>> -> memref<80x64xf32, #tpu.memory_space<vmem_shared>>
        tpu.enqueue_dma source(%arg8 : memref<80x64xf32, #tpu.memory_space<vmem>>) target(%dma_start3A_139 : memref<80x64xf32, #tpu.memory_space<vmem_shared>>) target_semaphore(%run_scoped3A_133 : memref<!tpu.dma_semaphore, #tpu.memory_space<semaphore_mem>>)
        %dma_wait3A_140 = arith.constant 9800 : i32
        %dma_wait3A_141 = arith.constant 0 : i32
        %dma_wait3A_142 = tpu.memref_slice %arg13[%dma_wait3A_140, %dma_wait3A_141] : memref<10128x64xf32, #tpu.memory_space<vmem_shared>> -> memref<80x64xf32, #tpu.memory_space<vmem_shared>>
        %dma_wait3A_143 = arith.constant 9800 : i32
        %dma_wait3A_144 = arith.constant 0 : i32
        %dma_wait3A_145 = tpu.memref_slice %arg13[%dma_wait3A_143, %dma_wait3A_144] : memref<10128x64xf32, #tpu.memory_space<vmem_shared>> -> memref<80x64xf32, #tpu.memory_space<vmem_shared>>
        tpu.wait_dma2 semaphore(%run_scoped3A_133 : memref<!tpu.dma_semaphore, #tpu.memory_space<semaphore_mem>>) src(%arg8 : memref<80x64xf32, #tpu.memory_space<vmem>>) dst(%dma_wait3A_145 : memref<80x64xf32, #tpu.memory_space<vmem_shared>>)
        tpu.yield
      }) : () -> ()
      "tpu.region"() ({
        %run_scoped3A_133 = tpu.sem_alloc : memref<!tpu.dma_semaphore, #tpu.memory_space<semaphore_mem>>
        %dma_start3A_134 = arith.constant 9880 : i32
        %dma_start3A_135 = arith.constant 0 : i32
        %dma_start3A_136 = tpu.memref_slice %arg13[%dma_start3A_134, %dma_start3A_135] : memref<10128x64xf32, #tpu.memory_space<vmem_shared>> -> memref<80x64xf32, #tpu.memory_space<vmem_shared>>
        %dma_start3A_137 = arith.constant 9880 : i32
        %dma_start3A_138 = arith.constant 0 : i32
        %dma_start3A_139 = tpu.memref_slice %arg13[%dma_start3A_137, %dma_start3A_138] : memref<10128x64xf32, #tpu.memory_space<vmem_shared>> -> memref<80x64xf32, #tpu.memory_space<vmem_shared>>
        tpu.enqueue_dma source(%arg8 : memref<80x64xf32, #tpu.memory_space<vmem>>) target(%dma_start3A_139 : memref<80x64xf32, #tpu.memory_space<vmem_shared>>) target_semaphore(%run_scoped3A_133 : memref<!tpu.dma_semaphore, #tpu.memory_space<semaphore_mem>>)
        %dma_wait3A_140 = arith.constant 9880 : i32
        %dma_wait3A_141 = arith.constant 0 : i32
        %dma_wait3A_142 = tpu.memref_slice %arg13[%dma_wait3A_140, %dma_wait3A_141] : memref<10128x64xf32, #tpu.memory_space<vmem_shared>> -> memref<80x64xf32, #tpu.memory_space<vmem_shared>>
        %dma_wait3A_143 = arith.constant 9880 : i32
        %dma_wait3A_144 = arith.constant 0 : i32
        %dma_wait3A_145 = tpu.memref_slice %arg13[%dma_wait3A_143, %dma_wait3A_144] : memref<10128x64xf32, #tpu.memory_space<vmem_shared>> -> memref<80x64xf32, #tpu.memory_space<vmem_shared>>
        tpu.wait_dma2 semaphore(%run_scoped3A_133 : memref<!tpu.dma_semaphore, #tpu.memory_space<semaphore_mem>>) src(%arg8 : memref<80x64xf32, #tpu.memory_space<vmem>>) dst(%dma_wait3A_145 : memref<80x64xf32, #tpu.memory_space<vmem_shared>>)
        tpu.yield
      }) : () -> ()
      "tpu.region"() ({
        %run_scoped3A_133 = tpu.sem_alloc : memref<!tpu.dma_semaphore, #tpu.memory_space<semaphore_mem>>
        %dma_start3A_134 = arith.constant 0 : i32
        %dma_start3A_135 = arith.constant 0 : i32
        %dma_start3A_136 = tpu.memref_slice %arg8[%dma_start3A_134, %dma_start3A_135] : memref<80x64xf32, #tpu.memory_space<vmem>> -> memref<40x64xf32, #tpu.memory_space<vmem>>
        %dma_start3A_137 = arith.constant 9960 : i32
        %dma_start3A_138 = arith.constant 0 : i32
        %dma_start3A_139 = tpu.memref_slice %arg13[%dma_start3A_137, %dma_start3A_138] : memref<10128x64xf32, #tpu.memory_space<vmem_shared>> -> memref<40x64xf32, #tpu.memory_space<vmem_shared>>
        %dma_start3A_140 = arith.constant 9960 : i32
        %dma_start3A_141 = arith.constant 0 : i32
        %dma_start3A_142 = tpu.memref_slice %arg13[%dma_start3A_140, %dma_start3A_141] : memref<10128x64xf32, #tpu.memory_space<vmem_shared>> -> memref<40x64xf32, #tpu.memory_space<vmem_shared>>
        %dma_start3A_143 = arith.constant 0 : i32
        %dma_start3A_144 = arith.constant 0 : i32
        %dma_start3A_145 = tpu.memref_slice %arg8[%dma_start3A_143, %dma_start3A_144] : memref<80x64xf32, #tpu.memory_space<vmem>> -> memref<40x64xf32, #tpu.memory_space<vmem>>
        tpu.enqueue_dma source(%dma_start3A_145 : memref<40x64xf32, #tpu.memory_space<vmem>>) target(%dma_start3A_142 : memref<40x64xf32, #tpu.memory_space<vmem_shared>>) target_semaphore(%run_scoped3A_133 : memref<!tpu.dma_semaphore, #tpu.memory_space<semaphore_mem>>)
        %dma_wait3A_146 = arith.constant 0 : i32
        %dma_wait3A_147 = arith.constant 0 : i32
        %dma_wait3A_148 = tpu.memref_slice %arg8[%dma_wait3A_146, %dma_wait3A_147] : memref<80x64xf32, #tpu.memory_space<vmem>> -> memref<40x64xf32, #tpu.memory_space<vmem>>
        %dma_wait3A_149 = arith.constant 9960 : i32
        %dma_wait3A_150 = arith.constant 0 : i32
        %dma_wait3A_151 = tpu.memref_slice %arg13[%dma_wait3A_149, %dma_wait3A_150] : memref<10128x64xf32, #tpu.memory_space<vmem_shared>> -> memref<40x64xf32, #tpu.memory_space<vmem_shared>>
        %dma_wait3A_152 = arith.constant 9960 : i32
        %dma_wait3A_153 = arith.constant 0 : i32
        %dma_wait3A_154 = tpu.memref_slice %arg13[%dma_wait3A_152, %dma_wait3A_153] : memref<10128x64xf32, #tpu.memory_space<vmem_shared>> -> memref<40x64xf32, #tpu.memory_space<vmem_shared>>
        %dma_wait3A_155 = arith.constant 0 : i32
        %dma_wait3A_156 = arith.constant 0 : i32
        %dma_wait3A_157 = tpu.memref_slice %arg8[%dma_wait3A_155, %dma_wait3A_156] : memref<80x64xf32, #tpu.memory_space<vmem>> -> memref<40x64xf32, #tpu.memory_space<vmem>>
        tpu.wait_dma2 semaphore(%run_scoped3A_133 : memref<!tpu.dma_semaphore, #tpu.memory_space<semaphore_mem>>) src(%dma_wait3A_157 : memref<40x64xf32, #tpu.memory_space<vmem>>) dst(%dma_wait3A_154 : memref<40x64xf32, #tpu.memory_space<vmem_shared>>)
        tpu.yield
      }) : () -> ()
    } else {
    }
    %dma_wait3A = arith.constant 0 : i32
    %dma_wait3A_27 = arith.constant 0 : i32
    %dma_wait3A_28 = tpu.memref_slice %arg3[%add3A, %dma_wait3A, %dma_wait3A_27] : memref<32x125x80xi32, #tpu.memory_space<hbm>> -> memref<1x125x80xi32, #tpu.memory_space<hbm>>
    %dma_wait3A_29 = tpu.memref_squeeze %dma_wait3A_28 : memref<1x125x80xi32, #tpu.memory_space<hbm>> -> memref<125x80xi32, #tpu.memory_space<hbm>>
    %dma_wait3A_30 = arith.constant 0 : i32
    %dma_wait3A_31 = arith.constant 0 : i32
    %dma_wait3A_32 = tpu.memref_slice %arg3[%add3A, %dma_wait3A_30, %dma_wait3A_31] : memref<32x125x80xi32, #tpu.memory_space<hbm>> -> memref<1x125x80xi32, #tpu.memory_space<hbm>>
    %dma_wait3A_33 = tpu.memref_squeeze %dma_wait3A_32 : memref<1x125x80xi32, #tpu.memory_space<hbm>> -> memref<125x80xi32, #tpu.memory_space<hbm>>
    tpu.wait_dma2 semaphore(%arg14 : memref<!tpu.dma_semaphore, #tpu.memory_space<semaphore_mem>>) src(%dma_wait3A_33 : memref<125x80xi32, #tpu.memory_space<hbm>>) dst(%arg6 : memref<125x80xi32, #tpu.memory_space<vmem>>)
    %dma_wait3A_34 = arith.constant 0 : i32
    %dma_wait3A_35 = arith.constant 0 : i32
    %dma_wait3A_36 = tpu.memref_slice %arg4[%add3A, %dma_wait3A_34, %dma_wait3A_35] : memref<32x125x80xi32, #tpu.memory_space<hbm>> -> memref<1x125x80xi32, #tpu.memory_space<hbm>>
    %dma_wait3A_37 = tpu.memref_squeeze %dma_wait3A_36 : memref<1x125x80xi32, #tpu.memory_space<hbm>> -> memref<125x80xi32, #tpu.memory_space<hbm>>
    %dma_wait3A_38 = arith.constant 0 : i32
    %dma_wait3A_39 = arith.constant 0 : i32
    %dma_wait3A_40 = tpu.memref_slice %arg4[%add3A, %dma_wait3A_38, %dma_wait3A_39] : memref<32x125x80xi32, #tpu.memory_space<hbm>> -> memref<1x125x80xi32, #tpu.memory_space<hbm>>
    %dma_wait3A_41 = tpu.memref_squeeze %dma_wait3A_40 : memref<1x125x80xi32, #tpu.memory_space<hbm>> -> memref<125x80xi32, #tpu.memory_space<hbm>>
    tpu.wait_dma2 semaphore(%arg15 : memref<!tpu.dma_semaphore, #tpu.memory_space<semaphore_mem>>) src(%dma_wait3A_41 : memref<125x80xi32, #tpu.memory_space<hbm>>) dst(%arg7 : memref<125x80xi32, #tpu.memory_space<vmem>>)
    %barrier3A = arith.constant 0 : index
    tpu.barrier barrier_id(%barrier3A)
    %dma_start3A_42 = arith.constant 0 : i32
    %dma_start3A_43 = arith.constant 0 : i32
    %dma_start3A_44 = tpu.memref_slice %arg6[%dma_start3A_42, %dma_start3A_43] : memref<125x80xi32, #tpu.memory_space<vmem>> -> memref<1x80xi32, #tpu.memory_space<vmem>>
    %dma_start3A_45 = tpu.memref_squeeze %dma_start3A_44 : memref<1x80xi32, #tpu.memory_space<vmem>> -> memref<80xi32, #tpu.memory_space<vmem>>
    %dma_start3A_46 = arith.constant 0 : i32
    %dma_start3A_47 = arith.constant 0 : i32
    %dma_start3A_48 = tpu.memref_slice %arg2[%dma_start3A_46, %dma_start3A_47] : memref<10000x64xf32, #tpu.memory_space<hbm>> -> memref<10000x64xf32, #tpu.memory_space<hbm>>
    tpu.enqueue_indirect_dma source(%dma_start3A_48 : memref<10000x64xf32, #tpu.memory_space<hbm>>) target(%arg8 : memref<80x64xf32, #tpu.memory_space<vmem>>) offsets(%dma_start3A_45 : memref<80xi32, #tpu.memory_space<vmem>>) semaphore(%arg14 : memref<!tpu.dma_semaphore, #tpu.memory_space<semaphore_mem>>)
    %dma_start3A_49 = arith.constant 1 : i32
    %dma_start3A_50 = arith.constant 0 : i32
    %dma_start3A_51 = tpu.memref_slice %arg6[%dma_start3A_49, %dma_start3A_50] : memref<125x80xi32, #tpu.memory_space<vmem>> -> memref<1x80xi32, #tpu.memory_space<vmem>>
    %dma_start3A_52 = tpu.memref_squeeze %dma_start3A_51 : memref<1x80xi32, #tpu.memory_space<vmem>> -> memref<80xi32, #tpu.memory_space<vmem>>
    %dma_start3A_53 = arith.constant 0 : i32
    %dma_start3A_54 = arith.constant 0 : i32
    %dma_start3A_55 = tpu.memref_slice %arg2[%dma_start3A_53, %dma_start3A_54] : memref<10000x64xf32, #tpu.memory_space<hbm>> -> memref<10000x64xf32, #tpu.memory_space<hbm>>
    tpu.enqueue_indirect_dma source(%dma_start3A_55 : memref<10000x64xf32, #tpu.memory_space<hbm>>) target(%arg9 : memref<80x64xf32, #tpu.memory_space<vmem>>) offsets(%dma_start3A_52 : memref<80xi32, #tpu.memory_space<vmem>>) semaphore(%arg15 : memref<!tpu.dma_semaphore, #tpu.memory_space<semaphore_mem>>)
    %dma_start3A_56 = arith.constant 2 : i32
    %dma_start3A_57 = arith.constant 0 : i32
    %dma_start3A_58 = tpu.memref_slice %arg6[%dma_start3A_56, %dma_start3A_57] : memref<125x80xi32, #tpu.memory_space<vmem>> -> memref<1x80xi32, #tpu.memory_space<vmem>>
    %dma_start3A_59 = tpu.memref_squeeze %dma_start3A_58 : memref<1x80xi32, #tpu.memory_space<vmem>> -> memref<80xi32, #tpu.memory_space<vmem>>
    %dma_start3A_60 = arith.constant 0 : i32
    %dma_start3A_61 = arith.constant 0 : i32
    %dma_start3A_62 = tpu.memref_slice %arg2[%dma_start3A_60, %dma_start3A_61] : memref<10000x64xf32, #tpu.memory_space<hbm>> -> memref<10000x64xf32, #tpu.memory_space<hbm>>
    tpu.enqueue_indirect_dma source(%dma_start3A_62 : memref<10000x64xf32, #tpu.memory_space<hbm>>) target(%arg10 : memref<80x64xf32, #tpu.memory_space<vmem>>) offsets(%dma_start3A_59 : memref<80xi32, #tpu.memory_space<vmem>>) semaphore(%arg16 : memref<!tpu.dma_semaphore, #tpu.memory_space<semaphore_mem>>)
    %dma_start3A_63 = arith.constant 3 : i32
    %dma_start3A_64 = arith.constant 0 : i32
    %dma_start3A_65 = tpu.memref_slice %arg6[%dma_start3A_63, %dma_start3A_64] : memref<125x80xi32, #tpu.memory_space<vmem>> -> memref<1x80xi32, #tpu.memory_space<vmem>>
    %dma_start3A_66 = tpu.memref_squeeze %dma_start3A_65 : memref<1x80xi32, #tpu.memory_space<vmem>> -> memref<80xi32, #tpu.memory_space<vmem>>
    %dma_start3A_67 = arith.constant 0 : i32
    %dma_start3A_68 = arith.constant 0 : i32
    %dma_start3A_69 = tpu.memref_slice %arg2[%dma_start3A_67, %dma_start3A_68] : memref<10000x64xf32, #tpu.memory_space<hbm>> -> memref<10000x64xf32, #tpu.memory_space<hbm>>
    tpu.enqueue_indirect_dma source(%dma_start3A_69 : memref<10000x64xf32, #tpu.memory_space<hbm>>) target(%arg11 : memref<80x64xf32, #tpu.memory_space<vmem>>) offsets(%dma_start3A_66 : memref<80xi32, #tpu.memory_space<vmem>>) semaphore(%arg17 : memref<!tpu.dma_semaphore, #tpu.memory_space<semaphore_mem>>)
    %dma_start3A_70 = arith.constant 4 : i32
    %dma_start3A_71 = arith.constant 0 : i32
    %dma_start3A_72 = tpu.memref_slice %arg6[%dma_start3A_70, %dma_start3A_71] : memref<125x80xi32, #tpu.memory_space<vmem>> -> memref<1x80xi32, #tpu.memory_space<vmem>>
    %dma_start3A_73 = tpu.memref_squeeze %dma_start3A_72 : memref<1x80xi32, #tpu.memory_space<vmem>> -> memref<80xi32, #tpu.memory_space<vmem>>
    %dma_start3A_74 = arith.constant 0 : i32
    %dma_start3A_75 = arith.constant 0 : i32
    %dma_start3A_76 = tpu.memref_slice %arg2[%dma_start3A_74, %dma_start3A_75] : memref<10000x64xf32, #tpu.memory_space<hbm>> -> memref<10000x64xf32, #tpu.memory_space<hbm>>
    tpu.enqueue_indirect_dma source(%dma_start3A_76 : memref<10000x64xf32, #tpu.memory_space<hbm>>) target(%arg12 : memref<80x64xf32, #tpu.memory_space<vmem>>) offsets(%dma_start3A_73 : memref<80xi32, #tpu.memory_space<vmem>>) semaphore(%arg18 : memref<!tpu.dma_semaphore, #tpu.memory_space<semaphore_mem>>)
    %scan3A_77 = arith.constant 0 : i32
    %scan3A_78 = arith.constant 0 : i32
    %scan3A_79 = arith.constant 24 : i32
    %scan3A_80 = arith.addi %scan3A_78, %scan3A_79 : i32
    %scan3A_81 = arith.constant 1 : i32
    scf.for %scan3A_133 = %scan3A_78 to %scan3A_80 step %scan3A_81  : i32 {
      %mul3A_134 = arith.constant 5 : i32
      %mul3A_135 = arith.muli %scan3A_133, %mul3A_134 : i32
      %add3A_136 = arith.constant 0 : i32
      %add3A_137 = arith.addi %mul3A_135, %add3A_136 : i32
      %dma_wait3A_138 = arith.constant 0 : i32
      %dma_wait3A_139 = tpu.memref_slice %arg6[%add3A_137, %dma_wait3A_138] : memref<125x80xi32, #tpu.memory_space<vmem>> -> memref<1x80xi32, #tpu.memory_space<vmem>>
      %dma_wait3A_140 = tpu.memref_squeeze %dma_wait3A_139 : memref<1x80xi32, #tpu.memory_space<vmem>> -> memref<80xi32, #tpu.memory_space<vmem>>
      %dma_wait3A_141 = arith.constant 0 : i32
      %dma_wait3A_142 = arith.constant 0 : i32
      %dma_wait3A_143 = tpu.memref_slice %arg2[%dma_wait3A_141, %dma_wait3A_142] : memref<10000x64xf32, #tpu.memory_space<hbm>> -> memref<10000x64xf32, #tpu.memory_space<hbm>>
      tpu.wait_indirect_dma semaphore(%arg14 : memref<!tpu.dma_semaphore, #tpu.memory_space<semaphore_mem>>) src(%dma_wait3A_143 : memref<10000x64xf32, #tpu.memory_space<hbm>>) dst(%arg8 : memref<80x64xf32, #tpu.memory_space<vmem>>)
      "tpu.region"() ({
        %run_scoped3A_224 = tpu.sem_alloc : memref<!tpu.dma_semaphore, #tpu.memory_space<semaphore_mem>>
        %dma_start3A_225 = arith.constant 0 : i32
        %dma_start3A_226 = tpu.memref_slice %arg7[%add3A_137, %dma_start3A_225] : memref<125x80xi32, #tpu.memory_space<vmem>> -> memref<1x80xi32, #tpu.memory_space<vmem>>
        %dma_start3A_227 = tpu.memref_squeeze %dma_start3A_226 : memref<1x80xi32, #tpu.memory_space<vmem>> -> memref<80xi32, #tpu.memory_space<vmem>>
        %dma_start3A_228 = arith.constant 0 : i32
        %dma_start3A_229 = arith.constant 0 : i32
        %dma_start3A_230 = tpu.memref_slice %arg13[%dma_start3A_228, %dma_start3A_229] : memref<10128x64xf32, #tpu.memory_space<vmem_shared>> -> memref<10128x64xf32, #tpu.memory_space<vmem_shared>>
        tpu.enqueue_indirect_dma source(%arg8 : memref<80x64xf32, #tpu.memory_space<vmem>>) target(%dma_start3A_230 : memref<10128x64xf32, #tpu.memory_space<vmem_shared>>) offsets(%dma_start3A_227 : memref<80xi32, #tpu.memory_space<vmem>>) semaphore(%run_scoped3A_224 : memref<!tpu.dma_semaphore, #tpu.memory_space<semaphore_mem>>) {add = true}
        %dma_wait3A_231 = arith.constant 0 : i32
        %dma_wait3A_232 = tpu.memref_slice %arg7[%add3A_137, %dma_wait3A_231] : memref<125x80xi32, #tpu.memory_space<vmem>> -> memref<1x80xi32, #tpu.memory_space<vmem>>
        %dma_wait3A_233 = tpu.memref_squeeze %dma_wait3A_232 : memref<1x80xi32, #tpu.memory_space<vmem>> -> memref<80xi32, #tpu.memory_space<vmem>>
        %dma_wait3A_234 = arith.constant 0 : i32
        %dma_wait3A_235 = arith.constant 0 : i32
        %dma_wait3A_236 = tpu.memref_slice %arg13[%dma_wait3A_234, %dma_wait3A_235] : memref<10128x64xf32, #tpu.memory_space<vmem_shared>> -> memref<10128x64xf32, #tpu.memory_space<vmem_shared>>
        tpu.wait_indirect_dma semaphore(%run_scoped3A_224 : memref<!tpu.dma_semaphore, #tpu.memory_space<semaphore_mem>>) src(%arg8 : memref<80x64xf32, #tpu.memory_space<vmem>>) dst(%dma_wait3A_236 : memref<10128x64xf32, #tpu.memory_space<vmem_shared>>)
        tpu.yield
      }) : () -> ()
      %add3A_144 = arith.constant 5 : i32
      %add3A_145 = arith.addi %add3A_137, %add3A_144 : i32
      %dma_start3A_146 = arith.constant 0 : i32
      %dma_start3A_147 = tpu.memref_slice %arg6[%add3A_145, %dma_start3A_146] : memref<125x80xi32, #tpu.memory_space<vmem>> -> memref<1x80xi32, #tpu.memory_space<vmem>>
      %dma_start3A_148 = tpu.memref_squeeze %dma_start3A_147 : memref<1x80xi32, #tpu.memory_space<vmem>> -> memref<80xi32, #tpu.memory_space<vmem>>
      %dma_start3A_149 = arith.constant 0 : i32
      %dma_start3A_150 = arith.constant 0 : i32
      %dma_start3A_151 = tpu.memref_slice %arg2[%dma_start3A_149, %dma_start3A_150] : memref<10000x64xf32, #tpu.memory_space<hbm>> -> memref<10000x64xf32, #tpu.memory_space<hbm>>
      tpu.enqueue_indirect_dma source(%dma_start3A_151 : memref<10000x64xf32, #tpu.memory_space<hbm>>) target(%arg8 : memref<80x64xf32, #tpu.memory_space<vmem>>) offsets(%dma_start3A_148 : memref<80xi32, #tpu.memory_space<vmem>>) semaphore(%arg14 : memref<!tpu.dma_semaphore, #tpu.memory_space<semaphore_mem>>)
      %mul3A_152 = arith.constant 5 : i32
      %mul3A_153 = arith.muli %scan3A_133, %mul3A_152 : i32
      %add3A_154 = arith.constant 1 : i32
      %add3A_155 = arith.addi %mul3A_153, %add3A_154 : i32
      %dma_wait3A_156 = arith.constant 0 : i32
      %dma_wait3A_157 = tpu.memref_slice %arg6[%add3A_155, %dma_wait3A_156] : memref<125x80xi32, #tpu.memory_space<vmem>> -> memref<1x80xi32, #tpu.memory_space<vmem>>
      %dma_wait3A_158 = tpu.memref_squeeze %dma_wait3A_157 : memref<1x80xi32, #tpu.memory_space<vmem>> -> memref<80xi32, #tpu.memory_space<vmem>>
      %dma_wait3A_159 = arith.constant 0 : i32
      %dma_wait3A_160 = arith.constant 0 : i32
      %dma_wait3A_161 = tpu.memref_slice %arg2[%dma_wait3A_159, %dma_wait3A_160] : memref<10000x64xf32, #tpu.memory_space<hbm>> -> memref<10000x64xf32, #tpu.memory_space<hbm>>
      tpu.wait_indirect_dma semaphore(%arg15 : memref<!tpu.dma_semaphore, #tpu.memory_space<semaphore_mem>>) src(%dma_wait3A_161 : memref<10000x64xf32, #tpu.memory_space<hbm>>) dst(%arg9 : memref<80x64xf32, #tpu.memory_space<vmem>>)
      "tpu.region"() ({
        %run_scoped3A_224 = tpu.sem_alloc : memref<!tpu.dma_semaphore, #tpu.memory_space<semaphore_mem>>
        %dma_start3A_225 = arith.constant 0 : i32
        %dma_start3A_226 = tpu.memref_slice %arg7[%add3A_155, %dma_start3A_225] : memref<125x80xi32, #tpu.memory_space<vmem>> -> memref<1x80xi32, #tpu.memory_space<vmem>>
        %dma_start3A_227 = tpu.memref_squeeze %dma_start3A_226 : memref<1x80xi32, #tpu.memory_space<vmem>> -> memref<80xi32, #tpu.memory_space<vmem>>
        %dma_start3A_228 = arith.constant 0 : i32
        %dma_start3A_229 = arith.constant 0 : i32
        %dma_start3A_230 = tpu.memref_slice %arg13[%dma_start3A_228, %dma_start3A_229] : memref<10128x64xf32, #tpu.memory_space<vmem_shared>> -> memref<10128x64xf32, #tpu.memory_space<vmem_shared>>
        tpu.enqueue_indirect_dma source(%arg9 : memref<80x64xf32, #tpu.memory_space<vmem>>) target(%dma_start3A_230 : memref<10128x64xf32, #tpu.memory_space<vmem_shared>>) offsets(%dma_start3A_227 : memref<80xi32, #tpu.memory_space<vmem>>) semaphore(%run_scoped3A_224 : memref<!tpu.dma_semaphore, #tpu.memory_space<semaphore_mem>>) {add = true}
        %dma_wait3A_231 = arith.constant 0 : i32
        %dma_wait3A_232 = tpu.memref_slice %arg7[%add3A_155, %dma_wait3A_231] : memref<125x80xi32, #tpu.memory_space<vmem>> -> memref<1x80xi32, #tpu.memory_space<vmem>>
        %dma_wait3A_233 = tpu.memref_squeeze %dma_wait3A_232 : memref<1x80xi32, #tpu.memory_space<vmem>> -> memref<80xi32, #tpu.memory_space<vmem>>
        %dma_wait3A_234 = arith.constant 0 : i32
        %dma_wait3A_235 = arith.constant 0 : i32
        %dma_wait3A_236 = tpu.memref_slice %arg13[%dma_wait3A_234, %dma_wait3A_235] : memref<10128x64xf32, #tpu.memory_space<vmem_shared>> -> memref<10128x64xf32, #tpu.memory_space<vmem_shared>>
        tpu.wait_indirect_dma semaphore(%run_scoped3A_224 : memref<!tpu.dma_semaphore, #tpu.memory_space<semaphore_mem>>) src(%arg9 : memref<80x64xf32, #tpu.memory_space<vmem>>) dst(%dma_wait3A_236 : memref<10128x64xf32, #tpu.memory_space<vmem_shared>>)
        tpu.yield
      }) : () -> ()
      %add3A_162 = arith.constant 5 : i32
      %add3A_163 = arith.addi %add3A_155, %add3A_162 : i32
      %dma_start3A_164 = arith.constant 0 : i32
      %dma_start3A_165 = tpu.memref_slice %arg6[%add3A_163, %dma_start3A_164] : memref<125x80xi32, #tpu.memory_space<vmem>> -> memref<1x80xi32, #tpu.memory_space<vmem>>
      %dma_start3A_166 = tpu.memref_squeeze %dma_start3A_165 : memref<1x80xi32, #tpu.memory_space<vmem>> -> memref<80xi32, #tpu.memory_space<vmem>>
      %dma_start3A_167 = arith.constant 0 : i32
      %dma_start3A_168 = arith.constant 0 : i32
      %dma_start3A_169 = tpu.memref_slice %arg2[%dma_start3A_167, %dma_start3A_168] : memref<10000x64xf32, #tpu.memory_space<hbm>> -> memref<10000x64xf32, #tpu.memory_space<hbm>>
      tpu.enqueue_indirect_dma source(%dma_start3A_169 : memref<10000x64xf32, #tpu.memory_space<hbm>>) target(%arg9 : memref<80x64xf32, #tpu.memory_space<vmem>>) offsets(%dma_start3A_166 : memref<80xi32, #tpu.memory_space<vmem>>) semaphore(%arg15 : memref<!tpu.dma_semaphore, #tpu.memory_space<semaphore_mem>>)
      %mul3A_170 = arith.constant 5 : i32
      %mul3A_171 = arith.muli %scan3A_133, %mul3A_170 : i32
      %add3A_172 = arith.constant 2 : i32
      %add3A_173 = arith.addi %mul3A_171, %add3A_172 : i32
      %dma_wait3A_174 = arith.constant 0 : i32
      %dma_wait3A_175 = tpu.memref_slice %arg6[%add3A_173, %dma_wait3A_174] : memref<125x80xi32, #tpu.memory_space<vmem>> -> memref<1x80xi32, #tpu.memory_space<vmem>>
      %dma_wait3A_176 = tpu.memref_squeeze %dma_wait3A_175 : memref<1x80xi32, #tpu.memory_space<vmem>> -> memref<80xi32, #tpu.memory_space<vmem>>
      %dma_wait3A_177 = arith.constant 0 : i32
      %dma_wait3A_178 = arith.constant 0 : i32
      %dma_wait3A_179 = tpu.memref_slice %arg2[%dma_wait3A_177, %dma_wait3A_178] : memref<10000x64xf32, #tpu.memory_space<hbm>> -> memref<10000x64xf32, #tpu.memory_space<hbm>>
      tpu.wait_indirect_dma semaphore(%arg16 : memref<!tpu.dma_semaphore, #tpu.memory_space<semaphore_mem>>) src(%dma_wait3A_179 : memref<10000x64xf32, #tpu.memory_space<hbm>>) dst(%arg10 : memref<80x64xf32, #tpu.memory_space<vmem>>)
      "tpu.region"() ({
        %run_scoped3A_224 = tpu.sem_alloc : memref<!tpu.dma_semaphore, #tpu.memory_space<semaphore_mem>>
        %dma_start3A_225 = arith.constant 0 : i32
        %dma_start3A_226 = tpu.memref_slice %arg7[%add3A_173, %dma_start3A_225] : memref<125x80xi32, #tpu.memory_space<vmem>> -> memref<1x80xi32, #tpu.memory_space<vmem>>
        %dma_start3A_227 = tpu.memref_squeeze %dma_start3A_226 : memref<1x80xi32, #tpu.memory_space<vmem>> -> memref<80xi32, #tpu.memory_space<vmem>>
        %dma_start3A_228 = arith.constant 0 : i32
        %dma_start3A_229 = arith.constant 0 : i32
        %dma_start3A_230 = tpu.memref_slice %arg13[%dma_start3A_228, %dma_start3A_229] : memref<10128x64xf32, #tpu.memory_space<vmem_shared>> -> memref<10128x64xf32, #tpu.memory_space<vmem_shared>>
        tpu.enqueue_indirect_dma source(%arg10 : memref<80x64xf32, #tpu.memory_space<vmem>>) target(%dma_start3A_230 : memref<10128x64xf32, #tpu.memory_space<vmem_shared>>) offsets(%dma_start3A_227 : memref<80xi32, #tpu.memory_space<vmem>>) semaphore(%run_scoped3A_224 : memref<!tpu.dma_semaphore, #tpu.memory_space<semaphore_mem>>) {add = true}
        %dma_wait3A_231 = arith.constant 0 : i32
        %dma_wait3A_232 = tpu.memref_slice %arg7[%add3A_173, %dma_wait3A_231] : memref<125x80xi32, #tpu.memory_space<vmem>> -> memref<1x80xi32, #tpu.memory_space<vmem>>
        %dma_wait3A_233 = tpu.memref_squeeze %dma_wait3A_232 : memref<1x80xi32, #tpu.memory_space<vmem>> -> memref<80xi32, #tpu.memory_space<vmem>>
        %dma_wait3A_234 = arith.constant 0 : i32
        %dma_wait3A_235 = arith.constant 0 : i32
        %dma_wait3A_236 = tpu.memref_slice %arg13[%dma_wait3A_234, %dma_wait3A_235] : memref<10128x64xf32, #tpu.memory_space<vmem_shared>> -> memref<10128x64xf32, #tpu.memory_space<vmem_shared>>
        tpu.wait_indirect_dma semaphore(%run_scoped3A_224 : memref<!tpu.dma_semaphore, #tpu.memory_space<semaphore_mem>>) src(%arg10 : memref<80x64xf32, #tpu.memory_space<vmem>>) dst(%dma_wait3A_236 : memref<10128x64xf32, #tpu.memory_space<vmem_shared>>)
        tpu.yield
      }) : () -> ()
      %add3A_180 = arith.constant 5 : i32
      %add3A_181 = arith.addi %add3A_173, %add3A_180 : i32
      %dma_start3A_182 = arith.constant 0 : i32
      %dma_start3A_183 = tpu.memref_slice %arg6[%add3A_181, %dma_start3A_182] : memref<125x80xi32, #tpu.memory_space<vmem>> -> memref<1x80xi32, #tpu.memory_space<vmem>>
      %dma_start3A_184 = tpu.memref_squeeze %dma_start3A_183 : memref<1x80xi32, #tpu.memory_space<vmem>> -> memref<80xi32, #tpu.memory_space<vmem>>
      %dma_start3A_185 = arith.constant 0 : i32
      %dma_start3A_186 = arith.constant 0 : i32
      %dma_start3A_187 = tpu.memref_slice %arg2[%dma_start3A_185, %dma_start3A_186] : memref<10000x64xf32, #tpu.memory_space<hbm>> -> memref<10000x64xf32, #tpu.memory_space<hbm>>
      tpu.enqueue_indirect_dma source(%dma_start3A_187 : memref<10000x64xf32, #tpu.memory_space<hbm>>) target(%arg10 : memref<80x64xf32, #tpu.memory_space<vmem>>) offsets(%dma_start3A_184 : memref<80xi32, #tpu.memory_space<vmem>>) semaphore(%arg16 : memref<!tpu.dma_semaphore, #tpu.memory_space<semaphore_mem>>)
      %mul3A_188 = arith.constant 5 : i32
      %mul3A_189 = arith.muli %scan3A_133, %mul3A_188 : i32
      %add3A_190 = arith.constant 3 : i32
      %add3A_191 = arith.addi %mul3A_189, %add3A_190 : i32
      %dma_wait3A_192 = arith.constant 0 : i32
      %dma_wait3A_193 = tpu.memref_slice %arg6[%add3A_191, %dma_wait3A_192] : memref<125x80xi32, #tpu.memory_space<vmem>> -> memref<1x80xi32, #tpu.memory_space<vmem>>
      %dma_wait3A_194 = tpu.memref_squeeze %dma_wait3A_193 : memref<1x80xi32, #tpu.memory_space<vmem>> -> memref<80xi32, #tpu.memory_space<vmem>>
      %dma_wait3A_195 = arith.constant 0 : i32
      %dma_wait3A_196 = arith.constant 0 : i32
      %dma_wait3A_197 = tpu.memref_slice %arg2[%dma_wait3A_195, %dma_wait3A_196] : memref<10000x64xf32, #tpu.memory_space<hbm>> -> memref<10000x64xf32, #tpu.memory_space<hbm>>
      tpu.wait_indirect_dma semaphore(%arg17 : memref<!tpu.dma_semaphore, #tpu.memory_space<semaphore_mem>>) src(%dma_wait3A_197 : memref<10000x64xf32, #tpu.memory_space<hbm>>) dst(%arg11 : memref<80x64xf32, #tpu.memory_space<vmem>>)
      "tpu.region"() ({
        %run_scoped3A_224 = tpu.sem_alloc : memref<!tpu.dma_semaphore, #tpu.memory_space<semaphore_mem>>
        %dma_start3A_225 = arith.constant 0 : i32
        %dma_start3A_226 = tpu.memref_slice %arg7[%add3A_191, %dma_start3A_225] : memref<125x80xi32, #tpu.memory_space<vmem>> -> memref<1x80xi32, #tpu.memory_space<vmem>>
        %dma_start3A_227 = tpu.memref_squeeze %dma_start3A_226 : memref<1x80xi32, #tpu.memory_space<vmem>> -> memref<80xi32, #tpu.memory_space<vmem>>
        %dma_start3A_228 = arith.constant 0 : i32
        %dma_start3A_229 = arith.constant 0 : i32
        %dma_start3A_230 = tpu.memref_slice %arg13[%dma_start3A_228, %dma_start3A_229] : memref<10128x64xf32, #tpu.memory_space<vmem_shared>> -> memref<10128x64xf32, #tpu.memory_space<vmem_shared>>
        tpu.enqueue_indirect_dma source(%arg11 : memref<80x64xf32, #tpu.memory_space<vmem>>) target(%dma_start3A_230 : memref<10128x64xf32, #tpu.memory_space<vmem_shared>>) offsets(%dma_start3A_227 : memref<80xi32, #tpu.memory_space<vmem>>) semaphore(%run_scoped3A_224 : memref<!tpu.dma_semaphore, #tpu.memory_space<semaphore_mem>>) {add = true}
        %dma_wait3A_231 = arith.constant 0 : i32
        %dma_wait3A_232 = tpu.memref_slice %arg7[%add3A_191, %dma_wait3A_231] : memref<125x80xi32, #tpu.memory_space<vmem>> -> memref<1x80xi32, #tpu.memory_space<vmem>>
        %dma_wait3A_233 = tpu.memref_squeeze %dma_wait3A_232 : memref<1x80xi32, #tpu.memory_space<vmem>> -> memref<80xi32, #tpu.memory_space<vmem>>
        %dma_wait3A_234 = arith.constant 0 : i32
        %dma_wait3A_235 = arith.constant 0 : i32
        %dma_wait3A_236 = tpu.memref_slice %arg13[%dma_wait3A_234, %dma_wait3A_235] : memref<10128x64xf32, #tpu.memory_space<vmem_shared>> -> memref<10128x64xf32, #tpu.memory_space<vmem_shared>>
        tpu.wait_indirect_dma semaphore(%run_scoped3A_224 : memref<!tpu.dma_semaphore, #tpu.memory_space<semaphore_mem>>) src(%arg11 : memref<80x64xf32, #tpu.memory_space<vmem>>) dst(%dma_wait3A_236 : memref<10128x64xf32, #tpu.memory_space<vmem_shared>>)
        tpu.yield
      }) : () -> ()
      %add3A_198 = arith.constant 5 : i32
      %add3A_199 = arith.addi %add3A_191, %add3A_198 : i32
      %dma_start3A_200 = arith.constant 0 : i32
      %dma_start3A_201 = tpu.memref_slice %arg6[%add3A_199, %dma_start3A_200] : memref<125x80xi32, #tpu.memory_space<vmem>> -> memref<1x80xi32, #tpu.memory_space<vmem>>
      %dma_start3A_202 = tpu.memref_squeeze %dma_start3A_201 : memref<1x80xi32, #tpu.memory_space<vmem>> -> memref<80xi32, #tpu.memory_space<vmem>>
      %dma_start3A_203 = arith.constant 0 : i32
      %dma_start3A_204 = arith.constant 0 : i32
      %dma_start3A_205 = tpu.memref_slice %arg2[%dma_start3A_203, %dma_start3A_204] : memref<10000x64xf32, #tpu.memory_space<hbm>> -> memref<10000x64xf32, #tpu.memory_space<hbm>>
      tpu.enqueue_indirect_dma source(%dma_start3A_205 : memref<10000x64xf32, #tpu.memory_space<hbm>>) target(%arg11 : memref<80x64xf32, #tpu.memory_space<vmem>>) offsets(%dma_start3A_202 : memref<80xi32, #tpu.memory_space<vmem>>) semaphore(%arg17 : memref<!tpu.dma_semaphore, #tpu.memory_space<semaphore_mem>>)
      %mul3A_206 = arith.constant 5 : i32
      %mul3A_207 = arith.muli %scan3A_133, %mul3A_206 : i32
      %add3A_208 = arith.constant 4 : i32
      %add3A_209 = arith.addi %mul3A_207, %add3A_208 : i32
      %dma_wait3A_210 = arith.constant 0 : i32
      %dma_wait3A_211 = tpu.memref_slice %arg6[%add3A_209, %dma_wait3A_210] : memref<125x80xi32, #tpu.memory_space<vmem>> -> memref<1x80xi32, #tpu.memory_space<vmem>>
      %dma_wait3A_212 = tpu.memref_squeeze %dma_wait3A_211 : memref<1x80xi32, #tpu.memory_space<vmem>> -> memref<80xi32, #tpu.memory_space<vmem>>
      %dma_wait3A_213 = arith.constant 0 : i32
      %dma_wait3A_214 = arith.constant 0 : i32
      %dma_wait3A_215 = tpu.memref_slice %arg2[%dma_wait3A_213, %dma_wait3A_214] : memref<10000x64xf32, #tpu.memory_space<hbm>> -> memref<10000x64xf32, #tpu.memory_space<hbm>>
      tpu.wait_indirect_dma semaphore(%arg18 : memref<!tpu.dma_semaphore, #tpu.memory_space<semaphore_mem>>) src(%dma_wait3A_215 : memref<10000x64xf32, #tpu.memory_space<hbm>>) dst(%arg12 : memref<80x64xf32, #tpu.memory_space<vmem>>)
      "tpu.region"() ({
        %run_scoped3A_224 = tpu.sem_alloc : memref<!tpu.dma_semaphore, #tpu.memory_space<semaphore_mem>>
        %dma_start3A_225 = arith.constant 0 : i32
        %dma_start3A_226 = tpu.memref_slice %arg7[%add3A_209, %dma_start3A_225] : memref<125x80xi32, #tpu.memory_space<vmem>> -> memref<1x80xi32, #tpu.memory_space<vmem>>
        %dma_start3A_227 = tpu.memref_squeeze %dma_start3A_226 : memref<1x80xi32, #tpu.memory_space<vmem>> -> memref<80xi32, #tpu.memory_space<vmem>>
        %dma_start3A_228 = arith.constant 0 : i32
        %dma_start3A_229 = arith.constant 0 : i32
        %dma_start3A_230 = tpu.memref_slice %arg13[%dma_start3A_228, %dma_start3A_229] : memref<10128x64xf32, #tpu.memory_space<vmem_shared>> -> memref<10128x64xf32, #tpu.memory_space<vmem_shared>>
        tpu.enqueue_indirect_dma source(%arg12 : memref<80x64xf32, #tpu.memory_space<vmem>>) target(%dma_start3A_230 : memref<10128x64xf32, #tpu.memory_space<vmem_shared>>) offsets(%dma_start3A_227 : memref<80xi32, #tpu.memory_space<vmem>>) semaphore(%run_scoped3A_224 : memref<!tpu.dma_semaphore, #tpu.memory_space<semaphore_mem>>) {add = true}
        %dma_wait3A_231 = arith.constant 0 : i32
        %dma_wait3A_232 = tpu.memref_slice %arg7[%add3A_209, %dma_wait3A_231] : memref<125x80xi32, #tpu.memory_space<vmem>> -> memref<1x80xi32, #tpu.memory_space<vmem>>
        %dma_wait3A_233 = tpu.memref_squeeze %dma_wait3A_232 : memref<1x80xi32, #tpu.memory_space<vmem>> -> memref<80xi32, #tpu.memory_space<vmem>>
        %dma_wait3A_234 = arith.constant 0 : i32
        %dma_wait3A_235 = arith.constant 0 : i32
        %dma_wait3A_236 = tpu.memref_slice %arg13[%dma_wait3A_234, %dma_wait3A_235] : memref<10128x64xf32, #tpu.memory_space<vmem_shared>> -> memref<10128x64xf32, #tpu.memory_space<vmem_shared>>
        tpu.wait_indirect_dma semaphore(%run_scoped3A_224 : memref<!tpu.dma_semaphore, #tpu.memory_space<semaphore_mem>>) src(%arg12 : memref<80x64xf32, #tpu.memory_space<vmem>>) dst(%dma_wait3A_236 : memref<10128x64xf32, #tpu.memory_space<vmem_shared>>)
        tpu.yield
      }) : () -> ()
      %add3A_216 = arith.constant 5 : i32
      %add3A_217 = arith.addi %add3A_209, %add3A_216 : i32
      %dma_start3A_218 = arith.constant 0 : i32
      %dma_start3A_219 = tpu.memref_slice %arg6[%add3A_217, %dma_start3A_218] : memref<125x80xi32, #tpu.memory_space<vmem>> -> memref<1x80xi32, #tpu.memory_space<vmem>>
      %dma_start3A_220 = tpu.memref_squeeze %dma_start3A_219 : memref<1x80xi32, #tpu.memory_space<vmem>> -> memref<80xi32, #tpu.memory_space<vmem>>
      %dma_start3A_221 = arith.constant 0 : i32
      %dma_start3A_222 = arith.constant 0 : i32
      %dma_start3A_223 = tpu.memref_slice %arg2[%dma_start3A_221, %dma_start3A_222] : memref<10000x64xf32, #tpu.memory_space<hbm>> -> memref<10000x64xf32, #tpu.memory_space<hbm>>
      tpu.enqueue_indirect_dma source(%dma_start3A_223 : memref<10000x64xf32, #tpu.memory_space<hbm>>) target(%arg12 : memref<80x64xf32, #tpu.memory_space<vmem>>) offsets(%dma_start3A_220 : memref<80xi32, #tpu.memory_space<vmem>>) semaphore(%arg18 : memref<!tpu.dma_semaphore, #tpu.memory_space<semaphore_mem>>)
    }
    %scan3A_82 = arith.constant 24 : i32
    %dma_wait3A_83 = arith.constant 120 : i32
    %dma_wait3A_84 = arith.constant 0 : i32
    %dma_wait3A_85 = tpu.memref_slice %arg6[%dma_wait3A_83, %dma_wait3A_84] : memref<125x80xi32, #tpu.memory_space<vmem>> -> memref<1x80xi32, #tpu.memory_space<vmem>>
    %dma_wait3A_86 = tpu.memref_squeeze %dma_wait3A_85 : memref<1x80xi32, #tpu.memory_space<vmem>> -> memref<80xi32, #tpu.memory_space<vmem>>
    %dma_wait3A_87 = arith.constant 0 : i32
    %dma_wait3A_88 = arith.constant 0 : i32
    %dma_wait3A_89 = tpu.memref_slice %arg2[%dma_wait3A_87, %dma_wait3A_88] : memref<10000x64xf32, #tpu.memory_space<hbm>> -> memref<10000x64xf32, #tpu.memory_space<hbm>>
    tpu.wait_indirect_dma semaphore(%arg14 : memref<!tpu.dma_semaphore, #tpu.memory_space<semaphore_mem>>) src(%dma_wait3A_89 : memref<10000x64xf32, #tpu.memory_space<hbm>>) dst(%arg8 : memref<80x64xf32, #tpu.memory_space<vmem>>)
    %run_scoped3A = arith.constant 120 : i32
    "tpu.region"() ({
      %run_scoped3A_133 = tpu.sem_alloc : memref<!tpu.dma_semaphore, #tpu.memory_space<semaphore_mem>>
      %dma_start3A_134 = arith.constant 0 : i32
      %dma_start3A_135 = tpu.memref_slice %arg7[%run_scoped3A, %dma_start3A_134] : memref<125x80xi32, #tpu.memory_space<vmem>> -> memref<1x80xi32, #tpu.memory_space<vmem>>
      %dma_start3A_136 = tpu.memref_squeeze %dma_start3A_135 : memref<1x80xi32, #tpu.memory_space<vmem>> -> memref<80xi32, #tpu.memory_space<vmem>>
      %dma_start3A_137 = arith.constant 0 : i32
      %dma_start3A_138 = arith.constant 0 : i32
      %dma_start3A_139 = tpu.memref_slice %arg13[%dma_start3A_137, %dma_start3A_138] : memref<10128x64xf32, #tpu.memory_space<vmem_shared>> -> memref<10128x64xf32, #tpu.memory_space<vmem_shared>>
      tpu.enqueue_indirect_dma source(%arg8 : memref<80x64xf32, #tpu.memory_space<vmem>>) target(%dma_start3A_139 : memref<10128x64xf32, #tpu.memory_space<vmem_shared>>) offsets(%dma_start3A_136 : memref<80xi32, #tpu.memory_space<vmem>>) semaphore(%run_scoped3A_133 : memref<!tpu.dma_semaphore, #tpu.memory_space<semaphore_mem>>) {add = true}
      %dma_wait3A_140 = arith.constant 0 : i32
      %dma_wait3A_141 = tpu.memref_slice %arg7[%run_scoped3A, %dma_wait3A_140] : memref<125x80xi32, #tpu.memory_space<vmem>> -> memref<1x80xi32, #tpu.memory_space<vmem>>
      %dma_wait3A_142 = tpu.memref_squeeze %dma_wait3A_141 : memref<1x80xi32, #tpu.memory_space<vmem>> -> memref<80xi32, #tpu.memory_space<vmem>>
      %dma_wait3A_143 = arith.constant 0 : i32
      %dma_wait3A_144 = arith.constant 0 : i32
      %dma_wait3A_145 = tpu.memref_slice %arg13[%dma_wait3A_143, %dma_wait3A_144] : memref<10128x64xf32, #tpu.memory_space<vmem_shared>> -> memref<10128x64xf32, #tpu.memory_space<vmem_shared>>
      tpu.wait_indirect_dma semaphore(%run_scoped3A_133 : memref<!tpu.dma_semaphore, #tpu.memory_space<semaphore_mem>>) src(%arg8 : memref<80x64xf32, #tpu.memory_space<vmem>>) dst(%dma_wait3A_145 : memref<10128x64xf32, #tpu.memory_space<vmem_shared>>)
      tpu.yield
    }) : () -> ()
    %dma_wait3A_90 = arith.constant 121 : i32
    %dma_wait3A_91 = arith.constant 0 : i32
    %dma_wait3A_92 = tpu.memref_slice %arg6[%dma_wait3A_90, %dma_wait3A_91] : memref<125x80xi32, #tpu.memory_space<vmem>> -> memref<1x80xi32, #tpu.memory_space<vmem>>
    %dma_wait3A_93 = tpu.memref_squeeze %dma_wait3A_92 : memref<1x80xi32, #tpu.memory_space<vmem>> -> memref<80xi32, #tpu.memory_space<vmem>>
    %dma_wait3A_94 = arith.constant 0 : i32
    %dma_wait3A_95 = arith.constant 0 : i32
    %dma_wait3A_96 = tpu.memref_slice %arg2[%dma_wait3A_94, %dma_wait3A_95] : memref<10000x64xf32, #tpu.memory_space<hbm>> -> memref<10000x64xf32, #tpu.memory_space<hbm>>
    tpu.wait_indirect_dma semaphore(%arg15 : memref<!tpu.dma_semaphore, #tpu.memory_space<semaphore_mem>>) src(%dma_wait3A_96 : memref<10000x64xf32, #tpu.memory_space<hbm>>) dst(%arg9 : memref<80x64xf32, #tpu.memory_space<vmem>>)
    %run_scoped3A_97 = arith.constant 121 : i32
    "tpu.region"() ({
      %run_scoped3A_133 = tpu.sem_alloc : memref<!tpu.dma_semaphore, #tpu.memory_space<semaphore_mem>>
      %dma_start3A_134 = arith.constant 0 : i32
      %dma_start3A_135 = tpu.memref_slice %arg7[%run_scoped3A_97, %dma_start3A_134] : memref<125x80xi32, #tpu.memory_space<vmem>> -> memref<1x80xi32, #tpu.memory_space<vmem>>
      %dma_start3A_136 = tpu.memref_squeeze %dma_start3A_135 : memref<1x80xi32, #tpu.memory_space<vmem>> -> memref<80xi32, #tpu.memory_space<vmem>>
      %dma_start3A_137 = arith.constant 0 : i32
      %dma_start3A_138 = arith.constant 0 : i32
      %dma_start3A_139 = tpu.memref_slice %arg13[%dma_start3A_137, %dma_start3A_138] : memref<10128x64xf32, #tpu.memory_space<vmem_shared>> -> memref<10128x64xf32, #tpu.memory_space<vmem_shared>>
      tpu.enqueue_indirect_dma source(%arg9 : memref<80x64xf32, #tpu.memory_space<vmem>>) target(%dma_start3A_139 : memref<10128x64xf32, #tpu.memory_space<vmem_shared>>) offsets(%dma_start3A_136 : memref<80xi32, #tpu.memory_space<vmem>>) semaphore(%run_scoped3A_133 : memref<!tpu.dma_semaphore, #tpu.memory_space<semaphore_mem>>) {add = true}
      %dma_wait3A_140 = arith.constant 0 : i32
      %dma_wait3A_141 = tpu.memref_slice %arg7[%run_scoped3A_97, %dma_wait3A_140] : memref<125x80xi32, #tpu.memory_space<vmem>> -> memref<1x80xi32, #tpu.memory_space<vmem>>
      %dma_wait3A_142 = tpu.memref_squeeze %dma_wait3A_141 : memref<1x80xi32, #tpu.memory_space<vmem>> -> memref<80xi32, #tpu.memory_space<vmem>>
      %dma_wait3A_143 = arith.constant 0 : i32
      %dma_wait3A_144 = arith.constant 0 : i32
      %dma_wait3A_145 = tpu.memref_slice %arg13[%dma_wait3A_143, %dma_wait3A_144] : memref<10128x64xf32, #tpu.memory_space<vmem_shared>> -> memref<10128x64xf32, #tpu.memory_space<vmem_shared>>
      tpu.wait_indirect_dma semaphore(%run_scoped3A_133 : memref<!tpu.dma_semaphore, #tpu.memory_space<semaphore_mem>>) src(%arg9 : memref<80x64xf32, #tpu.memory_space<vmem>>) dst(%dma_wait3A_145 : memref<10128x64xf32, #tpu.memory_space<vmem_shared>>)
      tpu.yield
    }) : () -> ()
    %dma_wait3A_98 = arith.constant 122 : i32
    %dma_wait3A_99 = arith.constant 0 : i32
    %dma_wait3A_100 = tpu.memref_slice %arg6[%dma_wait3A_98, %dma_wait3A_99] : memref<125x80xi32, #tpu.memory_space<vmem>> -> memref<1x80xi32, #tpu.memory_space<vmem>>
    %dma_wait3A_101 = tpu.memref_squeeze %dma_wait3A_100 : memref<1x80xi32, #tpu.memory_space<vmem>> -> memref<80xi32, #tpu.memory_space<vmem>>
    %dma_wait3A_102 = arith.constant 0 : i32
    %dma_wait3A_103 = arith.constant 0 : i32
    %dma_wait3A_104 = tpu.memref_slice %arg2[%dma_wait3A_102, %dma_wait3A_103] : memref<10000x64xf32, #tpu.memory_space<hbm>> -> memref<10000x64xf32, #tpu.memory_space<hbm>>
    tpu.wait_indirect_dma semaphore(%arg16 : memref<!tpu.dma_semaphore, #tpu.memory_space<semaphore_mem>>) src(%dma_wait3A_104 : memref<10000x64xf32, #tpu.memory_space<hbm>>) dst(%arg10 : memref<80x64xf32, #tpu.memory_space<vmem>>)
    %run_scoped3A_105 = arith.constant 122 : i32
    "tpu.region"() ({
      %run_scoped3A_133 = tpu.sem_alloc : memref<!tpu.dma_semaphore, #tpu.memory_space<semaphore_mem>>
      %dma_start3A_134 = arith.constant 0 : i32
      %dma_start3A_135 = tpu.memref_slice %arg7[%run_scoped3A_105, %dma_start3A_134] : memref<125x80xi32, #tpu.memory_space<vmem>> -> memref<1x80xi32, #tpu.memory_space<vmem>>
      %dma_start3A_136 = tpu.memref_squeeze %dma_start3A_135 : memref<1x80xi32, #tpu.memory_space<vmem>> -> memref<80xi32, #tpu.memory_space<vmem>>
      %dma_start3A_137 = arith.constant 0 : i32
      %dma_start3A_138 = arith.constant 0 : i32
      %dma_start3A_139 = tpu.memref_slice %arg13[%dma_start3A_137, %dma_start3A_138] : memref<10128x64xf32, #tpu.memory_space<vmem_shared>> -> memref<10128x64xf32, #tpu.memory_space<vmem_shared>>
      tpu.enqueue_indirect_dma source(%arg10 : memref<80x64xf32, #tpu.memory_space<vmem>>) target(%dma_start3A_139 : memref<10128x64xf32, #tpu.memory_space<vmem_shared>>) offsets(%dma_start3A_136 : memref<80xi32, #tpu.memory_space<vmem>>) semaphore(%run_scoped3A_133 : memref<!tpu.dma_semaphore, #tpu.memory_space<semaphore_mem>>) {add = true}
      %dma_wait3A_140 = arith.constant 0 : i32
      %dma_wait3A_141 = tpu.memref_slice %arg7[%run_scoped3A_105, %dma_wait3A_140] : memref<125x80xi32, #tpu.memory_space<vmem>> -> memref<1x80xi32, #tpu.memory_space<vmem>>
      %dma_wait3A_142 = tpu.memref_squeeze %dma_wait3A_141 : memref<1x80xi32, #tpu.memory_space<vmem>> -> memref<80xi32, #tpu.memory_space<vmem>>
      %dma_wait3A_143 = arith.constant 0 : i32
      %dma_wait3A_144 = arith.constant 0 : i32
      %dma_wait3A_145 = tpu.memref_slice %arg13[%dma_wait3A_143, %dma_wait3A_144] : memref<10128x64xf32, #tpu.memory_space<vmem_shared>> -> memref<10128x64xf32, #tpu.memory_space<vmem_shared>>
      tpu.wait_indirect_dma semaphore(%run_scoped3A_133 : memref<!tpu.dma_semaphore, #tpu.memory_space<semaphore_mem>>) src(%arg10 : memref<80x64xf32, #tpu.memory_space<vmem>>) dst(%dma_wait3A_145 : memref<10128x64xf32, #tpu.memory_space<vmem_shared>>)
      tpu.yield
    }) : () -> ()
    %dma_wait3A_106 = arith.constant 123 : i32
    %dma_wait3A_107 = arith.constant 0 : i32
    %dma_wait3A_108 = tpu.memref_slice %arg6[%dma_wait3A_106, %dma_wait3A_107] : memref<125x80xi32, #tpu.memory_space<vmem>> -> memref<1x80xi32, #tpu.memory_space<vmem>>
    %dma_wait3A_109 = tpu.memref_squeeze %dma_wait3A_108 : memref<1x80xi32, #tpu.memory_space<vmem>> -> memref<80xi32, #tpu.memory_space<vmem>>
    %dma_wait3A_110 = arith.constant 0 : i32
    %dma_wait3A_111 = arith.constant 0 : i32
    %dma_wait3A_112 = tpu.memref_slice %arg2[%dma_wait3A_110, %dma_wait3A_111] : memref<10000x64xf32, #tpu.memory_space<hbm>> -> memref<10000x64xf32, #tpu.memory_space<hbm>>
    tpu.wait_indirect_dma semaphore(%arg17 : memref<!tpu.dma_semaphore, #tpu.memory_space<semaphore_mem>>) src(%dma_wait3A_112 : memref<10000x64xf32, #tpu.memory_space<hbm>>) dst(%arg11 : memref<80x64xf32, #tpu.memory_space<vmem>>)
    %run_scoped3A_113 = arith.constant 123 : i32
    "tpu.region"() ({
      %run_scoped3A_133 = tpu.sem_alloc : memref<!tpu.dma_semaphore, #tpu.memory_space<semaphore_mem>>
      %dma_start3A_134 = arith.constant 0 : i32
      %dma_start3A_135 = tpu.memref_slice %arg7[%run_scoped3A_113, %dma_start3A_134] : memref<125x80xi32, #tpu.memory_space<vmem>> -> memref<1x80xi32, #tpu.memory_space<vmem>>
      %dma_start3A_136 = tpu.memref_squeeze %dma_start3A_135 : memref<1x80xi32, #tpu.memory_space<vmem>> -> memref<80xi32, #tpu.memory_space<vmem>>
      %dma_start3A_137 = arith.constant 0 : i32
      %dma_start3A_138 = arith.constant 0 : i32
      %dma_start3A_139 = tpu.memref_slice %arg13[%dma_start3A_137, %dma_start3A_138] : memref<10128x64xf32, #tpu.memory_space<vmem_shared>> -> memref<10128x64xf32, #tpu.memory_space<vmem_shared>>
      tpu.enqueue_indirect_dma source(%arg11 : memref<80x64xf32, #tpu.memory_space<vmem>>) target(%dma_start3A_139 : memref<10128x64xf32, #tpu.memory_space<vmem_shared>>) offsets(%dma_start3A_136 : memref<80xi32, #tpu.memory_space<vmem>>) semaphore(%run_scoped3A_133 : memref<!tpu.dma_semaphore, #tpu.memory_space<semaphore_mem>>) {add = true}
      %dma_wait3A_140 = arith.constant 0 : i32
      %dma_wait3A_141 = tpu.memref_slice %arg7[%run_scoped3A_113, %dma_wait3A_140] : memref<125x80xi32, #tpu.memory_space<vmem>> -> memref<1x80xi32, #tpu.memory_space<vmem>>
      %dma_wait3A_142 = tpu.memref_squeeze %dma_wait3A_141 : memref<1x80xi32, #tpu.memory_space<vmem>> -> memref<80xi32, #tpu.memory_space<vmem>>
      %dma_wait3A_143 = arith.constant 0 : i32
      %dma_wait3A_144 = arith.constant 0 : i32
      %dma_wait3A_145 = tpu.memref_slice %arg13[%dma_wait3A_143, %dma_wait3A_144] : memref<10128x64xf32, #tpu.memory_space<vmem_shared>> -> memref<10128x64xf32, #tpu.memory_space<vmem_shared>>
      tpu.wait_indirect_dma semaphore(%run_scoped3A_133 : memref<!tpu.dma_semaphore, #tpu.memory_space<semaphore_mem>>) src(%arg11 : memref<80x64xf32, #tpu.memory_space<vmem>>) dst(%dma_wait3A_145 : memref<10128x64xf32, #tpu.memory_space<vmem_shared>>)
      tpu.yield
    }) : () -> ()
    %dma_wait3A_114 = arith.constant 124 : i32
    %dma_wait3A_115 = arith.constant 0 : i32
    %dma_wait3A_116 = tpu.memref_slice %arg6[%dma_wait3A_114, %dma_wait3A_115] : memref<125x80xi32, #tpu.memory_space<vmem>> -> memref<1x80xi32, #tpu.memory_space<vmem>>
    %dma_wait3A_117 = tpu.memref_squeeze %dma_wait3A_116 : memref<1x80xi32, #tpu.memory_space<vmem>> -> memref<80xi32, #tpu.memory_space<vmem>>
    %dma_wait3A_118 = arith.constant 0 : i32
    %dma_wait3A_119 = arith.constant 0 : i32
    %dma_wait3A_120 = tpu.memref_slice %arg2[%dma_wait3A_118, %dma_wait3A_119] : memref<10000x64xf32, #tpu.memory_space<hbm>> -> memref<10000x64xf32, #tpu.memory_space<hbm>>
    tpu.wait_indirect_dma semaphore(%arg18 : memref<!tpu.dma_semaphore, #tpu.memory_space<semaphore_mem>>) src(%dma_wait3A_120 : memref<10000x64xf32, #tpu.memory_space<hbm>>) dst(%arg12 : memref<80x64xf32, #tpu.memory_space<vmem>>)
    %run_scoped3A_121 = arith.constant 124 : i32
    "tpu.region"() ({
      %run_scoped3A_133 = tpu.sem_alloc : memref<!tpu.dma_semaphore, #tpu.memory_space<semaphore_mem>>
      %dma_start3A_134 = arith.constant 0 : i32
      %dma_start3A_135 = tpu.memref_slice %arg7[%run_scoped3A_121, %dma_start3A_134] : memref<125x80xi32, #tpu.memory_space<vmem>> -> memref<1x80xi32, #tpu.memory_space<vmem>>
      %dma_start3A_136 = tpu.memref_squeeze %dma_start3A_135 : memref<1x80xi32, #tpu.memory_space<vmem>> -> memref<80xi32, #tpu.memory_space<vmem>>
      %dma_start3A_137 = arith.constant 0 : i32
      %dma_start3A_138 = arith.constant 0 : i32
      %dma_start3A_139 = tpu.memref_slice %arg13[%dma_start3A_137, %dma_start3A_138] : memref<10128x64xf32, #tpu.memory_space<vmem_shared>> -> memref<10128x64xf32, #tpu.memory_space<vmem_shared>>
      tpu.enqueue_indirect_dma source(%arg12 : memref<80x64xf32, #tpu.memory_space<vmem>>) target(%dma_start3A_139 : memref<10128x64xf32, #tpu.memory_space<vmem_shared>>) offsets(%dma_start3A_136 : memref<80xi32, #tpu.memory_space<vmem>>) semaphore(%run_scoped3A_133 : memref<!tpu.dma_semaphore, #tpu.memory_space<semaphore_mem>>) {add = true}
      %dma_wait3A_140 = arith.constant 0 : i32
      %dma_wait3A_141 = tpu.memref_slice %arg7[%run_scoped3A_121, %dma_wait3A_140] : memref<125x80xi32, #tpu.memory_space<vmem>> -> memref<1x80xi32, #tpu.memory_space<vmem>>
      %dma_wait3A_142 = tpu.memref_squeeze %dma_wait3A_141 : memref<1x80xi32, #tpu.memory_space<vmem>> -> memref<80xi32, #tpu.memory_space<vmem>>
      %dma_wait3A_143 = arith.constant 0 : i32
      %dma_wait3A_144 = arith.constant 0 : i32
      %dma_wait3A_145 = tpu.memref_slice %arg13[%dma_wait3A_143, %dma_wait3A_144] : memref<10128x64xf32, #tpu.memory_space<vmem_shared>> -> memref<10128x64xf32, #tpu.memory_space<vmem_shared>>
      tpu.wait_indirect_dma semaphore(%run_scoped3A_133 : memref<!tpu.dma_semaphore, #tpu.memory_space<semaphore_mem>>) src(%arg12 : memref<80x64xf32, #tpu.memory_space<vmem>>) dst(%dma_wait3A_145 : memref<10128x64xf32, #tpu.memory_space<vmem_shared>>)
      tpu.yield
    }) : () -> ()
    %barrier3A_122 = arith.constant 0 : index
    tpu.barrier barrier_id(%barrier3A_122)
    %lt3A_123 = arith.constant 15 : i32
    %lt3A_124 = arith.cmpi slt, %arg1, %lt3A_123 : i32
    %convert_element_type3A_125 = arith.extui %lt3A_124 : i1 to i32
    %cond3A_126 = arith.constant 0 : i32
    %cond3A_127 = arith.cmpi ne, %convert_element_type3A_125, %cond3A_126 : i32
    scf.if %cond3A_127 {
      %mul3A_133 = arith.constant 632 : i32
      %mul3A_134 = arith.muli %arg1, %mul3A_133 : i32
      %mul3A_135 = arith.constant 632 : i32
      %mul3A_136 = arith.muli %arg1, %mul3A_135 : i32
      "tpu.region"() ({
        %run_scoped3A_137 = tpu.sem_alloc : memref<!tpu.dma_semaphore, #tpu.memory_space<semaphore_mem>>
        %dma_start3A_138 = arith.constant 0 : i32
        %dma_start3A_139 = tpu.memref_slice %arg5[%arg0, %mul3A_136, %dma_start3A_138] : memref<2x10000x64xf32, #tpu.memory_space<hbm>> -> memref<1x632x64xf32, #tpu.memory_space<hbm>>
        %dma_start3A_140 = tpu.memref_squeeze %dma_start3A_139 : memref<1x632x64xf32, #tpu.memory_space<hbm>> -> memref<632x64xf32, #tpu.memory_space<hbm>>
        %dma_start3A_141 = arith.constant 0 : i32
        %dma_start3A_142 = tpu.memref_slice %arg13[%mul3A_134, %dma_start3A_141] : memref<10128x64xf32, #tpu.memory_space<vmem_shared>> -> memref<632x64xf32, #tpu.memory_space<vmem_shared>>
        tpu.enqueue_dma source(%dma_start3A_142 : memref<632x64xf32, #tpu.memory_space<vmem_shared>>) target(%dma_start3A_140 : memref<632x64xf32, #tpu.memory_space<hbm>>) target_semaphore(%run_scoped3A_137 : memref<!tpu.dma_semaphore, #tpu.memory_space<semaphore_mem>>)
        %dma_wait3A_143 = arith.constant 0 : i32
        %dma_wait3A_144 = tpu.memref_slice %arg5[%arg0, %mul3A_136, %dma_wait3A_143] : memref<2x10000x64xf32, #tpu.memory_space<hbm>> -> memref<1x632x64xf32, #tpu.memory_space<hbm>>
        %dma_wait3A_145 = tpu.memref_squeeze %dma_wait3A_144 : memref<1x632x64xf32, #tpu.memory_space<hbm>> -> memref<632x64xf32, #tpu.memory_space<hbm>>
        %dma_wait3A_146 = arith.constant 0 : i32
        %dma_wait3A_147 = tpu.memref_slice %arg13[%mul3A_134, %dma_wait3A_146] : memref<10128x64xf32, #tpu.memory_space<vmem_shared>> -> memref<632x64xf32, #tpu.memory_space<vmem_shared>>
        tpu.wait_dma2 semaphore(%run_scoped3A_137 : memref<!tpu.dma_semaphore, #tpu.memory_space<semaphore_mem>>) src(%dma_wait3A_147 : memref<632x64xf32, #tpu.memory_space<vmem_shared>>) dst(%dma_wait3A_145 : memref<632x64xf32, #tpu.memory_space<hbm>>)
        tpu.yield
      }) : () -> ()
    } else {
    }
    %eq3A_128 = arith.constant 15 : i32
    %eq3A_129 = arith.cmpi eq, %arg1, %eq3A_128 : i32
    %convert_element_type3A_130 = arith.extui %eq3A_129 : i1 to i32
    %cond3A_131 = arith.constant 0 : i32
    %cond3A_132 = arith.cmpi ne, %convert_element_type3A_130, %cond3A_131 : i32
    scf.if %cond3A_132 {
      "tpu.region"() ({
        %run_scoped3A_133 = tpu.sem_alloc : memref<!tpu.dma_semaphore, #tpu.memory_space<semaphore_mem>>
        %dma_start3A_134 = arith.constant 9480 : i32
        %dma_start3A_135 = arith.constant 0 : i32
        %dma_start3A_136 = tpu.memref_slice %arg5[%arg0, %dma_start3A_134, %dma_start3A_135] : memref<2x10000x64xf32, #tpu.memory_space<hbm>> -> memref<1x520x64xf32, #tpu.memory_space<hbm>>
        %dma_start3A_137 = tpu.memref_squeeze %dma_start3A_136 : memref<1x520x64xf32, #tpu.memory_space<hbm>> -> memref<520x64xf32, #tpu.memory_space<hbm>>
        %dma_start3A_138 = arith.constant 9480 : i32
        %dma_start3A_139 = arith.constant 0 : i32
        %dma_start3A_140 = tpu.memref_slice %arg13[%dma_start3A_138, %dma_start3A_139] : memref<10128x64xf32, #tpu.memory_space<vmem_shared>> -> memref<520x64xf32, #tpu.memory_space<vmem_shared>>
        tpu.enqueue_dma source(%dma_start3A_140 : memref<520x64xf32, #tpu.memory_space<vmem_shared>>) target(%dma_start3A_137 : memref<520x64xf32, #tpu.memory_space<hbm>>) target_semaphore(%run_scoped3A_133 : memref<!tpu.dma_semaphore, #tpu.memory_space<semaphore_mem>>)
        %dma_wait3A_141 = arith.constant 9480 : i32
        %dma_wait3A_142 = arith.constant 0 : i32
        %dma_wait3A_143 = tpu.memref_slice %arg5[%arg0, %dma_wait3A_141, %dma_wait3A_142] : memref<2x10000x64xf32, #tpu.memory_space<hbm>> -> memref<1x520x64xf32, #tpu.memory_space<hbm>>
        %dma_wait3A_144 = tpu.memref_squeeze %dma_wait3A_143 : memref<1x520x64xf32, #tpu.memory_space<hbm>> -> memref<520x64xf32, #tpu.memory_space<hbm>>
        %dma_wait3A_145 = arith.constant 9480 : i32
        %dma_wait3A_146 = arith.constant 0 : i32
        %dma_wait3A_147 = tpu.memref_slice %arg13[%dma_wait3A_145, %dma_wait3A_146] : memref<10128x64xf32, #tpu.memory_space<vmem_shared>> -> memref<520x64xf32, #tpu.memory_space<vmem_shared>>
        tpu.wait_dma2 semaphore(%run_scoped3A_133 : memref<!tpu.dma_semaphore, #tpu.memory_space<semaphore_mem>>) src(%dma_wait3A_147 : memref<520x64xf32, #tpu.memory_space<vmem_shared>>) dst(%dma_wait3A_144 : memref<520x64xf32, #tpu.memory_space<hbm>>)
        tpu.yield
      }) : () -> ()
    } else {
    }
    return
  }
}

module attributes {stable_mosaic.version = 14 : i64} {
  func.func @_mm_body(%arg0: i32, %arg1: memref<1000x128xf32, #tpu.memory_space<vmem>>, %arg2: memref<128x64xf32, #tpu.memory_space<vmem>>, %arg3: memref<1000x64xf32, #tpu.memory_space<vmem>>) attributes {dimension_semantics = [#tpu.dimension_semantics<arbitrary>], iteration_bounds = array<i64: 10>, scalar_prefetch = 0 : i64, scratch_operands = 0 : i64, tpu.core_type = #tpu.core_type<tc>, window_params = [{transform_indices = @transform_0, window_bounds = array<i64: 1000, 128>}, {pipeline_mode = #tpu.pipeline_mode<synchronous>, transform_indices = @transform_1, window_bounds = array<i64: 128, 64>}, {transform_indices = @transform_2, window_bounds = array<i64: 1000, 64>}]} {
    %get3A = arith.constant 0 : index
    %get3A_0 = arith.constant 0 : index
    %get3A_1 = vector.load %arg1[%get3A, %get3A_0] : memref<1000x128xf32, #tpu.memory_space<vmem>>, vector<1000x128xf32>
    %get3A_2 = arith.constant 0 : index
    %get3A_3 = arith.constant 0 : index
    %get3A_4 = vector.load %arg2[%get3A_2, %get3A_3] : memref<128x64xf32, #tpu.memory_space<vmem>>, vector<128x64xf32>
    %dot_general3A = arith.constant dense<0.000000e+00> : vector<1000x64xf32>
    %dot_general3A_5 = tpu.matmul %get3A_1, %get3A_4, %dot_general3A {dimension_numbers = #tpu.dot_dimension_numbers<[1], [0], [0], [1], [0, 0, 1, 1], [], []>, transpose_lhs_hint = false} : vector<1000x128xf32>, vector<128x64xf32>, vector<1000x64xf32> -> vector<1000x64xf32>
    %swap3A = arith.constant 0 : index
    %swap3A_6 = arith.constant 0 : index
    %swap3A_7 = vector.load %arg3[%swap3A, %swap3A_6] : memref<1000x64xf32, #tpu.memory_space<vmem>>, vector<1000x64xf32>
    tpu.vector_store %arg3[%swap3A, %swap3A_6], %dot_general3A_5 {strides = array<i32>} : memref<1000x64xf32, #tpu.memory_space<vmem>>, vector<1000x64xf32>,
    return
  }
  func.func @transform_0(%arg0: i32) -> (i32, i32) {
    %c0_i32 = arith.constant 0 : i32
    %c0_i32_0 = arith.constant 0 : i32
    return %arg0, %c0_i32 : i32, i32
  }
  func.func @transform_1(%arg0: i32) -> (i32, i32) {
    %c0_i32 = arith.constant 0 : i32
    %c0_i32_0 = arith.constant 0 : i32
    %c0_i32_1 = arith.constant 0 : i32
    return %c0_i32, %c0_i32_0 : i32, i32
  }
  func.func @transform_2(%arg0: i32) -> (i32, i32) {
    %c0_i32 = arith.constant 0 : i32
    %c0_i32_0 = arith.constant 0 : i32
    return %arg0, %c0_i32 : i32, i32
  }
}

module attributes {stable_mosaic.version = 14 : i64} {
  func.func @_tc2_body(%arg0: i32, %arg1: memref<1000x64xf32, #tpu.memory_space<vmem>>, %arg2: memref<1000x64xf32, #tpu.memory_space<vmem>>, %arg3: memref<1000x64xf32, #tpu.memory_space<vmem>>, %arg4: memref<1x64xf32, #tpu.memory_space<vmem>>, %arg5: memref<64x64xf32, #tpu.memory_space<vmem>>, %arg6: memref<1x64xf32, #tpu.memory_space<vmem>>, %arg7: memref<64x64xf32, #tpu.memory_space<vmem>>, %arg8: memref<1000x64xf32, #tpu.memory_space<vmem>>) attributes {dimension_semantics = [#tpu.dimension_semantics<arbitrary>], iteration_bounds = array<i64: 10>, scalar_prefetch = 0 : i64, scratch_operands = 0 : i64, tpu.core_type = #tpu.core_type<tc>, window_params = [{transform_indices = @transform_0, window_bounds = array<i64: 1000, 64>}, {transform_indices = @transform_1, window_bounds = array<i64: 1000, 64>}, {transform_indices = @transform_2, window_bounds = array<i64: 1000, 64>}, {pipeline_mode = #tpu.pipeline_mode<synchronous>, transform_indices = @transform_3, window_bounds = array<i64: 1, 64>}, {pipeline_mode = #tpu.pipeline_mode<synchronous>, transform_indices = @transform_4, window_bounds = array<i64: 64, 64>}, {pipeline_mode = #tpu.pipeline_mode<synchronous>, transform_indices = @transform_5, window_bounds = array<i64: 1, 64>}, {pipeline_mode = #tpu.pipeline_mode<synchronous>, transform_indices = @transform_6, window_bounds = array<i64: 64, 64>}, {transform_indices = @transform_7, window_bounds = array<i64: 1000, 64>}]} {
    %get3A = arith.constant 0 : index
    %get3A_0 = arith.constant 0 : index
    %get3A_1 = vector.load %arg1[%get3A, %get3A_0] : memref<1000x64xf32, #tpu.memory_space<vmem>>, vector<1000x64xf32>
    %get3A_2 = arith.constant 0 : index
    %get3A_3 = arith.constant 0 : index
    %get3A_4 = vector.load %arg2[%get3A_2, %get3A_3] : memref<1000x64xf32, #tpu.memory_space<vmem>>, vector<1000x64xf32>
    %add3A = arith.addf %get3A_1, %get3A_4 : vector<1000x64xf32>
    %get3A_5 = arith.constant 0 : index
    %get3A_6 = arith.constant 0 : index
    %get3A_7 = vector.load %arg3[%get3A_5, %get3A_6] : memref<1000x64xf32, #tpu.memory_space<vmem>>, vector<1000x64xf32>
    %add3A_8 = arith.addf %add3A, %get3A_7 : vector<1000x64xf32>
    %get3A_9 = arith.constant 0 : index
    %get3A_10 = arith.constant 0 : index
    %get3A_11 = vector.load %arg4[%get3A_9, %get3A_10] : memref<1x64xf32, #tpu.memory_space<vmem>>, vector<1x64xf32>
    %add3A_12 = vector.broadcast %get3A_11 : vector<1x64xf32> to vector<1000x64xf32>
    %add3A_13 = arith.addf %add3A_8, %add3A_12 : vector<1000x64xf32>
    %max3A = arith.constant 0.000000e+00 : f32
    %max3A_14 = vector.broadcast %max3A : f32 to vector<1000x64xf32>
    %max3A_15 = arith.maximumf %add3A_13, %max3A_14 : vector<1000x64xf32>
    %get3A_16 = arith.constant 0 : index
    %get3A_17 = arith.constant 0 : index
    %get3A_18 = vector.load %arg5[%get3A_16, %get3A_17] : memref<64x64xf32, #tpu.memory_space<vmem>>, vector<64x64xf32>
    %dot_general3A = arith.constant dense<0.000000e+00> : vector<1000x64xf32>
    %dot_general3A_19 = tpu.matmul %max3A_15, %get3A_18, %dot_general3A {dimension_numbers = #tpu.dot_dimension_numbers<[1], [0], [0], [1], [0, 0, 1, 1], [], []>, transpose_lhs_hint = false} : vector<1000x64xf32>, vector<64x64xf32>, vector<1000x64xf32> -> vector<1000x64xf32>
    %get3A_20 = arith.constant 0 : index
    %get3A_21 = arith.constant 0 : index
    %get3A_22 = vector.load %arg6[%get3A_20, %get3A_21] : memref<1x64xf32, #tpu.memory_space<vmem>>, vector<1x64xf32>
    %add3A_23 = vector.broadcast %get3A_22 : vector<1x64xf32> to vector<1000x64xf32>
    %add3A_24 = arith.addf %dot_general3A_19, %add3A_23 : vector<1000x64xf32>
    %max3A_25 = arith.constant 0.000000e+00 : f32
    %max3A_26 = vector.broadcast %max3A_25 : f32 to vector<1000x64xf32>
    %max3A_27 = arith.maximumf %add3A_24, %max3A_26 : vector<1000x64xf32>
    %get3A_28 = arith.constant 0 : index
    %get3A_29 = arith.constant 0 : index
    %get3A_30 = vector.load %arg7[%get3A_28, %get3A_29] : memref<64x64xf32, #tpu.memory_space<vmem>>, vector<64x64xf32>
    %dot_general3A_31 = arith.constant dense<0.000000e+00> : vector<1000x64xf32>
    %dot_general3A_32 = tpu.matmul %max3A_27, %get3A_30, %dot_general3A_31 {dimension_numbers = #tpu.dot_dimension_numbers<[1], [0], [0], [1], [0, 0, 1, 1], [], []>, transpose_lhs_hint = false} : vector<1000x64xf32>, vector<64x64xf32>, vector<1000x64xf32> -> vector<1000x64xf32>
    %swap3A = arith.constant 0 : index
    %swap3A_33 = arith.constant 0 : index
    %swap3A_34 = vector.load %arg8[%swap3A, %swap3A_33] : memref<1000x64xf32, #tpu.memory_space<vmem>>, vector<1000x64xf32>
    tpu.vector_store %arg8[%swap3A, %swap3A_33], %dot_general3A_32 {strides = array<i32>} : memref<1000x64xf32, #tpu.memory_space<vmem>>, vector<1000x64xf32>,
    return
  }
  func.func @transform_0(%arg0: i32) -> (i32, i32) {
    %c0_i32 = arith.constant 0 : i32
    %c0_i32_0 = arith.constant 0 : i32
    return %arg0, %c0_i32 : i32, i32
  }
  func.func @transform_1(%arg0: i32) -> (i32, i32) {
    %c0_i32 = arith.constant 0 : i32
    %c0_i32_0 = arith.constant 0 : i32
    return %arg0, %c0_i32 : i32, i32
  }
  func.func @transform_2(%arg0: i32) -> (i32, i32) {
    %c0_i32 = arith.constant 0 : i32
    %c0_i32_0 = arith.constant 0 : i32
    return %arg0, %c0_i32 : i32, i32
  }
  func.func @transform_3(%arg0: i32) -> (i32, i32) {
    %c0_i32 = arith.constant 0 : i32
    %c0_i32_0 = arith.constant 0 : i32
    %c0_i32_1 = arith.constant 0 : i32
    return %c0_i32, %c0_i32_0 : i32, i32
  }
  func.func @transform_4(%arg0: i32) -> (i32, i32) {
    %c0_i32 = arith.constant 0 : i32
    %c0_i32_0 = arith.constant 0 : i32
    %c0_i32_1 = arith.constant 0 : i32
    return %c0_i32, %c0_i32_0 : i32, i32
  }
  func.func @transform_5(%arg0: i32) -> (i32, i32) {
    %c0_i32 = arith.constant 0 : i32
    %c0_i32_0 = arith.constant 0 : i32
    %c0_i32_1 = arith.constant 0 : i32
    return %c0_i32, %c0_i32_0 : i32, i32
  }
  func.func @transform_6(%arg0: i32) -> (i32, i32) {
    %c0_i32 = arith.constant 0 : i32
    %c0_i32_0 = arith.constant 0 : i32
    %c0_i32_1 = arith.constant 0 : i32
    return %c0_i32, %c0_i32_0 : i32, i32
  }
  func.func @transform_7(%arg0: i32) -> (i32, i32) {
    %c0_i32 = arith.constant 0 : i32
    %c0_i32_0 = arith.constant 0 : i32
    return %arg0, %c0_i32 : i32, i32
  }
}

module attributes {stable_mosaic.version = 14 : i64} {
  func.func @_tc3_body(%arg0: i32, %arg1: memref<1000x64xf32, #tpu.memory_space<vmem>>, %arg2: memref<1000x64xf32, #tpu.memory_space<vmem>>, %arg3: memref<1000x64xf32, #tpu.memory_space<vmem>>, %arg4: memref<1x64xf32, #tpu.memory_space<vmem>>, %arg5: memref<64x64xf32, #tpu.memory_space<vmem>>, %arg6: memref<1x64xf32, #tpu.memory_space<vmem>>, %arg7: memref<64x40xf32, #tpu.memory_space<vmem>>, %arg8: memref<1x40xf32, #tpu.memory_space<vmem>>, %arg9: memref<1000x40xf32, #tpu.memory_space<vmem>>) attributes {dimension_semantics = [#tpu.dimension_semantics<arbitrary>], iteration_bounds = array<i64: 10>, scalar_prefetch = 0 : i64, scratch_operands = 0 : i64, tpu.core_type = #tpu.core_type<tc>, window_params = [{transform_indices = @transform_0, window_bounds = array<i64: 1000, 64>}, {transform_indices = @transform_1, window_bounds = array<i64: 1000, 64>}, {transform_indices = @transform_2, window_bounds = array<i64: 1000, 64>}, {pipeline_mode = #tpu.pipeline_mode<synchronous>, transform_indices = @transform_3, window_bounds = array<i64: 1, 64>}, {pipeline_mode = #tpu.pipeline_mode<synchronous>, transform_indices = @transform_4, window_bounds = array<i64: 64, 64>}, {pipeline_mode = #tpu.pipeline_mode<synchronous>, transform_indices = @transform_5, window_bounds = array<i64: 1, 64>}, {pipeline_mode = #tpu.pipeline_mode<synchronous>, transform_indices = @transform_6, window_bounds = array<i64: 64, 40>}, {pipeline_mode = #tpu.pipeline_mode<synchronous>, transform_indices = @transform_7, window_bounds = array<i64: 1, 40>}, {transform_indices = @transform_8, window_bounds = array<i64: 1000, 40>}]} {
    %get3A = arith.constant 0 : index
    %get3A_0 = arith.constant 0 : index
    %get3A_1 = vector.load %arg1[%get3A, %get3A_0] : memref<1000x64xf32, #tpu.memory_space<vmem>>, vector<1000x64xf32>
    %get3A_2 = arith.constant 0 : index
    %get3A_3 = arith.constant 0 : index
    %get3A_4 = vector.load %arg2[%get3A_2, %get3A_3] : memref<1000x64xf32, #tpu.memory_space<vmem>>, vector<1000x64xf32>
    %add3A = arith.addf %get3A_1, %get3A_4 : vector<1000x64xf32>
    %get3A_5 = arith.constant 0 : index
    %get3A_6 = arith.constant 0 : index
    %get3A_7 = vector.load %arg3[%get3A_5, %get3A_6] : memref<1000x64xf32, #tpu.memory_space<vmem>>, vector<1000x64xf32>
    %add3A_8 = arith.addf %add3A, %get3A_7 : vector<1000x64xf32>
    %get3A_9 = arith.constant 0 : index
    %get3A_10 = arith.constant 0 : index
    %get3A_11 = vector.load %arg4[%get3A_9, %get3A_10] : memref<1x64xf32, #tpu.memory_space<vmem>>, vector<1x64xf32>
    %add3A_12 = vector.broadcast %get3A_11 : vector<1x64xf32> to vector<1000x64xf32>
    %add3A_13 = arith.addf %add3A_8, %add3A_12 : vector<1000x64xf32>
    %max3A = arith.constant 0.000000e+00 : f32
    %max3A_14 = vector.broadcast %max3A : f32 to vector<1000x64xf32>
    %max3A_15 = arith.maximumf %add3A_13, %max3A_14 : vector<1000x64xf32>
    %get3A_16 = arith.constant 0 : index
    %get3A_17 = arith.constant 0 : index
    %get3A_18 = vector.load %arg5[%get3A_16, %get3A_17] : memref<64x64xf32, #tpu.memory_space<vmem>>, vector<64x64xf32>
    %dot_general3A = arith.constant dense<0.000000e+00> : vector<1000x64xf32>
    %dot_general3A_19 = tpu.matmul %max3A_15, %get3A_18, %dot_general3A {dimension_numbers = #tpu.dot_dimension_numbers<[1], [0], [0], [1], [0, 0, 1, 1], [], []>, transpose_lhs_hint = false} : vector<1000x64xf32>, vector<64x64xf32>, vector<1000x64xf32> -> vector<1000x64xf32>
    %get3A_20 = arith.constant 0 : index
    %get3A_21 = arith.constant 0 : index
    %get3A_22 = vector.load %arg6[%get3A_20, %get3A_21] : memref<1x64xf32, #tpu.memory_space<vmem>>, vector<1x64xf32>
    %add3A_23 = vector.broadcast %get3A_22 : vector<1x64xf32> to vector<1000x64xf32>
    %add3A_24 = arith.addf %dot_general3A_19, %add3A_23 : vector<1000x64xf32>
    %max3A_25 = arith.constant 0.000000e+00 : f32
    %max3A_26 = vector.broadcast %max3A_25 : f32 to vector<1000x64xf32>
    %max3A_27 = arith.maximumf %add3A_24, %max3A_26 : vector<1000x64xf32>
    %get3A_28 = arith.constant 0 : index
    %get3A_29 = arith.constant 0 : index
    %get3A_30 = vector.load %arg7[%get3A_28, %get3A_29] : memref<64x40xf32, #tpu.memory_space<vmem>>, vector<64x40xf32>
    %dot_general3A_31 = arith.constant dense<0.000000e+00> : vector<1000x40xf32>
    %dot_general3A_32 = tpu.matmul %max3A_27, %get3A_30, %dot_general3A_31 {dimension_numbers = #tpu.dot_dimension_numbers<[1], [0], [0], [1], [0, 0, 1, 1], [], []>, transpose_lhs_hint = false} : vector<1000x64xf32>, vector<64x40xf32>, vector<1000x40xf32> -> vector<1000x40xf32>
    %get3A_33 = arith.constant 0 : index
    %get3A_34 = arith.constant 0 : index
    %get3A_35 = vector.load %arg8[%get3A_33, %get3A_34] : memref<1x40xf32, #tpu.memory_space<vmem>>, vector<1x40xf32>
    %add3A_36 = vector.broadcast %get3A_35 : vector<1x40xf32> to vector<1000x40xf32>
    %add3A_37 = arith.addf %dot_general3A_32, %add3A_36 : vector<1000x40xf32>
    %reduce_max3A = arith.constant dense<0xFF800000> : vector<1000xf32>
    %reduce_max3A_38 = vector.multi_reduction <maximumf>, %add3A_37, %reduce_max3A [1] : vector<1000x40xf32> to vector<1000xf32>
    %broadcast_in_dim3A = vector.shape_cast %reduce_max3A_38 : vector<1000xf32> to vector<1000x1xf32>
    %sub3A = vector.broadcast %broadcast_in_dim3A : vector<1000x1xf32> to vector<1000x40xf32>
    %sub3A_39 = arith.subf %add3A_37, %sub3A : vector<1000x40xf32>
    %exp3A = math.exp %sub3A_39 : vector<1000x40xf32>
    %reduce_sum3A = arith.constant dense<0.000000e+00> : vector<1000xf32>
    %reduce_sum3A_40 = vector.multi_reduction <add>, %exp3A, %reduce_sum3A [1] : vector<1000x40xf32> to vector<1000xf32>
    %broadcast_in_dim3A_41 = vector.shape_cast %reduce_sum3A_40 : vector<1000xf32> to vector<1000x1xf32>
    %log3A = math.log %broadcast_in_dim3A_41 : vector<1000x1xf32>
    %add3A_42 = arith.addf %broadcast_in_dim3A, %log3A : vector<1000x1xf32>
    %sub3A_43 = vector.broadcast %add3A_42 : vector<1000x1xf32> to vector<1000x40xf32>
    %sub3A_44 = arith.subf %add3A_37, %sub3A_43 : vector<1000x40xf32>
    %swap3A = arith.constant 0 : index
    %swap3A_45 = arith.constant 0 : index
    %swap3A_46 = vector.load %arg9[%swap3A, %swap3A_45] : memref<1000x40xf32, #tpu.memory_space<vmem>>, vector<1000x40xf32>
    tpu.vector_store %arg9[%swap3A, %swap3A_45], %sub3A_44 {strides = array<i32>} : memref<1000x40xf32, #tpu.memory_space<vmem>>, vector<1000x40xf32>,
    return
  }
  func.func @transform_0(%arg0: i32) -> (i32, i32) {
    %c0_i32 = arith.constant 0 : i32
    %c0_i32_0 = arith.constant 0 : i32
    return %arg0, %c0_i32 : i32, i32
  }
  func.func @transform_1(%arg0: i32) -> (i32, i32) {
    %c0_i32 = arith.constant 0 : i32
    %c0_i32_0 = arith.constant 0 : i32
    return %arg0, %c0_i32 : i32, i32
  }
  func.func @transform_2(%arg0: i32) -> (i32, i32) {
    %c0_i32 = arith.constant 0 : i32
    %c0_i32_0 = arith.constant 0 : i32
    return %arg0, %c0_i32 : i32, i32
  }
  func.func @transform_3(%arg0: i32) -> (i32, i32) {
    %c0_i32 = arith.constant 0 : i32
    %c0_i32_0 = arith.constant 0 : i32
    %c0_i32_1 = arith.constant 0 : i32
    return %c0_i32, %c0_i32_0 : i32, i32
  }
  func.func @transform_4(%arg0: i32) -> (i32, i32) {
    %c0_i32 = arith.constant 0 : i32
    %c0_i32_0 = arith.constant 0 : i32
    %c0_i32_1 = arith.constant 0 : i32
    return %c0_i32, %c0_i32_0 : i32, i32
  }
  func.func @transform_5(%arg0: i32) -> (i32, i32) {
    %c0_i32 = arith.constant 0 : i32
    %c0_i32_0 = arith.constant 0 : i32
    %c0_i32_1 = arith.constant 0 : i32
    return %c0_i32, %c0_i32_0 : i32, i32
  }
  func.func @transform_6(%arg0: i32) -> (i32, i32) {
    %c0_i32 = arith.constant 0 : i32
    %c0_i32_0 = arith.constant 0 : i32
    %c0_i32_1 = arith.constant 0 : i32
    return %c0_i32, %c0_i32_0 : i32, i32
  }
  func.func @transform_7(%arg0: i32) -> (i32, i32) {
    %c0_i32 = arith.constant 0 : i32
    %c0_i32_0 = arith.constant 0 : i32
    %c0_i32_1 = arith.constant 0 : i32
    return %c0_i32, %c0_i32_0 : i32, i32
  }
  func.func @transform_8(%arg0: i32) -> (i32, i32) {
    %c0_i32 = arith.constant 0 : i32
    %c0_i32_0 = arith.constant 0 : i32
    return %arg0, %c0_i32 : i32, i32
  }
}

</mosaic_0001>

<sc_bundles>
// kernel: kernel.10.cloned.1.call-start
scs
__scs_entry_jumppad:
0x0: {  	(pc) =	sbr.rel $0x88, $3  }
0x1: {  	(tag) =	ssettag $0x0;
	lr =	simm.s32 $0x1  }
0x2: {  	[smem:$0x3F95] =	sst lr;
	_ =	strace $0xD0000000  }
0x3: {  	_ = 	snop  }
0x4: {  	_ = 	snop  }
0x5: {  	_ = 	snop  }
0x6: {  	_ = 	snop  }
0x7: {  	_ = 	snop  }
__scs_overlays_trampoline_lowered:
0x8: {  	[smem:$0x3FA4] =	sst s0  }
0x9: {  	[smem:$0x3FA5] =	sst s1  }
0xa: {  	[smem:$0x3FA6] =	sst s2  }
0xb: {  	[smem:$0x3FA7] =	sst s3  }
0xc: {  	[smem:$0x3FA8] =	sst s4  }
0xd: {  	[smem:$0x3FA9] =	sst s5  }
0xe: {  	[smem:$0x3FAA] =	sst s6  }
0xf: {  	[smem:$0x3FAB] =	sst s7  }
0x10: {  	[smem:$0x3FAC] =	sst s8  }
0x11: {  	[smem:$0x3FAD] =	sst s9;
	s0 =	simm.s32 @!p0 $0x0  }
0x12: {  	s1 =	sld [smem:$0x3F93];
	s0 =	simm.s32 @p0 $0x1  }
0x13: {  	[smem:$0x3FAE] =	sst s0;
	s0 =	simm.s32 @!p1 $0x0  }
0x14: {  	s2 =	sld [smem:$0x3F92];
	s0 =	simm.s32 @p1 $0x1  }
0x15: {  	[smem:$0x3FAF] =	sst s0;
	s0 =	simm.s32 @!p2 $0x0  }
0x16: {  	s3 =	sld [smem:$0x3FDB];
	s0 =	simm.s32 @p2 $0x1  }
0x17: {  	s4 =	simm.s32 $0x1BF5;
	[smem:$0x3FB1] =	sst s0  }
0x18: {  	s0 =	sld [smem:$0x3F94];
	_ =	swait.ge [sflag:s4], $0x0  }
0x19: {  	s7 =	sld [smem:$0x3F95]  }
0x1a: {  	s8 =	sadd.s32 $0xFFFFE003, lr  }
0x1b: {  	s9 =	sadd.s32 $0xFFFFFEF7, lr;
	s5 =	simm.s32 $0xFFFFFFFF;
	p2 =	slt.u32 s8, $0xFFFFF086  }
0x1c: {  	p1 =	slt.u32 s9, $0xF7A;
	s5 =	simm.s32 @!p2 $0x0  }
0x1d: {  	s5 =	simm.s32 @p1 $0x1;
	p0 =	seq.s32 s7, s2  }
0x1e: {  	s7 =	smul.u32 @!p0 $0xF7A, s2;
	p2 =	seq.s32 @!p0 s5, $0x0  }
0x1f: {  	s9 =	smul.u32 $0xF7A, s1;
	s8 =	simm.s32 @!p0 $0x1BF5;
	p2 =	por !p2, p0  }
0x20: {  	[sflag:s8] =	ssyncset.s32 @!p0 $0xFFFFF086;
	s6 =	sadd.s32 @!p0 s3, s7;
	s7 =	simm.s32 @!p0 $0x108  }
0x21: {  	s3 =	sadd.s32 s3, s9;
	s6 =	sadd.s32 @!p0 $0x88, s6;
	s7 =	simm.s32 @p2 $0x1082  }
0x22: {  	[simem:s7], [sflag:s8] =	dma.local @!p0 [hbm:s6], $0xF7A  }
0x23: {  	s9 =	sor.u32 $0xD0000000, s2;
	s6 =	simm.s32 $0x108;
	_ =	swait.ge @!p0 [sflag:s8], $0x0  }
0x24: {  	s3 =	sadd.s32 $0x88, s3;
	s6 =	simm.s32 @!p1 $0x1082;
	[sflag:s4] =	ssyncset.s32 $0xFFFFF086  }
0x25: {  	[simem:s6], [sflag:s4] =	dma.local [hbm:s3], $0xF7A  }
0x26: {  	[smem:$0x3F95] =	sst s1;
	(tag) =	ssettag s2;
	_ =	strace s9  }
0x27: {  	s1 =	sld [smem:$0x3FA5]  }
0x28: {  	s2 =	sld [smem:$0x3FA6]  }
0x29: {  	s4 =	sld [smem:$0x3FA8]  }
0x2a: {  	p0 =	seq.s32 s5, $0x0;
	s5 =	sld [smem:$0x3FA9]  }
0x2b: {  	s6 =	sld [smem:$0x3FAA]  }
0x2c: {  	s7 =	sld [smem:$0x3FAB]  }
0x2d: {  	s3 =	simm.s32 $0x108;
	s8 =	sld [smem:$0x3FAC]  }
0x2e: {  	s3 =	simm.s32 @!p0 $0x1082;
	s9 =	sld [smem:$0x3FAD]  }
0x2f: {  	lr =	sadd.s32 s0, s3;
	s0 =	sld [smem:$0x3FA4]  }
0x30: {  	s3 =	sld [smem:$0x3FA7]  }
0x31: {  	[smem:$0x3FB0] =	sst s10  }
0x32: {  	s10 =	sld [smem:$0x3FAE];
	_ =	sdelay $0x3  }
0x33: {  	p0 =	seq.s32 s10, $0x1;
	s10 =	sld [smem:$0x3FB0];
	_ =	sdelay $0x3  }
0x34: {  	[smem:$0x3FB0] =	sst s10  }
0x35: {  	s10 =	sld [smem:$0x3FAF];
	_ =	sdelay $0x3  }
0x36: {  	p1 =	seq.s32 s10, $0x1;
	s10 =	sld [smem:$0x3FB0];
	_ =	sdelay $0x3  }
0x37: {  	[smem:$0x3FB0] =	sst s10  }
0x38: {  	s10 =	sld [smem:$0x3FB1]  }
0x39: {  	_ = 	snop;
	(pc) =	sbr.ind lr, $3  }
0x3a: {  	_ = 	snop  }
0x3b: {  	_ = 	snop  }
0x3c: {  	p2 =	seq.s32 s10, $0x1;
	s10 =	sld [smem:$0x3FB0]  }
0x3d: {  	_ =	shalt  }
0x3e: {  	_ =	shalt  }
0x3f: {  	_ =	shalt  }
0x40: {  	_ =	shalt  }
0x41: {  	_ =	shalt  }
0x42: {  	_ =	shalt  }
0x43: {  	_ =	shalt  }
0x44: {  	_ =	shalt  }
0x45: {  	_ =	shalt  }
0x46: {  	_ =	shalt  }
0x47: {  	_ =	shalt  }
0x48: {  	_ =	shalt  }
0x49: {  	_ =	shalt  }
0x4a: {  	_ =	shalt  }
0x4b: {  	_ =	shalt  }
0x4c: {  	_ =	shalt  }
0x4d: {  	_ =	shalt  }
0x4e: {  	_ =	shalt  }
0x4f: {  	_ =	shalt  }
0x50: {  	_ =	shalt  }
0x51: {  	_ =	shalt  }
0x52: {  	_ =	shalt  }
0x53: {  	_ =	shalt  }
0x54: {  	_ =	shalt  }
0x55: {  	_ =	shalt  }
0x56: {  	_ =	shalt  }
0x57: {  	_ =	shalt  }
0x58: {  	_ =	shalt  }
0x59: {  	_ =	shalt  }
0x5a: {  	_ =	shalt  }
0x5b: {  	_ =	shalt  }
0x5c: {  	_ =	shalt  }
0x5d: {  	_ =	shalt  }
0x5e: {  	_ =	shalt  }
0x5f: {  	_ =	shalt  }
0x60: {  	_ =	shalt  }
0x61: {  	_ =	shalt  }
0x62: {  	_ =	shalt  }
0x63: {  	_ =	shalt  }
0x64: {  	_ =	shalt  }
0x65: {  	_ =	shalt  }
0x66: {  	_ =	shalt  }
0x67: {  	_ =	shalt  }
0x68: {  	_ =	shalt  }
0x69: {  	_ =	shalt  }
0x6a: {  	_ =	shalt  }
0x6b: {  	_ =	shalt  }
0x6c: {  	_ =	shalt  }
0x6d: {  	_ =	shalt  }
0x6e: {  	_ =	shalt  }
0x6f: {  	_ =	shalt  }
0x70: {  	_ =	shalt  }
0x71: {  	_ =	shalt  }
0x72: {  	_ =	shalt  }
0x73: {  	_ =	shalt  }
0x74: {  	_ =	shalt  }
0x75: {  	_ =	shalt  }
0x76: {  	_ =	shalt  }
0x77: {  	_ =	shalt  }
0x78: {  	_ =	shalt  }
0x79: {  	_ =	shalt  }
0x7a: {  	_ =	shalt  }
0x7b: {  	_ =	shalt  }
0x7c: {  	_ =	shalt  }
0x7d: {  	_ =	shalt  }
0x7e: {  	_ =	shalt  }
0x7f: {  	_ =	shalt  }
0x80: {  	_ =	shalt  }
0x81: {  	_ =	shalt  }
0x82: {  	_ =	shalt  }
0x83: {  	_ =	shalt  }
0x84: {  	_ =	shalt  }
0x85: {  	_ =	shalt  }
0x86: {  	_ =	shalt  }
0x87: {  	_ =	shalt  }
.Lfunc_end0:
.L_simem_size_0:
called_computation.1_lowered:
.L_overlay_start_0:
0x88: {  	s2 =	sld [smem:$0x3FD9]  }
0x89: {  	s3 =	sld [smem:$0x3FFE];
	_ =	sdelay $0x1  }
0x8a: {  	s1 =	srdreg.scid  }
0x8b: {  	s0 =	sand.u32 $0x1, s1  }
0x8c: {  	s17 =	sshll.u32 s0, $0xA;
	s2 =	sadd.s32 s3, s2  }
0x8d: {  	s2 =	sadd.s32 s2, s17  }
0x8e: {  	[smem:$0x3FBC] =	sst s2  }
0x8f: {  	_ = 	snop  }
0x90: {  	s2 =	sld [smem:$0x3FD0];
	(tm) =	ssettm $0x1  }
0x91: {  	s18 =	sld [smem:$0x3FFB];
	_ =	sdelay $0x3  }
0x92: {  	_ =	strace s18  }
0x93: {  	s3 =	sld [smem:$0x3FFC];
	_ =	sdelay $0x3  }
0x94: {  	_ =	strace s3  }
0x95: {  	s3 =	sld [smem:$0x3FFD];
	_ =	sdelay $0x3  }
0x96: {  	_ =	strace s3  }
0x97: {  	_ =	strace $0x8FFFFFFF  }
0x98: {  	s19 =	sld [smem:$0x3FDB];
	_ =	sdelay $0x1  }
0x99: {  	s4 =	simm.s32 $_scs_section_size  }
0x9a: {  	s5 =	simm.s32 $_size__tile_overlayer_lowered;
	s6 =	simm.s32 $_tile_overlayer_lowered  }
0x9b: {  	s22 =	simm.s32 $0x1BFF;
	s21 =	sshll.u32 s6, $0x1;
	s3 =	sadd.s32 s4, s19  }
0x9c: {  	s7 =	simm.s32 $0x0;
	s20 =	sshll.u32 s5, $0x1;
	s5 =	sadd.s32 s21, s3  }
0x9d: {  	[timem:s7], [sflag:s22] =	dma.local [hbm:s5], s20  }
0x9e: {  	_ =	swait.ge [sflag:s22], s20  }
0x9f: {  	s4 =	ssub.s32 $0x0, s20;
	[sflag:s22] =	ssyncset.done $0x0  }
0xa0: {  	[sflag:s22] =	ssyncadd.s32 s4;
	_ =	sdelay $0x1  }
0xa1: {  	s23 =	simm.s32 $0x1B8B  }
0xa2: {  	_ =	swait.ge [sflag:s23], $0x1  }
0xa3: {  	[sflag:s23] =	ssyncset.done $0x0  }
0xa4: {  	s25 =	simm.s32 $0x1B8E;
	s24 =	sld [smem:$0x3FFE];
	[sflag:s23] =	ssyncadd.s32 $0xFFFFFFFF  }
0xa5: {  	s26 =	simm.s32 $execute0_lowered;
	[smem:$0x3FD2] =	sst s25  }
0xa6: {  	s5 =	sshll.u32 s26, $0x1;
	_ =	strace $0x80000049;
	[dreg:$0x1] =	wrdreg $0xFFFFFFFF  }
0xa7: {  	s28 =	simm.s32 $_size_execute0_lowered;
	s3 =	sadd.s32 s3, s5;
	[dreg:$0x0] =	wrdreg $0x0  }
0xa8: {  	s5 =	sshll.u32 s28, $0x1;
	[dreg:$0x2] =	wrdreg s3  }
0xa9: {  	[dreg:$0x3] =	wrdreg s5  }
0xaa: {  	[dreg:$0x4] =	wrdreg $0xC0  }
0xab: {  	_ =	task [dreg:s7], $0x5FFFF  }
0xac: {  	[dreg:$0x1] =	wrdreg $0xFFFFFFFF  }
0xad: {  	[dreg:$0x0] =	wrdreg $0x60  }
0xae: {  	[dreg:$0x2] =	wrdreg s24  }
0xaf: {  	[dreg:$0x3] =	wrdreg s2  }
0xb0: {  	[dreg:$0x4] =	wrdreg $0xB2200  }
0xb1: {  	[dreg:$0x5] =	wrdreg $0x9  }
0xb2: {  	_ =	task.clear_ibuf [dreg:s7], $0x6FFFF;
	_ =	strace $0x90000049  }
0xb3: {  	s29 =	simm.s32 $0x9;
	_ =	strace $0x8000004B  }
0xb4: {  	_ =	swait.ge [sflag:s29], $0x1  }
0xb5: {  	[sflag:s29] =	ssyncadd.s32 $0xFFFFFFFF  }
0xb6: {  	_ =	strace $0x9000004B  }
0xb7: {  	_ =	sfence  }
0xb8: {  	s30 =	sld [smem:$0x0];
	_ =	sdelay $0x2  }
0xb9: {  	s31 =	sshll.u32 s1, $0xD;
	s1 =	sshrl.u32 s1, $0x2  }
0xba: {  	s3 =	sand.u32 $0x4000, s31;
	s1 =	sadd.s32 s1, s30  }
0xbb: {  	s0 =	sor.u32 s3, s0;
	s1 =	sshll.u32 s1, $0x11  }
0xbc: {  	s0 =	sor.u32 s1, s0  }
0xbd: {  	s0 =	sadd.s32 $0x8F2B, s0  }
0xbe: {  	[sflag:s0] =	ssyncadd.remote.s32 $0x1  }
0xbf: {  	_ =	sfence.sel $0xFFFF  }
0xc0: {  	[dreg:$0x0] =	wrdreg $0xFFFFFFFF;
	(pc) =	sbr.abs _section_cstart, $3  }
0xc1: {  	[dreg:$0x1] =	wrdreg $0xFFFFFFFF  }
0xc2: {  	_ =	task.clear_ibuf [dreg:s7], $0x2FFFF;
	_ =	strace $0x9FFFFFFF  }
0xc3: {  	(tm) =	ssettm $0x7FFFFFFF  }
tec
execute0_lowered:
.L_overlay_start_1:
0x0: {  	(tag) =	ssettag $0x1  }
0x1: {  	s0 =	rddreg [dreg:$0x0]  }
0x2: {  	s1 =	srdreg.scid;
	s5 =	rddreg [dreg:$0x1]  }
0x3: {  	s2 =	rddreg [dreg:$0x2];
	s11 =	stileid.u32;
	s3 =	simm.s32 $0x0  }
0x4: {  	s28 =	simm.s32 $0x1;
	s29 =	simm.s32 $0x2;
	s30 =	simm.s32 $0x50  }
0x5: {  	s31 =	simm.s32 $0x4E20;
	s1 =	sand.u32 $0x1, s1;
	s8 =	smul.u32 $0x27800, s11  }
0x6: {  	[smem:$0x7FF] =	sst s3;
	s24 =	smul.u32 $0x9E00, s11;
	s25 =	sadd.s32 $0x95600, s2  }
0x7: {  	p0 =	seq.s32 s11, $0xF;
	s4 =	sshll.u32 s1, $0x4;
	_ =	strace $0x8000004A  }
0x8: {  	s7 =	ssub.s32 $0x2, s1;
	s1 =	smul.u32 $0x9C400, s1;
	[dreg:$0xd] =	wrdreg s25  }
0x9: {  	s4 =	sor.u32 s11, s4;
	s10 =	sshrl.u32 s7, $0x1;
	s15 =	sshrl.u32 s8, $0x2  }
0xa: {  	s8 =	simm.s32 $0x3;
	s10 =	ssub.s32 s7, s10;
	s7 =	sadd.s32 s15, s2  }
0xb: {  	s11 =	simm.s32 $0x0;
	s6 =	smul.u32 $0x4E2, s4;
	s17 =	sadd.s32 $0x1400, s7  }
0xc: {  	s4 =	sadd.s32 $0xB800, s0;
	s18 =	sadd.s32 $0x2800, s7;
	[dreg:$0x6] =	wrdreg s17  }
0xd: {  	s15 =	sadd.s32 $0x94200, s2;
	s19 =	sadd.s32 $0x3C00, s7;
	[dreg:$0x7] =	wrdreg s18  }
0xe: {  	s26 =	sadd.s32 s24, s1;
	s20 =	sadd.s32 $0x5000, s7;
	[dreg:$0x8] =	wrdreg s19  }
0xf: {  	s1 =	sshrl.u32 s1, $0x3;
	s21 =	sadd.s32 $0x6400, s7;
	[dreg:$0x9] =	wrdreg s20  }
0x10: {  	s22 =	sadd.s32 $0x7800, s7;
	s23 =	sadd.s32 $0x8C00, s7;
	[dreg:$0xa] =	wrdreg s21  }
0x11: {  	s9 =	sadd.s32 s6, s0;
	s0 =	sadd.s32 $0x1F200, s0;
	[dreg:$0xb] =	wrdreg s22  }
0x12: {  	s5 =	sadd.s32 s5, s6;
	[dreg:$0xc] =	wrdreg s23;
	s17 =	sadd.s32 $0x96A00, s2  }
0x13: {  	s18 =	sadd.s32 $0x97E00, s2;
	s19 =	sadd.s32 $0x99200, s2;
	s20 =	sadd.s32 $0x9A600, s2  }
0x14: {  	s6 =	sshrl.u32 s26, $0x3;
	s22 =	sadd.s32 $0x9BA00, s2;
	s26 =	simm.s32 $0x8A20  }
0x15: {  	s16 =	sadd.s32 $0x1A00, s9;
	[dreg:$0x5] =	wrdreg s5;
	s21 =	sadd.s32 s0, s6  }
0x16: {  	s0 =	sadd.s32 s0, s1;
	s1 =	sadd.s32 s24, s2;
	s24 =	smax.u32 s10, $0x1  }
0x17: {  	s5 =	simm.s32 $0x9E20;
	s6 =	simm.s32 $0x6;
	s9 =	simm.s32 $0x4  }
0x18: {  	s10 =	simm.s32 $0x5;
	[dreg:$0x4] =	wrdreg s16;
	s23 =	sadd.s32 $0x12840, s0  }
0x19: {  	v0 =	vimm.f32 $0.0e+00;
	s25 =	sshrl.u32 @!p0 s1, $0x3;
	s0 =	simm.s32 $0x6220;
	s1 =	simm.s32 $0x7620  }
.LBB2_1:
0x1a: {  	s12 =	rddreg [dreg:$0x4]  }
0x1b: {  	[tilespmem:s3], [sflag:$0x1] =	stream.linear.gather [hbm4b:s12+s3], $0x2710, $0x38;
	[tilespmem:$0x15060] =	vst v63  }
0x1c: {  	s16 =	rddreg [dreg:$0x5];
	s13 =	simm.s32 $0x2710;
	s14 =	sand.u32 $0x7F00, s3  }
0x1d: {  	[tilespmem:s13], [sflag:$0x2] =	stream.linear.gather [hbm4b:s16+s3], $0x2710, $0x38;
	[tilespmem:$0x15060] =	vst v63  }
0x1e: {  	s14 =	sshrl.u32 s14, $0x2;
	s16 =	sand.u32 $0x30, s3  }
0x1f: {  	s12 =	simm.s32 $0x40;
	s13 =	simm.s32 $0x0;
	s14 =	sor.u32 s16, s14  }
.LBB2_2:
0x20: {  	p1 =	sne.s32 s12, $0x4FC0  }
0x21: {  	[tilespmem:s14+$0x4E20] =	vst v0;
	s13 =	sadd.s32 $0x10, s13;
	s14 =	smov.u32 s12;
	s12 =	sadd.s32 $0x40, s12  }
.Ltmp0:
0x22: {  	(pc) =	sbr.rel @p1 .LBB2_2-.Ltmp0, $4  }
0x23: {  	_ = 	snop  }
0x24: {  	s14 =	sand.u32 $0x7F00, s14  }
0x25: {  	s16 =	sand.u32 $0x30, s13;
	s14 =	sshrl.u32 s14, $0x2  }
0x26: {  	s14 =	sor.u32 s16, s14  }
0x27: {  	[tilespmem:s14+$0x4E20] =	vst v0;
	s12 =	simm.s32 @p0 $0x4E20;
	s13 =	simm.s32 @p0 $0x6  }
0x28: {  	[spmem:s15] =	stream.linear.scatter @p0 [tilespmem:s12], [sflag:$0x6], $0x1400, $0x38;
	[tilespmem:$0x15060] =	vst v63  }
0x29: {  	_ =	swait.ge @p0 [sflag:s13], $0x1400  }
0x2a: {  	[sflag:s13] =	ssyncset.done @p0 $0x0  }
0x2b: {  	s14 =	rddreg [dreg:$0xd];
	[sflag:s13] =	ssyncadd.s32 @p0 $0xFFFFEC00  }
0x2c: {  	[spmem:s14] =	stream.linear.scatter @p0 [tilespmem:s12], [sflag:$0x6], $0x1400, $0x38;
	[tilespmem:$0x15060] =	vst v63  }
0x2d: {  	_ =	swait.ge @p0 [sflag:s13], $0x1400  }
0x2e: {  	[sflag:s13] =	ssyncset.done @p0 $0x0  }
0x2f: {  	[sflag:s13] =	ssyncadd.s32 @p0 $0xFFFFEC00  }
0x30: {  	[spmem:s17] =	stream.linear.scatter @p0 [tilespmem:s12], [sflag:$0x6], $0x1400, $0x38;
	[tilespmem:$0x15060] =	vst v63  }
0x31: {  	_ =	swait.ge @p0 [sflag:s13], $0x1400  }
0x32: {  	[sflag:s13] =	ssyncset.done @p0 $0x0  }
0x33: {  	[sflag:s13] =	ssyncadd.s32 @p0 $0xFFFFEC00  }
0x34: {  	[spmem:s18] =	stream.linear.scatter @p0 [tilespmem:s12], [sflag:$0x6], $0x1400, $0x38;
	[tilespmem:$0x15060] =	vst v63  }
0x35: {  	_ =	swait.ge @p0 [sflag:s13], $0x1400  }
0x36: {  	[sflag:s13] =	ssyncset.done @p0 $0x0  }
0x37: {  	[sflag:s13] =	ssyncadd.s32 @p0 $0xFFFFEC00  }
0x38: {  	[spmem:s19] =	stream.linear.scatter @p0 [tilespmem:s12], [sflag:$0x6], $0x1400, $0x38;
	[tilespmem:$0x15060] =	vst v63  }
0x39: {  	_ =	swait.ge @p0 [sflag:s13], $0x1400  }
0x3a: {  	[sflag:s13] =	ssyncset.done @p0 $0x0  }
0x3b: {  	[sflag:s13] =	ssyncadd.s32 @p0 $0xFFFFEC00  }
0x3c: {  	[spmem:s20] =	stream.linear.scatter @p0 [tilespmem:s12], [sflag:$0x6], $0x1400, $0x38;
	[tilespmem:$0x15060] =	vst v63  }
0x3d: {  	_ =	swait.ge @p0 [sflag:s13], $0x1400  }
0x3e: {  	[sflag:s13] =	ssyncset.done @p0 $0x0  }
0x3f: {  	[sflag:s13] =	ssyncadd.s32 @p0 $0xFFFFEC00  }
0x40: {  	[spmem:s22] =	stream.linear.scatter @p0 [tilespmem:s12], [sflag:$0x6], $0xA00, $0x38;
	[tilespmem:$0x15060] =	vst v63  }
0x41: {  	_ =	swait.ge @p0 [sflag:s13], $0xA00  }
0x42: {  	[sflag:s13] =	ssyncset.done @p0 $0x0  }
0x43: {  	s12 =	simm.s32 @!p0 $0x4E20;
	[sflag:s13] =	ssyncadd.s32 @p0 $0xFFFFF600;
	s13 =	simm.s32 @!p0 $0x6  }
0x44: {  	[spmem:s7] =	stream.linear.scatter @!p0 [tilespmem:s12], [sflag:$0x6], $0x1400, $0x38;
	[tilespmem:$0x15060] =	vst v63  }
0x45: {  	_ =	swait.ge @!p0 [sflag:s13], $0x1400  }
0x46: {  	[sflag:s13] =	ssyncset.done @!p0 $0x0  }
0x47: {  	s14 =	rddreg [dreg:$0x6];
	[sflag:s13] =	ssyncadd.s32 @!p0 $0xFFFFEC00  }
0x48: {  	[spmem:s14] =	stream.linear.scatter @!p0 [tilespmem:s12], [sflag:$0x6], $0x1400, $0x38;
	[tilespmem:$0x15060] =	vst v63  }
0x49: {  	_ =	swait.ge @!p0 [sflag:s13], $0x1400  }
0x4a: {  	[sflag:s13] =	ssyncset.done @!p0 $0x0  }
0x4b: {  	s14 =	rddreg [dreg:$0x7];
	[sflag:s13] =	ssyncadd.s32 @!p0 $0xFFFFEC00  }
0x4c: {  	[spmem:s14] =	stream.linear.scatter @!p0 [tilespmem:s12], [sflag:$0x6], $0x1400, $0x38;
	[tilespmem:$0x15060] =	vst v63  }
0x4d: {  	_ =	swait.ge @!p0 [sflag:s13], $0x1400  }
0x4e: {  	[sflag:s13] =	ssyncset.done @!p0 $0x0  }
0x4f: {  	s14 =	rddreg [dreg:$0x8];
	[sflag:s13] =	ssyncadd.s32 @!p0 $0xFFFFEC00  }
0x50: {  	[spmem:s14] =	stream.linear.scatter @!p0 [tilespmem:s12], [sflag:$0x6], $0x1400, $0x38;
	[tilespmem:$0x15060] =	vst v63  }
0x51: {  	_ =	swait.ge @!p0 [sflag:s13], $0x1400  }
0x52: {  	[sflag:s13] =	ssyncset.done @!p0 $0x0  }
0x53: {  	s14 =	rddreg [dreg:$0x9];
	[sflag:s13] =	ssyncadd.s32 @!p0 $0xFFFFEC00  }
0x54: {  	[spmem:s14] =	stream.linear.scatter @!p0 [tilespmem:s12], [sflag:$0x6], $0x1400, $0x38;
	[tilespmem:$0x15060] =	vst v63  }
0x55: {  	_ =	swait.ge @!p0 [sflag:s13], $0x1400  }
0x56: {  	[sflag:s13] =	ssyncset.done @!p0 $0x0  }
0x57: {  	s14 =	rddreg [dreg:$0xa];
	[sflag:s13] =	ssyncadd.s32 @!p0 $0xFFFFEC00  }
0x58: {  	[spmem:s14] =	stream.linear.scatter @!p0 [tilespmem:s12], [sflag:$0x6], $0x1400, $0x38;
	[tilespmem:$0x15060] =	vst v63  }
0x59: {  	_ =	swait.ge @!p0 [sflag:s13], $0x1400  }
0x5a: {  	[sflag:s13] =	ssyncset.done @!p0 $0x0  }
0x5b: {  	s14 =	rddreg [dreg:$0xb];
	[sflag:s13] =	ssyncadd.s32 @!p0 $0xFFFFEC00  }
0x5c: {  	[spmem:s14] =	stream.linear.scatter @!p0 [tilespmem:s12], [sflag:$0x6], $0x1400, $0x38;
	[tilespmem:$0x15060] =	vst v63  }
0x5d: {  	_ =	swait.ge @!p0 [sflag:s13], $0x1400  }
0x5e: {  	[sflag:s13] =	ssyncset.done @!p0 $0x0  }
0x5f: {  	s14 =	rddreg [dreg:$0xc];
	[sflag:s13] =	ssyncadd.s32 @!p0 $0xFFFFEC00  }
0x60: {  	[spmem:s14] =	stream.linear.scatter @!p0 [tilespmem:s12], [sflag:$0x6], $0x1200, $0x38;
	[tilespmem:$0x15060] =	vst v63  }
0x61: {  	_ =	swait.ge @!p0 [sflag:s13], $0x1200  }
0x62: {  	[sflag:s13] =	ssyncset.done @!p0 $0x0  }
0x63: {  	[sflag:s13] =	ssyncadd.s32 @!p0 $0xFFFFEE00  }
0x64: {  	_ =	swait.ge [sflag:s28], $0x2710  }
0x65: {  	[sflag:s28] =	ssyncset.done $0x0  }
0x66: {  	[sflag:s28] =	ssyncadd.s32 $0xFFFFD8F0  }
0x67: {  	_ =	swait.ge [sflag:s29], $0x2710  }
0x68: {  	[sflag:s29] =	ssyncset.done $0x0  }
0x69: {  	[sflag:s29] =	ssyncadd.s32 $0xFFFFD8F0  }
0x6a: {  	s16 =	simm.s32 $0x0;
	[bflag:$0x0] =	sbarrier.arrive $0xFFFF  }
0x6b: {  	[tilespmem:s31], [sflag:$0x1] =	stream.indirect.gather [hbm4b:s4+s30], $0x40, s16, s30, $0xb8;
	[tilespmem:$0x15060] =	vst v63  }
0x6c: {  	_ = 	snop  }
0x6d: {  	[tilespmem:s0], [sflag:$0x2] =	stream.indirect.gather [hbm4b:s4+s30], $0x40, s30, s30, $0xb8;
	[tilespmem:$0x15060] =	vst v63  }
0x6e: {  	s13 =	simm.s32 $0xA0  }
0x6f: {  	[tilespmem:s1], [sflag:$0x3] =	stream.indirect.gather [hbm4b:s4+s30], $0x40, s13, s30, $0xb8;
	[tilespmem:$0x15060] =	vst v63  }
0x70: {  	s14 =	simm.s32 $0xF0  }
0x71: {  	[tilespmem:s26], [sflag:$0x4] =	stream.indirect.gather [hbm4b:s4+s30], $0x40, s14, s30, $0xb8;
	[tilespmem:$0x15060] =	vst v63  }
0x72: {  	s16 =	simm.s32 $0x140  }
0x73: {  	[tilespmem:s5], [sflag:$0x5] =	stream.indirect.gather [hbm4b:s4+s30], $0x40, s16, s30, $0xb8;
	[tilespmem:$0x15060] =	vst v63  }
0x74: {  	_ =	swait.ge [sflag:s28], $0x1400  }
0x75: {  	[sflag:s28] =	ssyncset.done $0x0  }
0x76: {  	s13 =	simm.s32 $0x2710;
	[sflag:s28] =	ssyncadd.s32 $0xFFFFEC00  }
0x77: {  	[spmem:s2] =	stream.indirect.scatter.add.f32 [tilespmem:s31], [sflag:$0x6], $0x40, s13, s30, $0xb8;
	[tilespmem:$0x15060] =	vst v63  }
0x78: {  	_ =	swait.ge [sflag:s6], $0x1400  }
0x79: {  	[sflag:s6] =	ssyncset.done $0x0  }
0x7a: {  	s14 =	simm.s32 $0x190;
	[sflag:s6] =	ssyncadd.s32 $0xFFFFEC00  }
0x7b: {  	[tilespmem:s31], [sflag:$0x1] =	stream.indirect.gather [hbm4b:s4+s30], $0x40, s14, s30, $0xb8;
	[tilespmem:$0x15060] =	vst v63  }
0x7c: {  	_ =	swait.ge [sflag:s29], $0x1400  }
0x7d: {  	[sflag:s29] =	ssyncset.done $0x0  }
0x7e: {  	s16 =	simm.s32 $0x2760;
	[sflag:s29] =	ssyncadd.s32 $0xFFFFEC00  }
0x7f: {  	[spmem:s2] =	stream.indirect.scatter.add.f32 [tilespmem:s0], [sflag:$0x6], $0x40, s16, s30, $0xb8;
	[tilespmem:$0x15060] =	vst v63  }
0x80: {  	_ =	swait.ge [sflag:s6], $0x1400  }
0x81: {  	[sflag:s6] =	ssyncset.done $0x0  }
0x82: {  	s13 =	simm.s32 $0x1E0;
	[sflag:s6] =	ssyncadd.s32 $0xFFFFEC00  }
0x83: {  	[tilespmem:s0], [sflag:$0x2] =	stream.indirect.gather [hbm4b:s4+s30], $0x40, s13, s30, $0xb8;
	[tilespmem:$0x15060] =	vst v63  }
0x84: {  	_ =	swait.ge [sflag:s8], $0x1400  }
0x85: {  	[sflag:s8] =	ssyncset.done $0x0  }
0x86: {  	s14 =	simm.s32 $0x27B0;
	[sflag:s8] =	ssyncadd.s32 $0xFFFFEC00  }
0x87: {  	[spmem:s2] =	stream.indirect.scatter.add.f32 [tilespmem:s1], [sflag:$0x6], $0x40, s14, s30, $0xb8;
	[tilespmem:$0x15060] =	vst v63  }
0x88: {  	_ =	swait.ge [sflag:s6], $0x1400  }
0x89: {  	[sflag:s6] =	ssyncset.done $0x0  }
0x8a: {  	s16 =	simm.s32 $0x230;
	[sflag:s6] =	ssyncadd.s32 $0xFFFFEC00  }
0x8b: {  	[tilespmem:s1], [sflag:$0x3] =	stream.indirect.gather [hbm4b:s4+s30], $0x40, s16, s30, $0xb8;
	[tilespmem:$0x15060] =	vst v63  }
0x8c: {  	_ =	swait.ge [sflag:s9], $0x1400  }
0x8d: {  	[sflag:s9] =	ssyncset.done $0x0  }
0x8e: {  	s13 =	simm.s32 $0x2800;
	[sflag:s9] =	ssyncadd.s32 $0xFFFFEC00  }
0x8f: {  	[spmem:s2] =	stream.indirect.scatter.add.f32 [tilespmem:s26], [sflag:$0x6], $0x40, s13, s30, $0xb8;
	[tilespmem:$0x15060] =	vst v63  }
0x90: {  	_ =	swait.ge [sflag:s6], $0x1400  }
0x91: {  	[sflag:s6] =	ssyncset.done $0x0  }
0x92: {  	s14 =	simm.s32 $0x280;
	[sflag:s6] =	ssyncadd.s32 $0xFFFFEC00  }
0x93: {  	[tilespmem:s26], [sflag:$0x4] =	stream.indirect.gather [hbm4b:s4+s30], $0x40, s14, s30, $0xb8;
	[tilespmem:$0x15060] =	vst v63  }
0x94: {  	_ =	swait.ge [sflag:s10], $0x1400  }
0x95: {  	[sflag:s10] =	ssyncset.done $0x0  }
0x96: {  	s16 =	simm.s32 $0x2850;
	[sflag:s10] =	ssyncadd.s32 $0xFFFFEC00  }
0x97: {  	[spmem:s2] =	stream.indirect.scatter.add.f32 [tilespmem:s5], [sflag:$0x6], $0x40, s16, s30, $0xb8;
	[tilespmem:$0x15060] =	vst v63  }
0x98: {  	_ =	swait.ge [sflag:s6], $0x1400  }
0x99: {  	[sflag:s6] =	ssyncset.done $0x0  }
0x9a: {  	s12 =	simm.s32 $0x640;
	s13 =	simm.s32 $0x2D0;
	[sflag:s6] =	ssyncadd.s32 $0xFFFFEC00  }
.LBB2_4:
0x9b: {  	[tilespmem:s5], [sflag:$0x5] =	stream.indirect.gather [hbm4b:s4+s30], $0x40, s13, s30, $0xb8;
	[tilespmem:$0x15060] =	vst v63  }
0x9c: {  	s13 =	smov.u32 s12  }
0x9d: {  	p1 =	sne.s32 s12, $0x8FC0;
	s12 =	sadd.s32 $0x640, s12;
	_ =	swait.ge [sflag:s28], $0x1400  }
0x9e: {  	s13 =	sshra.s32 s13, $0x2;
	[sflag:s28] =	ssyncset.done $0x0  }
0x9f: {  	s14 =	sadd.s32 $0x2710, s13;
	[sflag:s28] =	ssyncadd.s32 $0xFFFFEC00  }
0xa0: {  	[spmem:s2] =	stream.indirect.scatter.add.f32 [tilespmem:s31], [sflag:$0x6], $0x40, s14, s30, $0xb8;
	[tilespmem:$0x15060] =	vst v63  }
0xa1: {  	_ =	swait.ge [sflag:s6], $0x1400  }
0xa2: {  	[sflag:s6] =	ssyncset.done $0x0  }
0xa3: {  	s14 =	sadd.s32 $0x190, s13;
	[sflag:s6] =	ssyncadd.s32 $0xFFFFEC00  }
0xa4: {  	[tilespmem:s31], [sflag:$0x1] =	stream.indirect.gather [hbm4b:s4+s30], $0x40, s14, s30, $0xb8;
	[tilespmem:$0x15060] =	vst v63  }
0xa5: {  	_ =	swait.ge [sflag:s29], $0x1400  }
0xa6: {  	[sflag:s29] =	ssyncset.done $0x0  }
0xa7: {  	s14 =	sadd.s32 $0x2760, s13;
	[sflag:s29] =	ssyncadd.s32 $0xFFFFEC00  }
0xa8: {  	[spmem:s2] =	stream.indirect.scatter.add.f32 [tilespmem:s0], [sflag:$0x6], $0x40, s14, s30, $0xb8;
	[tilespmem:$0x15060] =	vst v63  }
0xa9: {  	_ =	swait.ge [sflag:s6], $0x1400  }
0xaa: {  	[sflag:s6] =	ssyncset.done $0x0  }
0xab: {  	s14 =	sadd.s32 $0x1E0, s13;
	[sflag:s6] =	ssyncadd.s32 $0xFFFFEC00  }
0xac: {  	[tilespmem:s0], [sflag:$0x2] =	stream.indirect.gather [hbm4b:s4+s30], $0x40, s14, s30, $0xb8;
	[tilespmem:$0x15060] =	vst v63  }
0xad: {  	_ =	swait.ge [sflag:s8], $0x1400  }
0xae: {  	[sflag:s8] =	ssyncset.done $0x0  }
0xaf: {  	s14 =	sadd.s32 $0x27B0, s13;
	[sflag:s8] =	ssyncadd.s32 $0xFFFFEC00  }
0xb0: {  	[spmem:s2] =	stream.indirect.scatter.add.f32 [tilespmem:s1], [sflag:$0x6], $0x40, s14, s30, $0xb8;
	[tilespmem:$0x15060] =	vst v63  }
0xb1: {  	_ =	swait.ge [sflag:s6], $0x1400  }
0xb2: {  	[sflag:s6] =	ssyncset.done $0x0  }
0xb3: {  	s14 =	sadd.s32 $0x230, s13;
	[sflag:s6] =	ssyncadd.s32 $0xFFFFEC00  }
0xb4: {  	[tilespmem:s1], [sflag:$0x3] =	stream.indirect.gather [hbm4b:s4+s30], $0x40, s14, s30, $0xb8;
	[tilespmem:$0x15060] =	vst v63  }
0xb5: {  	_ =	swait.ge [sflag:s9], $0x1400  }
0xb6: {  	[sflag:s9] =	ssyncset.done $0x0  }
0xb7: {  	s14 =	sadd.s32 $0x2800, s13;
	[sflag:s9] =	ssyncadd.s32 $0xFFFFEC00  }
0xb8: {  	[spmem:s2] =	stream.indirect.scatter.add.f32 [tilespmem:s26], [sflag:$0x6], $0x40, s14, s30, $0xb8;
	[tilespmem:$0x15060] =	vst v63  }
0xb9: {  	_ =	swait.ge [sflag:s6], $0x1400  }
0xba: {  	[sflag:s6] =	ssyncset.done $0x0  }
0xbb: {  	s14 =	sadd.s32 $0x280, s13;
	[sflag:s6] =	ssyncadd.s32 $0xFFFFEC00  }
0xbc: {  	[tilespmem:s26], [sflag:$0x4] =	stream.indirect.gather [hbm4b:s4+s30], $0x40, s14, s30, $0xb8;
	[tilespmem:$0x15060] =	vst v63  }
0xbd: {  	_ =	swait.ge [sflag:s10], $0x1400  }
0xbe: {  	[sflag:s10] =	ssyncset.done $0x0  }
.Ltmp1:
0xbf: {  	s14 =	sadd.s32 $0x2850, s13;
	[sflag:s10] =	ssyncadd.s32 $0xFFFFEC00;
	(pc) =	sbr.rel @p1 .LBB2_4-.Ltmp1, $4  }
0xc0: {  	[spmem:s2] =	stream.indirect.scatter.add.f32 [tilespmem:s5], [sflag:$0x6], $0x40, s14, s30, $0xb8;
	[tilespmem:$0x15060] =	vst v63  }
0xc1: {  	_ =	swait.ge [sflag:s6], $0x1400  }
0xc2: {  	[sflag:s6] =	ssyncset.done $0x0  }
0xc3: {  	s13 =	sadd.s32 $0x2D0, s13;
	[sflag:s6] =	ssyncadd.s32 $0xFFFFEC00  }
0xc4: {  	[tilespmem:s5], [sflag:$0x5] =	stream.indirect.gather [hbm4b:s4+s30], $0x40, s13, s30, $0xb8;
	[tilespmem:$0x15060] =	vst v63  }
0xc5: {  	_ =	swait.ge [sflag:s28], $0x1400  }
0xc6: {  	[sflag:s28] =	ssyncset.done $0x0  }
0xc7: {  	s12 =	simm.s32 $0x4C90;
	[sflag:s28] =	ssyncadd.s32 $0xFFFFEC00  }
0xc8: {  	[spmem:s2] =	stream.indirect.scatter.add.f32 [tilespmem:s31], [sflag:$0x6], $0x40, s12, s30, $0xb8;
	[tilespmem:$0x15060] =	vst v63  }
0xc9: {  	_ =	swait.ge [sflag:s6], $0x1400  }
0xca: {  	[sflag:s6] =	ssyncset.done $0x0  }
0xcb: {  	[sflag:s6] =	ssyncadd.s32 $0xFFFFEC00  }
0xcc: {  	_ =	swait.ge [sflag:s29], $0x1400  }
0xcd: {  	[sflag:s29] =	ssyncset.done $0x0  }
0xce: {  	s16 =	simm.s32 $0x4CE0;
	[sflag:s29] =	ssyncadd.s32 $0xFFFFEC00  }
0xcf: {  	[spmem:s2] =	stream.indirect.scatter.add.f32 [tilespmem:s0], [sflag:$0x6], $0x40, s16, s30, $0xb8;
	[tilespmem:$0x15060] =	vst v63  }
0xd0: {  	_ =	swait.ge [sflag:s6], $0x1400  }
0xd1: {  	[sflag:s6] =	ssyncset.done $0x0  }
0xd2: {  	[sflag:s6] =	ssyncadd.s32 $0xFFFFEC00  }
0xd3: {  	_ =	swait.ge [sflag:s8], $0x1400  }
0xd4: {  	[sflag:s8] =	ssyncset.done $0x0  }
0xd5: {  	s13 =	simm.s32 $0x4D30;
	[sflag:s8] =	ssyncadd.s32 $0xFFFFEC00  }
0xd6: {  	[spmem:s2] =	stream.indirect.scatter.add.f32 [tilespmem:s1], [sflag:$0x6], $0x40, s13, s30, $0xb8;
	[tilespmem:$0x15060] =	vst v63  }
0xd7: {  	_ =	swait.ge [sflag:s6], $0x1400  }
0xd8: {  	[sflag:s6] =	ssyncset.done $0x0  }
0xd9: {  	[sflag:s6] =	ssyncadd.s32 $0xFFFFEC00  }
0xda: {  	_ =	swait.ge [sflag:s9], $0x1400  }
0xdb: {  	[sflag:s9] =	ssyncset.done $0x0  }
0xdc: {  	s14 =	simm.s32 $0x4D80;
	[sflag:s9] =	ssyncadd.s32 $0xFFFFEC00  }
0xdd: {  	[spmem:s2] =	stream.indirect.scatter.add.f32 [tilespmem:s26], [sflag:$0x6], $0x40, s14, s30, $0xb8;
	[tilespmem:$0x15060] =	vst v63  }
0xde: {  	_ =	swait.ge [sflag:s6], $0x1400  }
0xdf: {  	[sflag:s6] =	ssyncset.done $0x0  }
0xe0: {  	[sflag:s6] =	ssyncadd.s32 $0xFFFFEC00  }
0xe1: {  	_ =	swait.ge [sflag:s10], $0x1400  }
0xe2: {  	[sflag:s10] =	ssyncset.done $0x0  }
0xe3: {  	s16 =	simm.s32 $0x4DD0;
	[sflag:s10] =	ssyncadd.s32 $0xFFFFEC00  }
0xe4: {  	[spmem:s2] =	stream.indirect.scatter.add.f32 [tilespmem:s5], [sflag:$0x6], $0x40, s16, s30, $0xb8;
	[tilespmem:$0x15060] =	vst v63  }
0xe5: {  	_ =	swait.ge [sflag:s6], $0x1400  }
0xe6: {  	[sflag:s6] =	ssyncset.done $0x0  }
0xe7: {  	[sflag:s6] =	ssyncadd.s32 $0xFFFFEC00  }
0xe8: {  	s12 =	sshrl.u32 @p0 s15, $0x3;
	s13 =	simm.s32 @p0 $0x1FC6;
	[bflag:$0x0] =	sbarrier.arrive $0xFFFF  }
0xe9: {  	[hbm:s23], [sflag:s13] =	dma.local @p0 [spmem:s12], $0x1040  }
0xea: {  	s12 =	simm.s32 @p0 $0x6  }
0xeb: {  	s13 =	stileid.u32;
	_ =	swait.ge @p0 [sflag:s12], $0x1040  }
0xec: {  	s11 =	sadd.s32 $0x1, s11;
	s13 =	sshll.u32 @!p0 s13, $0x6;
	[sflag:s12] =	ssyncset.done @p0 $0x0  }
0xed: {  	p1 =	sne.s32 s11, s24;
	[sflag:s12] =	ssyncadd.s32 @p0 $0xFFFFEFC0;
	s12 =	sor.u32 @!p0 $0x1C06, s13  }
0xee: {  	[hbm:s21], [sflag:s12] =	dma.local @!p0 [spmem:s25], $0x13C0  }
.Ltmp2:
0xef: {  	_ = 	snop;
	(pc) =	sbr.rel @p1 .LBB2_1-.Ltmp2, $4  }
0xf0: {  	s12 =	simm.s32 @!p0 $0x6  }
0xf1: {  	_ =	swait.ge @!p0 [sflag:s12], $0x13C0  }
0xf2: {  	[sflag:s12] =	ssyncset.done @!p0 $0x0  }
0xf3: {  	[sflag:s12] =	ssyncadd.s32 @!p0 $0xFFFFEC40  }
0xf4: {  	_ =	sfence.sel $0x180000  }
0xf5: {  	[bflag:$0x0] =	sbarrier.arrive $0xFFFF  }
0xf6: {  	_ =	strace $0x9000004A  }
0xf7: {  	s0 =	stileid.u32;
	[bflag:$0x2] =	sbarrier.arrive $0xFFFF  }
0xf8: {  	p0 =	sne.s32 s0, $0x0;
	s0 =	rddreg [dreg:$0x3]  }
0xf9: {  	s0 =	sadd.s32 @!p0 $0x100000, s0  }
0xfa: {  	[sflag:s0] =	ssyncadd.tile.s32 @!p0 $0x1;
	_ =	shalt  }
.Lfunc_end2:
_tile_overlayer_lowered:
.L_overlay_start_2:
0xfb: {  	(tag) =	ssettag $0x2  }
0xfc: {  	s0 =	rddreg [dreg:$0x0];
	s2 =	stileid.u32  }
0xfd: {  	s1 =	rddreg [dreg:$0x1];
	p0 =	sne.s32 s2, $0x0  }
0xfe: {  	s3 =	rddreg [dreg:$0x2];
	[bflag:$0x3] =	sbarrier.arrive $0xFFFF;
	s2 =	simm.s32 @!p0 $0x1C06  }
0xff: {  	[timem:s3], [sflag:s2] =	dma.local @!p0 [hbm:s0], s1  }
0x100: {  	s0 =	simm.s32 @!p0 $0x6  }
0x101: {  	_ =	swait.ge @!p0 [sflag:s0], s1  }
0x102: {  	s1 =	ssub.s32 @!p0 $0x0, s1;
	[sflag:s0] =	ssyncset.done @!p0 $0x0  }
0x103: {  	[sflag:s0] =	ssyncadd.s32 @!p0 s1  }
0x104: {  	[bflag:$0x3] =	sbarrier.arrive $0xFFFF  }
0x105: {  	_ =	shalt  }

// kernel: kernel.7.cloned.1.call-start
scs
__scs_entry_jumppad:
0x0: {  	(pc) =	sbr.rel $0x88, $3  }
0x1: {  	(tag) =	ssettag $0x0;
	lr =	simm.s32 $0x1  }
0x2: {  	[smem:$0x3F95] =	sst lr;
	_ =	strace $0xD0000000  }
0x3: {  	_ = 	snop  }
0x4: {  	_ = 	snop  }
0x5: {  	_ = 	snop  }
0x6: {  	_ = 	snop  }
0x7: {  	_ = 	snop  }
__scs_overlays_trampoline_lowered:
0x8: {  	[smem:$0x3FA4] =	sst s0  }
0x9: {  	[smem:$0x3FA5] =	sst s1  }
0xa: {  	[smem:$0x3FA6] =	sst s2  }
0xb: {  	[smem:$0x3FA7] =	sst s3  }
0xc: {  	[smem:$0x3FA8] =	sst s4  }
0xd: {  	[smem:$0x3FA9] =	sst s5  }
0xe: {  	[smem:$0x3FAA] =	sst s6  }
0xf: {  	[smem:$0x3FAB] =	sst s7  }
0x10: {  	[smem:$0x3FAC] =	sst s8  }
0x11: {  	[smem:$0x3FAD] =	sst s9;
	s0 =	simm.s32 @!p0 $0x0  }
0x12: {  	s1 =	sld [smem:$0x3F93];
	s0 =	simm.s32 @p0 $0x1  }
0x13: {  	[smem:$0x3FAE] =	sst s0;
	s0 =	simm.s32 @!p1 $0x0  }
0x14: {  	s2 =	sld [smem:$0x3F92];
	s0 =	simm.s32 @p1 $0x1  }
0x15: {  	[smem:$0x3FAF] =	sst s0;
	s0 =	simm.s32 @!p2 $0x0  }
0x16: {  	s3 =	sld [smem:$0x3FDB];
	s0 =	simm.s32 @p2 $0x1  }
0x17: {  	s4 =	simm.s32 $0x1BF5;
	[smem:$0x3FB1] =	sst s0  }
0x18: {  	s0 =	sld [smem:$0x3F94];
	_ =	swait.ge [sflag:s4], $0x0  }
0x19: {  	s7 =	sld [smem:$0x3F95]  }
0x1a: {  	s8 =	sadd.s32 $0xFFFFE003, lr  }
0x1b: {  	s9 =	sadd.s32 $0xFFFFFEF7, lr;
	s5 =	simm.s32 $0xFFFFFFFF;
	p2 =	slt.u32 s8, $0xFFFFF086  }
0x1c: {  	p1 =	slt.u32 s9, $0xF7A;
	s5 =	simm.s32 @!p2 $0x0  }
0x1d: {  	s5 =	simm.s32 @p1 $0x1;
	p0 =	seq.s32 s7, s2  }
0x1e: {  	s7 =	smul.u32 @!p0 $0xF7A, s2;
	p2 =	seq.s32 @!p0 s5, $0x0  }
0x1f: {  	s9 =	smul.u32 $0xF7A, s1;
	s8 =	simm.s32 @!p0 $0x1BF5;
	p2 =	por !p2, p0  }
0x20: {  	[sflag:s8] =	ssyncset.s32 @!p0 $0xFFFFF086;
	s6 =	sadd.s32 @!p0 s3, s7;
	s7 =	simm.s32 @!p0 $0x108  }
0x21: {  	s3 =	sadd.s32 s3, s9;
	s6 =	sadd.s32 @!p0 $0x88, s6;
	s7 =	simm.s32 @p2 $0x1082  }
0x22: {  	[simem:s7], [sflag:s8] =	dma.local @!p0 [hbm:s6], $0xF7A  }
0x23: {  	s9 =	sor.u32 $0xD0000000, s2;
	s6 =	simm.s32 $0x108;
	_ =	swait.ge @!p0 [sflag:s8], $0x0  }
0x24: {  	s3 =	sadd.s32 $0x88, s3;
	s6 =	simm.s32 @!p1 $0x1082;
	[sflag:s4] =	ssyncset.s32 $0xFFFFF086  }
0x25: {  	[simem:s6], [sflag:s4] =	dma.local [hbm:s3], $0xF7A  }
0x26: {  	[smem:$0x3F95] =	sst s1;
	(tag) =	ssettag s2;
	_ =	strace s9  }
0x27: {  	s1 =	sld [smem:$0x3FA5]  }
0x28: {  	s2 =	sld [smem:$0x3FA6]  }
0x29: {  	s4 =	sld [smem:$0x3FA8]  }
0x2a: {  	p0 =	seq.s32 s5, $0x0;
	s5 =	sld [smem:$0x3FA9]  }
0x2b: {  	s6 =	sld [smem:$0x3FAA]  }
0x2c: {  	s7 =	sld [smem:$0x3FAB]  }
0x2d: {  	s3 =	simm.s32 $0x108;
	s8 =	sld [smem:$0x3FAC]  }
0x2e: {  	s3 =	simm.s32 @!p0 $0x1082;
	s9 =	sld [smem:$0x3FAD]  }
0x2f: {  	lr =	sadd.s32 s0, s3;
	s0 =	sld [smem:$0x3FA4]  }
0x30: {  	s3 =	sld [smem:$0x3FA7]  }
0x31: {  	[smem:$0x3FB0] =	sst s10  }
0x32: {  	s10 =	sld [smem:$0x3FAE];
	_ =	sdelay $0x3  }
0x33: {  	p0 =	seq.s32 s10, $0x1;
	s10 =	sld [smem:$0x3FB0];
	_ =	sdelay $0x3  }
0x34: {  	[smem:$0x3FB0] =	sst s10  }
0x35: {  	s10 =	sld [smem:$0x3FAF];
	_ =	sdelay $0x3  }
0x36: {  	p1 =	seq.s32 s10, $0x1;
	s10 =	sld [smem:$0x3FB0];
	_ =	sdelay $0x3  }
0x37: {  	[smem:$0x3FB0] =	sst s10  }
0x38: {  	s10 =	sld [smem:$0x3FB1]  }
0x39: {  	_ = 	snop;
	(pc) =	sbr.ind lr, $3  }
0x3a: {  	_ = 	snop  }
0x3b: {  	_ = 	snop  }
0x3c: {  	p2 =	seq.s32 s10, $0x1;
	s10 =	sld [smem:$0x3FB0]  }
0x3d: {  	_ =	shalt  }
0x3e: {  	_ =	shalt  }
0x3f: {  	_ =	shalt  }
0x40: {  	_ =	shalt  }
0x41: {  	_ =	shalt  }
0x42: {  	_ =	shalt  }
0x43: {  	_ =	shalt  }
0x44: {  	_ =	shalt  }
0x45: {  	_ =	shalt  }
0x46: {  	_ =	shalt  }
0x47: {  	_ =	shalt  }
0x48: {  	_ =	shalt  }
0x49: {  	_ =	shalt  }
0x4a: {  	_ =	shalt  }
0x4b: {  	_ =	shalt  }
0x4c: {  	_ =	shalt  }
0x4d: {  	_ =	shalt  }
0x4e: {  	_ =	shalt  }
0x4f: {  	_ =	shalt  }
0x50: {  	_ =	shalt  }
0x51: {  	_ =	shalt  }
0x52: {  	_ =	shalt  }
0x53: {  	_ =	shalt  }
0x54: {  	_ =	shalt  }
0x55: {  	_ =	shalt  }
0x56: {  	_ =	shalt  }
0x57: {  	_ =	shalt  }
0x58: {  	_ =	shalt  }
0x59: {  	_ =	shalt  }
0x5a: {  	_ =	shalt  }
0x5b: {  	_ =	shalt  }
0x5c: {  	_ =	shalt  }
0x5d: {  	_ =	shalt  }
0x5e: {  	_ =	shalt  }
0x5f: {  	_ =	shalt  }
0x60: {  	_ =	shalt  }
0x61: {  	_ =	shalt  }
0x62: {  	_ =	shalt  }
0x63: {  	_ =	shalt  }
0x64: {  	_ =	shalt  }
0x65: {  	_ =	shalt  }
0x66: {  	_ =	shalt  }
0x67: {  	_ =	shalt  }
0x68: {  	_ =	shalt  }
0x69: {  	_ =	shalt  }
0x6a: {  	_ =	shalt  }
0x6b: {  	_ =	shalt  }
0x6c: {  	_ =	shalt  }
0x6d: {  	_ =	shalt  }
0x6e: {  	_ =	shalt  }
0x6f: {  	_ =	shalt  }
0x70: {  	_ =	shalt  }
0x71: {  	_ =	shalt  }
0x72: {  	_ =	shalt  }
0x73: {  	_ =	shalt  }
0x74: {  	_ =	shalt  }
0x75: {  	_ =	shalt  }
0x76: {  	_ =	shalt  }
0x77: {  	_ =	shalt  }
0x78: {  	_ =	shalt  }
0x79: {  	_ =	shalt  }
0x7a: {  	_ =	shalt  }
0x7b: {  	_ =	shalt  }
0x7c: {  	_ =	shalt  }
0x7d: {  	_ =	shalt  }
0x7e: {  	_ =	shalt  }
0x7f: {  	_ =	shalt  }
0x80: {  	_ =	shalt  }
0x81: {  	_ =	shalt  }
0x82: {  	_ =	shalt  }
0x83: {  	_ =	shalt  }
0x84: {  	_ =	shalt  }
0x85: {  	_ =	shalt  }
0x86: {  	_ =	shalt  }
0x87: {  	_ =	shalt  }
.Lfunc_end0:
.L_simem_size_0:
called_computation_lowered:
.L_overlay_start_0:
0x88: {  	s2 =	sld [smem:$0x3FD9]  }
0x89: {  	s3 =	sld [smem:$0x3FFE];
	_ =	sdelay $0x1  }
0x8a: {  	s1 =	srdreg.scid  }
0x8b: {  	s0 =	sand.u32 $0x1, s1  }
0x8c: {  	s17 =	sshll.u32 s0, $0xA;
	s2 =	sadd.s32 s3, s2  }
0x8d: {  	s2 =	sadd.s32 s2, s17  }
0x8e: {  	[smem:$0x3FBC] =	sst s2  }
0x8f: {  	_ = 	snop  }
0x90: {  	s2 =	sld [smem:$0x3FD0];
	(tm) =	ssettm $0x1  }
0x91: {  	s18 =	sld [smem:$0x3FFB];
	_ =	sdelay $0x3  }
0x92: {  	_ =	strace s18  }
0x93: {  	s3 =	sld [smem:$0x3FFC];
	_ =	sdelay $0x3  }
0x94: {  	_ =	strace s3  }
0x95: {  	s3 =	sld [smem:$0x3FFD];
	_ =	sdelay $0x3  }
0x96: {  	_ =	strace s3  }
0x97: {  	_ =	strace $0x8FFFFFFF  }
0x98: {  	s19 =	sld [smem:$0x3FDB];
	_ =	sdelay $0x1  }
0x99: {  	s4 =	simm.s32 $_scs_section_size  }
0x9a: {  	s5 =	simm.s32 $_size__tile_overlayer_lowered;
	s6 =	simm.s32 $_tile_overlayer_lowered  }
0x9b: {  	s22 =	simm.s32 $0x1BFF;
	s21 =	sshll.u32 s6, $0x1;
	s3 =	sadd.s32 s4, s19  }
0x9c: {  	s7 =	simm.s32 $0x0;
	s20 =	sshll.u32 s5, $0x1;
	s5 =	sadd.s32 s21, s3  }
0x9d: {  	[timem:s7], [sflag:s22] =	dma.local [hbm:s5], s20  }
0x9e: {  	_ =	swait.ge [sflag:s22], s20  }
0x9f: {  	s4 =	ssub.s32 $0x0, s20;
	[sflag:s22] =	ssyncset.done $0x0  }
0xa0: {  	[sflag:s22] =	ssyncadd.s32 s4;
	_ =	sdelay $0x1  }
0xa1: {  	s23 =	simm.s32 $0x1B8B  }
0xa2: {  	_ =	swait.ge [sflag:s23], $0x1  }
0xa3: {  	[sflag:s23] =	ssyncset.done $0x0  }
0xa4: {  	s25 =	simm.s32 $0x1B8E;
	s24 =	sld [smem:$0x3FFE];
	[sflag:s23] =	ssyncadd.s32 $0xFFFFFFFF  }
0xa5: {  	s26 =	simm.s32 $execute0_lowered;
	[smem:$0x3FD2] =	sst s25  }
0xa6: {  	s5 =	sshll.u32 s26, $0x1;
	_ =	strace $0x80000046;
	[dreg:$0x1] =	wrdreg $0xFFFFFFFF  }
0xa7: {  	s28 =	simm.s32 $_size_execute0_lowered;
	s3 =	sadd.s32 s3, s5;
	[dreg:$0x0] =	wrdreg $0x0  }
0xa8: {  	s5 =	sshll.u32 s28, $0x1;
	[dreg:$0x2] =	wrdreg s3  }
0xa9: {  	[dreg:$0x3] =	wrdreg s5  }
0xaa: {  	[dreg:$0x4] =	wrdreg $0xC0  }
0xab: {  	_ =	task [dreg:s7], $0x5FFFF  }
0xac: {  	[dreg:$0x1] =	wrdreg $0xFFFFFFFF  }
0xad: {  	[dreg:$0x0] =	wrdreg $0x60  }
0xae: {  	[dreg:$0x2] =	wrdreg s24  }
0xaf: {  	[dreg:$0x3] =	wrdreg s2  }
0xb0: {  	[dreg:$0x4] =	wrdreg $0xB2200  }
0xb1: {  	[dreg:$0x5] =	wrdreg $0x9  }
0xb2: {  	_ =	task.clear_ibuf [dreg:s7], $0x6FFFF;
	_ =	strace $0x90000046  }
0xb3: {  	s29 =	simm.s32 $0x9;
	_ =	strace $0x80000048  }
0xb4: {  	_ =	swait.ge [sflag:s29], $0x1  }
0xb5: {  	[sflag:s29] =	ssyncadd.s32 $0xFFFFFFFF  }
0xb6: {  	_ =	strace $0x90000048  }
0xb7: {  	_ =	sfence  }
0xb8: {  	s30 =	sld [smem:$0x0];
	_ =	sdelay $0x2  }
0xb9: {  	s31 =	sshll.u32 s1, $0xD;
	s1 =	sshrl.u32 s1, $0x2  }
0xba: {  	s3 =	sand.u32 $0x4000, s31;
	s1 =	sadd.s32 s1, s30  }
0xbb: {  	s0 =	sor.u32 s3, s0;
	s1 =	sshll.u32 s1, $0x11  }
0xbc: {  	s0 =	sor.u32 s1, s0  }
0xbd: {  	s0 =	sadd.s32 $0x8F2B, s0  }
0xbe: {  	[sflag:s0] =	ssyncadd.remote.s32 $0x1  }
0xbf: {  	_ =	sfence.sel $0xFFFF  }
0xc0: {  	[dreg:$0x0] =	wrdreg $0xFFFFFFFF;
	(pc) =	sbr.abs _section_cstart, $3  }
0xc1: {  	[dreg:$0x1] =	wrdreg $0xFFFFFFFF  }
0xc2: {  	_ =	task.clear_ibuf [dreg:s7], $0x2FFFF;
	_ =	strace $0x9FFFFFFF  }
0xc3: {  	(tm) =	ssettm $0x7FFFFFFF  }
tec
execute0_lowered:
.L_overlay_start_1:
0x0: {  	(tag) =	ssettag $0x1  }
0x1: {  	s0 =	rddreg [dreg:$0x0]  }
0x2: {  	s1 =	srdreg.scid;
	s5 =	rddreg [dreg:$0x1]  }
0x3: {  	s2 =	rddreg [dreg:$0x2];
	s11 =	stileid.u32;
	s3 =	simm.s32 $0x0  }
0x4: {  	s28 =	simm.s32 $0x1;
	s29 =	simm.s32 $0x2;
	s30 =	simm.s32 $0x50  }
0x5: {  	s31 =	simm.s32 $0x4E20;
	s1 =	sand.u32 $0x1, s1;
	s8 =	smul.u32 $0x27800, s11  }
0x6: {  	[smem:$0x7FF] =	sst s3;
	s24 =	smul.u32 $0x9E00, s11;
	s25 =	sadd.s32 $0x95600, s2  }
0x7: {  	p0 =	seq.s32 s11, $0xF;
	s4 =	sshll.u32 s1, $0x4;
	_ =	strace $0x80000047  }
0x8: {  	s7 =	ssub.s32 $0x2, s1;
	s1 =	smul.u32 $0x9C400, s1;
	[dreg:$0xd] =	wrdreg s25  }
0x9: {  	s4 =	sor.u32 s11, s4;
	s10 =	sshrl.u32 s7, $0x1;
	s15 =	sshrl.u32 s8, $0x2  }
0xa: {  	s8 =	simm.s32 $0x3;
	s10 =	ssub.s32 s7, s10;
	s7 =	sadd.s32 s15, s2  }
0xb: {  	s11 =	simm.s32 $0x0;
	s6 =	smul.u32 $0x4E2, s4;
	s17 =	sadd.s32 $0x1400, s7  }
0xc: {  	s4 =	sadd.s32 $0xB800, s0;
	s18 =	sadd.s32 $0x2800, s7;
	[dreg:$0x6] =	wrdreg s17  }
0xd: {  	s15 =	sadd.s32 $0x94200, s2;
	s19 =	sadd.s32 $0x3C00, s7;
	[dreg:$0x7] =	wrdreg s18  }
0xe: {  	s26 =	sadd.s32 s24, s1;
	s20 =	sadd.s32 $0x5000, s7;
	[dreg:$0x8] =	wrdreg s19  }
0xf: {  	s1 =	sshrl.u32 s1, $0x3;
	s21 =	sadd.s32 $0x6400, s7;
	[dreg:$0x9] =	wrdreg s20  }
0x10: {  	s22 =	sadd.s32 $0x7800, s7;
	s23 =	sadd.s32 $0x8C00, s7;
	[dreg:$0xa] =	wrdreg s21  }
0x11: {  	s9 =	sadd.s32 s6, s0;
	s0 =	sadd.s32 $0x1F200, s0;
	[dreg:$0xb] =	wrdreg s22  }
0x12: {  	s5 =	sadd.s32 s5, s6;
	[dreg:$0xc] =	wrdreg s23;
	s17 =	sadd.s32 $0x96A00, s2  }
0x13: {  	s18 =	sadd.s32 $0x97E00, s2;
	s19 =	sadd.s32 $0x99200, s2;
	s20 =	sadd.s32 $0x9A600, s2  }
0x14: {  	s6 =	sshrl.u32 s26, $0x3;
	s22 =	sadd.s32 $0x9BA00, s2;
	s26 =	simm.s32 $0x8A20  }
0x15: {  	s16 =	sadd.s32 $0x1A00, s9;
	[dreg:$0x5] =	wrdreg s5;
	s21 =	sadd.s32 s0, s6  }
0x16: {  	s0 =	sadd.s32 s0, s1;
	s1 =	sadd.s32 s24, s2;
	s24 =	smax.u32 s10, $0x1  }
0x17: {  	s5 =	simm.s32 $0x9E20;
	s6 =	simm.s32 $0x6;
	s9 =	simm.s32 $0x4  }
0x18: {  	s10 =	simm.s32 $0x5;
	[dreg:$0x4] =	wrdreg s16;
	s23 =	sadd.s32 $0x12840, s0  }
0x19: {  	v0 =	vimm.f32 $0.0e+00;
	s25 =	sshrl.u32 @!p0 s1, $0x3;
	s0 =	simm.s32 $0x6220;
	s1 =	simm.s32 $0x7620  }
.LBB2_1:
0x1a: {  	s12 =	rddreg [dreg:$0x4]  }
0x1b: {  	[tilespmem:s3], [sflag:$0x1] =	stream.linear.gather [hbm4b:s12+s3], $0x2710, $0x38;
	[tilespmem:$0x15060] =	vst v63  }
0x1c: {  	s16 =	rddreg [dreg:$0x5];
	s13 =	simm.s32 $0x2710;
	s14 =	sand.u32 $0x7F00, s3  }
0x1d: {  	[tilespmem:s13], [sflag:$0x2] =	stream.linear.gather [hbm4b:s16+s3], $0x2710, $0x38;
	[tilespmem:$0x15060] =	vst v63  }
0x1e: {  	s14 =	sshrl.u32 s14, $0x2;
	s16 =	sand.u32 $0x30, s3  }
0x1f: {  	s12 =	simm.s32 $0x40;
	s13 =	simm.s32 $0x0;
	s14 =	sor.u32 s16, s14  }
.LBB2_2:
0x20: {  	p1 =	sne.s32 s12, $0x4FC0  }
0x21: {  	[tilespmem:s14+$0x4E20] =	vst v0;
	s13 =	sadd.s32 $0x10, s13;
	s14 =	smov.u32 s12;
	s12 =	sadd.s32 $0x40, s12  }
.Ltmp0:
0x22: {  	(pc) =	sbr.rel @p1 .LBB2_2-.Ltmp0, $4  }
0x23: {  	_ = 	snop  }
0x24: {  	s14 =	sand.u32 $0x7F00, s14  }
0x25: {  	s16 =	sand.u32 $0x30, s13;
	s14 =	sshrl.u32 s14, $0x2  }
0x26: {  	s14 =	sor.u32 s16, s14  }
0x27: {  	[tilespmem:s14+$0x4E20] =	vst v0;
	s12 =	simm.s32 @p0 $0x4E20;
	s13 =	simm.s32 @p0 $0x6  }
0x28: {  	[spmem:s15] =	stream.linear.scatter @p0 [tilespmem:s12], [sflag:$0x6], $0x1400, $0x38;
	[tilespmem:$0x15060] =	vst v63  }
0x29: {  	_ =	swait.ge @p0 [sflag:s13], $0x1400  }
0x2a: {  	[sflag:s13] =	ssyncset.done @p0 $0x0  }
0x2b: {  	s14 =	rddreg [dreg:$0xd];
	[sflag:s13] =	ssyncadd.s32 @p0 $0xFFFFEC00  }
0x2c: {  	[spmem:s14] =	stream.linear.scatter @p0 [tilespmem:s12], [sflag:$0x6], $0x1400, $0x38;
	[tilespmem:$0x15060] =	vst v63  }
0x2d: {  	_ =	swait.ge @p0 [sflag:s13], $0x1400  }
0x2e: {  	[sflag:s13] =	ssyncset.done @p0 $0x0  }
0x2f: {  	[sflag:s13] =	ssyncadd.s32 @p0 $0xFFFFEC00  }
0x30: {  	[spmem:s17] =	stream.linear.scatter @p0 [tilespmem:s12], [sflag:$0x6], $0x1400, $0x38;
	[tilespmem:$0x15060] =	vst v63  }
0x31: {  	_ =	swait.ge @p0 [sflag:s13], $0x1400  }
0x32: {  	[sflag:s13] =	ssyncset.done @p0 $0x0  }
0x33: {  	[sflag:s13] =	ssyncadd.s32 @p0 $0xFFFFEC00  }
0x34: {  	[spmem:s18] =	stream.linear.scatter @p0 [tilespmem:s12], [sflag:$0x6], $0x1400, $0x38;
	[tilespmem:$0x15060] =	vst v63  }
0x35: {  	_ =	swait.ge @p0 [sflag:s13], $0x1400  }
0x36: {  	[sflag:s13] =	ssyncset.done @p0 $0x0  }
0x37: {  	[sflag:s13] =	ssyncadd.s32 @p0 $0xFFFFEC00  }
0x38: {  	[spmem:s19] =	stream.linear.scatter @p0 [tilespmem:s12], [sflag:$0x6], $0x1400, $0x38;
	[tilespmem:$0x15060] =	vst v63  }
0x39: {  	_ =	swait.ge @p0 [sflag:s13], $0x1400  }
0x3a: {  	[sflag:s13] =	ssyncset.done @p0 $0x0  }
0x3b: {  	[sflag:s13] =	ssyncadd.s32 @p0 $0xFFFFEC00  }
0x3c: {  	[spmem:s20] =	stream.linear.scatter @p0 [tilespmem:s12], [sflag:$0x6], $0x1400, $0x38;
	[tilespmem:$0x15060] =	vst v63  }
0x3d: {  	_ =	swait.ge @p0 [sflag:s13], $0x1400  }
0x3e: {  	[sflag:s13] =	ssyncset.done @p0 $0x0  }
0x3f: {  	[sflag:s13] =	ssyncadd.s32 @p0 $0xFFFFEC00  }
0x40: {  	[spmem:s22] =	stream.linear.scatter @p0 [tilespmem:s12], [sflag:$0x6], $0xA00, $0x38;
	[tilespmem:$0x15060] =	vst v63  }
0x41: {  	_ =	swait.ge @p0 [sflag:s13], $0xA00  }
0x42: {  	[sflag:s13] =	ssyncset.done @p0 $0x0  }
0x43: {  	s12 =	simm.s32 @!p0 $0x4E20;
	[sflag:s13] =	ssyncadd.s32 @p0 $0xFFFFF600;
	s13 =	simm.s32 @!p0 $0x6  }
0x44: {  	[spmem:s7] =	stream.linear.scatter @!p0 [tilespmem:s12], [sflag:$0x6], $0x1400, $0x38;
	[tilespmem:$0x15060] =	vst v63  }
0x45: {  	_ =	swait.ge @!p0 [sflag:s13], $0x1400  }
0x46: {  	[sflag:s13] =	ssyncset.done @!p0 $0x0  }
0x47: {  	s14 =	rddreg [dreg:$0x6];
	[sflag:s13] =	ssyncadd.s32 @!p0 $0xFFFFEC00  }
0x48: {  	[spmem:s14] =	stream.linear.scatter @!p0 [tilespmem:s12], [sflag:$0x6], $0x1400, $0x38;
	[tilespmem:$0x15060] =	vst v63  }
0x49: {  	_ =	swait.ge @!p0 [sflag:s13], $0x1400  }
0x4a: {  	[sflag:s13] =	ssyncset.done @!p0 $0x0  }
0x4b: {  	s14 =	rddreg [dreg:$0x7];
	[sflag:s13] =	ssyncadd.s32 @!p0 $0xFFFFEC00  }
0x4c: {  	[spmem:s14] =	stream.linear.scatter @!p0 [tilespmem:s12], [sflag:$0x6], $0x1400, $0x38;
	[tilespmem:$0x15060] =	vst v63  }
0x4d: {  	_ =	swait.ge @!p0 [sflag:s13], $0x1400  }
0x4e: {  	[sflag:s13] =	ssyncset.done @!p0 $0x0  }
0x4f: {  	s14 =	rddreg [dreg:$0x8];
	[sflag:s13] =	ssyncadd.s32 @!p0 $0xFFFFEC00  }
0x50: {  	[spmem:s14] =	stream.linear.scatter @!p0 [tilespmem:s12], [sflag:$0x6], $0x1400, $0x38;
	[tilespmem:$0x15060] =	vst v63  }
0x51: {  	_ =	swait.ge @!p0 [sflag:s13], $0x1400  }
0x52: {  	[sflag:s13] =	ssyncset.done @!p0 $0x0  }
0x53: {  	s14 =	rddreg [dreg:$0x9];
	[sflag:s13] =	ssyncadd.s32 @!p0 $0xFFFFEC00  }
0x54: {  	[spmem:s14] =	stream.linear.scatter @!p0 [tilespmem:s12], [sflag:$0x6], $0x1400, $0x38;
	[tilespmem:$0x15060] =	vst v63  }
0x55: {  	_ =	swait.ge @!p0 [sflag:s13], $0x1400  }
0x56: {  	[sflag:s13] =	ssyncset.done @!p0 $0x0  }
0x57: {  	s14 =	rddreg [dreg:$0xa];
	[sflag:s13] =	ssyncadd.s32 @!p0 $0xFFFFEC00  }
0x58: {  	[spmem:s14] =	stream.linear.scatter @!p0 [tilespmem:s12], [sflag:$0x6], $0x1400, $0x38;
	[tilespmem:$0x15060] =	vst v63  }
0x59: {  	_ =	swait.ge @!p0 [sflag:s13], $0x1400  }
0x5a: {  	[sflag:s13] =	ssyncset.done @!p0 $0x0  }
0x5b: {  	s14 =	rddreg [dreg:$0xb];
	[sflag:s13] =	ssyncadd.s32 @!p0 $0xFFFFEC00  }
0x5c: {  	[spmem:s14] =	stream.linear.scatter @!p0 [tilespmem:s12], [sflag:$0x6], $0x1400, $0x38;
	[tilespmem:$0x15060] =	vst v63  }
0x5d: {  	_ =	swait.ge @!p0 [sflag:s13], $0x1400  }
0x5e: {  	[sflag:s13] =	ssyncset.done @!p0 $0x0  }
0x5f: {  	s14 =	rddreg [dreg:$0xc];
	[sflag:s13] =	ssyncadd.s32 @!p0 $0xFFFFEC00  }
0x60: {  	[spmem:s14] =	stream.linear.scatter @!p0 [tilespmem:s12], [sflag:$0x6], $0x1200, $0x38;
	[tilespmem:$0x15060] =	vst v63  }
0x61: {  	_ =	swait.ge @!p0 [sflag:s13], $0x1200  }
0x62: {  	[sflag:s13] =	ssyncset.done @!p0 $0x0  }
0x63: {  	[sflag:s13] =	ssyncadd.s32 @!p0 $0xFFFFEE00  }
0x64: {  	_ =	swait.ge [sflag:s28], $0x2710  }
0x65: {  	[sflag:s28] =	ssyncset.done $0x0  }
0x66: {  	[sflag:s28] =	ssyncadd.s32 $0xFFFFD8F0  }
0x67: {  	_ =	swait.ge [sflag:s29], $0x2710  }
0x68: {  	[sflag:s29] =	ssyncset.done $0x0  }
0x69: {  	[sflag:s29] =	ssyncadd.s32 $0xFFFFD8F0  }
0x6a: {  	s16 =	simm.s32 $0x0;
	[bflag:$0x0] =	sbarrier.arrive $0xFFFF  }
0x6b: {  	[tilespmem:s31], [sflag:$0x1] =	stream.indirect.gather [hbm4b:s4+s30], $0x40, s16, s30, $0xb8;
	[tilespmem:$0x15060] =	vst v63  }
0x6c: {  	_ = 	snop  }
0x6d: {  	[tilespmem:s0], [sflag:$0x2] =	stream.indirect.gather [hbm4b:s4+s30], $0x40, s30, s30, $0xb8;
	[tilespmem:$0x15060] =	vst v63  }
0x6e: {  	s13 =	simm.s32 $0xA0  }
0x6f: {  	[tilespmem:s1], [sflag:$0x3] =	stream.indirect.gather [hbm4b:s4+s30], $0x40, s13, s30, $0xb8;
	[tilespmem:$0x15060] =	vst v63  }
0x70: {  	s14 =	simm.s32 $0xF0  }
0x71: {  	[tilespmem:s26], [sflag:$0x4] =	stream.indirect.gather [hbm4b:s4+s30], $0x40, s14, s30, $0xb8;
	[tilespmem:$0x15060] =	vst v63  }
0x72: {  	s16 =	simm.s32 $0x140  }
0x73: {  	[tilespmem:s5], [sflag:$0x5] =	stream.indirect.gather [hbm4b:s4+s30], $0x40, s16, s30, $0xb8;
	[tilespmem:$0x15060] =	vst v63  }
0x74: {  	_ =	swait.ge [sflag:s28], $0x1400  }
0x75: {  	[sflag:s28] =	ssyncset.done $0x0  }
0x76: {  	s13 =	simm.s32 $0x2710;
	[sflag:s28] =	ssyncadd.s32 $0xFFFFEC00  }
0x77: {  	[spmem:s2] =	stream.indirect.scatter.add.f32 [tilespmem:s31], [sflag:$0x6], $0x40, s13, s30, $0xb8;
	[tilespmem:$0x15060] =	vst v63  }
0x78: {  	_ =	swait.ge [sflag:s6], $0x1400  }
0x79: {  	[sflag:s6] =	ssyncset.done $0x0  }
0x7a: {  	s14 =	simm.s32 $0x190;
	[sflag:s6] =	ssyncadd.s32 $0xFFFFEC00  }
0x7b: {  	[tilespmem:s31], [sflag:$0x1] =	stream.indirect.gather [hbm4b:s4+s30], $0x40, s14, s30, $0xb8;
	[tilespmem:$0x15060] =	vst v63  }
0x7c: {  	_ =	swait.ge [sflag:s29], $0x1400  }
0x7d: {  	[sflag:s29] =	ssyncset.done $0x0  }
0x7e: {  	s16 =	simm.s32 $0x2760;
	[sflag:s29] =	ssyncadd.s32 $0xFFFFEC00  }
0x7f: {  	[spmem:s2] =	stream.indirect.scatter.add.f32 [tilespmem:s0], [sflag:$0x6], $0x40, s16, s30, $0xb8;
	[tilespmem:$0x15060] =	vst v63  }
0x80: {  	_ =	swait.ge [sflag:s6], $0x1400  }
0x81: {  	[sflag:s6] =	ssyncset.done $0x0  }
0x82: {  	s13 =	simm.s32 $0x1E0;
	[sflag:s6] =	ssyncadd.s32 $0xFFFFEC00  }
0x83: {  	[tilespmem:s0], [sflag:$0x2] =	stream.indirect.gather [hbm4b:s4+s30], $0x40, s13, s30, $0xb8;
	[tilespmem:$0x15060] =	vst v63  }
0x84: {  	_ =	swait.ge [sflag:s8], $0x1400  }
0x85: {  	[sflag:s8] =	ssyncset.done $0x0  }
0x86: {  	s14 =	simm.s32 $0x27B0;
	[sflag:s8] =	ssyncadd.s32 $0xFFFFEC00  }
0x87: {  	[spmem:s2] =	stream.indirect.scatter.add.f32 [tilespmem:s1], [sflag:$0x6], $0x40, s14, s30, $0xb8;
	[tilespmem:$0x15060] =	vst v63  }
0x88: {  	_ =	swait.ge [sflag:s6], $0x1400  }
0x89: {  	[sflag:s6] =	ssyncset.done $0x0  }
0x8a: {  	s16 =	simm.s32 $0x230;
	[sflag:s6] =	ssyncadd.s32 $0xFFFFEC00  }
0x8b: {  	[tilespmem:s1], [sflag:$0x3] =	stream.indirect.gather [hbm4b:s4+s30], $0x40, s16, s30, $0xb8;
	[tilespmem:$0x15060] =	vst v63  }
0x8c: {  	_ =	swait.ge [sflag:s9], $0x1400  }
0x8d: {  	[sflag:s9] =	ssyncset.done $0x0  }
0x8e: {  	s13 =	simm.s32 $0x2800;
	[sflag:s9] =	ssyncadd.s32 $0xFFFFEC00  }
0x8f: {  	[spmem:s2] =	stream.indirect.scatter.add.f32 [tilespmem:s26], [sflag:$0x6], $0x40, s13, s30, $0xb8;
	[tilespmem:$0x15060] =	vst v63  }
0x90: {  	_ =	swait.ge [sflag:s6], $0x1400  }
0x91: {  	[sflag:s6] =	ssyncset.done $0x0  }
0x92: {  	s14 =	simm.s32 $0x280;
	[sflag:s6] =	ssyncadd.s32 $0xFFFFEC00  }
0x93: {  	[tilespmem:s26], [sflag:$0x4] =	stream.indirect.gather [hbm4b:s4+s30], $0x40, s14, s30, $0xb8;
	[tilespmem:$0x15060] =	vst v63  }
0x94: {  	_ =	swait.ge [sflag:s10], $0x1400  }
0x95: {  	[sflag:s10] =	ssyncset.done $0x0  }
0x96: {  	s16 =	simm.s32 $0x2850;
	[sflag:s10] =	ssyncadd.s32 $0xFFFFEC00  }
0x97: {  	[spmem:s2] =	stream.indirect.scatter.add.f32 [tilespmem:s5], [sflag:$0x6], $0x40, s16, s30, $0xb8;
	[tilespmem:$0x15060] =	vst v63  }
0x98: {  	_ =	swait.ge [sflag:s6], $0x1400  }
0x99: {  	[sflag:s6] =	ssyncset.done $0x0  }
0x9a: {  	s12 =	simm.s32 $0x640;
	s13 =	simm.s32 $0x2D0;
	[sflag:s6] =	ssyncadd.s32 $0xFFFFEC00  }
.LBB2_4:
0x9b: {  	[tilespmem:s5], [sflag:$0x5] =	stream.indirect.gather [hbm4b:s4+s30], $0x40, s13, s30, $0xb8;
	[tilespmem:$0x15060] =	vst v63  }
0x9c: {  	s13 =	smov.u32 s12  }
0x9d: {  	p1 =	sne.s32 s12, $0x8FC0;
	s12 =	sadd.s32 $0x640, s12;
	_ =	swait.ge [sflag:s28], $0x1400  }
0x9e: {  	s13 =	sshra.s32 s13, $0x2;
	[sflag:s28] =	ssyncset.done $0x0  }
0x9f: {  	s14 =	sadd.s32 $0x2710, s13;
	[sflag:s28] =	ssyncadd.s32 $0xFFFFEC00  }
0xa0: {  	[spmem:s2] =	stream.indirect.scatter.add.f32 [tilespmem:s31], [sflag:$0x6], $0x40, s14, s30, $0xb8;
	[tilespmem:$0x15060] =	vst v63  }
0xa1: {  	_ =	swait.ge [sflag:s6], $0x1400  }
0xa2: {  	[sflag:s6] =	ssyncset.done $0x0  }
0xa3: {  	s14 =	sadd.s32 $0x190, s13;
	[sflag:s6] =	ssyncadd.s32 $0xFFFFEC00  }
0xa4: {  	[tilespmem:s31], [sflag:$0x1] =	stream.indirect.gather [hbm4b:s4+s30], $0x40, s14, s30, $0xb8;
	[tilespmem:$0x15060] =	vst v63  }
0xa5: {  	_ =	swait.ge [sflag:s29], $0x1400  }
0xa6: {  	[sflag:s29] =	ssyncset.done $0x0  }
0xa7: {  	s14 =	sadd.s32 $0x2760, s13;
	[sflag:s29] =	ssyncadd.s32 $0xFFFFEC00  }
0xa8: {  	[spmem:s2] =	stream.indirect.scatter.add.f32 [tilespmem:s0], [sflag:$0x6], $0x40, s14, s30, $0xb8;
	[tilespmem:$0x15060] =	vst v63  }
0xa9: {  	_ =	swait.ge [sflag:s6], $0x1400  }
0xaa: {  	[sflag:s6] =	ssyncset.done $0x0  }
0xab: {  	s14 =	sadd.s32 $0x1E0, s13;
	[sflag:s6] =	ssyncadd.s32 $0xFFFFEC00  }
0xac: {  	[tilespmem:s0], [sflag:$0x2] =	stream.indirect.gather [hbm4b:s4+s30], $0x40, s14, s30, $0xb8;
	[tilespmem:$0x15060] =	vst v63  }
0xad: {  	_ =	swait.ge [sflag:s8], $0x1400  }
0xae: {  	[sflag:s8] =	ssyncset.done $0x0  }
0xaf: {  	s14 =	sadd.s32 $0x27B0, s13;
	[sflag:s8] =	ssyncadd.s32 $0xFFFFEC00  }
0xb0: {  	[spmem:s2] =	stream.indirect.scatter.add.f32 [tilespmem:s1], [sflag:$0x6], $0x40, s14, s30, $0xb8;
	[tilespmem:$0x15060] =	vst v63  }
0xb1: {  	_ =	swait.ge [sflag:s6], $0x1400  }
0xb2: {  	[sflag:s6] =	ssyncset.done $0x0  }
0xb3: {  	s14 =	sadd.s32 $0x230, s13;
	[sflag:s6] =	ssyncadd.s32 $0xFFFFEC00  }
0xb4: {  	[tilespmem:s1], [sflag:$0x3] =	stream.indirect.gather [hbm4b:s4+s30], $0x40, s14, s30, $0xb8;
	[tilespmem:$0x15060] =	vst v63  }
0xb5: {  	_ =	swait.ge [sflag:s9], $0x1400  }
0xb6: {  	[sflag:s9] =	ssyncset.done $0x0  }
0xb7: {  	s14 =	sadd.s32 $0x2800, s13;
	[sflag:s9] =	ssyncadd.s32 $0xFFFFEC00  }
0xb8: {  	[spmem:s2] =	stream.indirect.scatter.add.f32 [tilespmem:s26], [sflag:$0x6], $0x40, s14, s30, $0xb8;
	[tilespmem:$0x15060] =	vst v63  }
0xb9: {  	_ =	swait.ge [sflag:s6], $0x1400  }
0xba: {  	[sflag:s6] =	ssyncset.done $0x0  }
0xbb: {  	s14 =	sadd.s32 $0x280, s13;
	[sflag:s6] =	ssyncadd.s32 $0xFFFFEC00  }
0xbc: {  	[tilespmem:s26], [sflag:$0x4] =	stream.indirect.gather [hbm4b:s4+s30], $0x40, s14, s30, $0xb8;
	[tilespmem:$0x15060] =	vst v63  }
0xbd: {  	_ =	swait.ge [sflag:s10], $0x1400  }
0xbe: {  	[sflag:s10] =	ssyncset.done $0x0  }
.Ltmp1:
0xbf: {  	s14 =	sadd.s32 $0x2850, s13;
	[sflag:s10] =	ssyncadd.s32 $0xFFFFEC00;
	(pc) =	sbr.rel @p1 .LBB2_4-.Ltmp1, $4  }
0xc0: {  	[spmem:s2] =	stream.indirect.scatter.add.f32 [tilespmem:s5], [sflag:$0x6], $0x40, s14, s30, $0xb8;
	[tilespmem:$0x15060] =	vst v63  }
0xc1: {  	_ =	swait.ge [sflag:s6], $0x1400  }
0xc2: {  	[sflag:s6] =	ssyncset.done $0x0  }
0xc3: {  	s13 =	sadd.s32 $0x2D0, s13;
	[sflag:s6] =	ssyncadd.s32 $0xFFFFEC00  }
0xc4: {  	[tilespmem:s5], [sflag:$0x5] =	stream.indirect.gather [hbm4b:s4+s30], $0x40, s13, s30, $0xb8;
	[tilespmem:$0x15060] =	vst v63  }
0xc5: {  	_ =	swait.ge [sflag:s28], $0x1400  }
0xc6: {  	[sflag:s28] =	ssyncset.done $0x0  }
0xc7: {  	s12 =	simm.s32 $0x4C90;
	[sflag:s28] =	ssyncadd.s32 $0xFFFFEC00  }
0xc8: {  	[spmem:s2] =	stream.indirect.scatter.add.f32 [tilespmem:s31], [sflag:$0x6], $0x40, s12, s30, $0xb8;
	[tilespmem:$0x15060] =	vst v63  }
0xc9: {  	_ =	swait.ge [sflag:s6], $0x1400  }
0xca: {  	[sflag:s6] =	ssyncset.done $0x0  }
0xcb: {  	[sflag:s6] =	ssyncadd.s32 $0xFFFFEC00  }
0xcc: {  	_ =	swait.ge [sflag:s29], $0x1400  }
0xcd: {  	[sflag:s29] =	ssyncset.done $0x0  }
0xce: {  	s16 =	simm.s32 $0x4CE0;
	[sflag:s29] =	ssyncadd.s32 $0xFFFFEC00  }
0xcf: {  	[spmem:s2] =	stream.indirect.scatter.add.f32 [tilespmem:s0], [sflag:$0x6], $0x40, s16, s30, $0xb8;
	[tilespmem:$0x15060] =	vst v63  }
0xd0: {  	_ =	swait.ge [sflag:s6], $0x1400  }
0xd1: {  	[sflag:s6] =	ssyncset.done $0x0  }
0xd2: {  	[sflag:s6] =	ssyncadd.s32 $0xFFFFEC00  }
0xd3: {  	_ =	swait.ge [sflag:s8], $0x1400  }
0xd4: {  	[sflag:s8] =	ssyncset.done $0x0  }
0xd5: {  	s13 =	simm.s32 $0x4D30;
	[sflag:s8] =	ssyncadd.s32 $0xFFFFEC00  }
0xd6: {  	[spmem:s2] =	stream.indirect.scatter.add.f32 [tilespmem:s1], [sflag:$0x6], $0x40, s13, s30, $0xb8;
	[tilespmem:$0x15060] =	vst v63  }
0xd7: {  	_ =	swait.ge [sflag:s6], $0x1400  }
0xd8: {  	[sflag:s6] =	ssyncset.done $0x0  }
0xd9: {  	[sflag:s6] =	ssyncadd.s32 $0xFFFFEC00  }
0xda: {  	_ =	swait.ge [sflag:s9], $0x1400  }
0xdb: {  	[sflag:s9] =	ssyncset.done $0x0  }
0xdc: {  	s14 =	simm.s32 $0x4D80;
	[sflag:s9] =	ssyncadd.s32 $0xFFFFEC00  }
0xdd: {  	[spmem:s2] =	stream.indirect.scatter.add.f32 [tilespmem:s26], [sflag:$0x6], $0x40, s14, s30, $0xb8;
	[tilespmem:$0x15060] =	vst v63  }
0xde: {  	_ =	swait.ge [sflag:s6], $0x1400  }
0xdf: {  	[sflag:s6] =	ssyncset.done $0x0  }
0xe0: {  	[sflag:s6] =	ssyncadd.s32 $0xFFFFEC00  }
0xe1: {  	_ =	swait.ge [sflag:s10], $0x1400  }
0xe2: {  	[sflag:s10] =	ssyncset.done $0x0  }
0xe3: {  	s16 =	simm.s32 $0x4DD0;
	[sflag:s10] =	ssyncadd.s32 $0xFFFFEC00  }
0xe4: {  	[spmem:s2] =	stream.indirect.scatter.add.f32 [tilespmem:s5], [sflag:$0x6], $0x40, s16, s30, $0xb8;
	[tilespmem:$0x15060] =	vst v63  }
0xe5: {  	_ =	swait.ge [sflag:s6], $0x1400  }
0xe6: {  	[sflag:s6] =	ssyncset.done $0x0  }
0xe7: {  	[sflag:s6] =	ssyncadd.s32 $0xFFFFEC00  }
0xe8: {  	s12 =	sshrl.u32 @p0 s15, $0x3;
	s13 =	simm.s32 @p0 $0x1FC6;
	[bflag:$0x0] =	sbarrier.arrive $0xFFFF  }
0xe9: {  	[hbm:s23], [sflag:s13] =	dma.local @p0 [spmem:s12], $0x1040  }
0xea: {  	s12 =	simm.s32 @p0 $0x6  }
0xeb: {  	s13 =	stileid.u32;
	_ =	swait.ge @p0 [sflag:s12], $0x1040  }
0xec: {  	s11 =	sadd.s32 $0x1, s11;
	s13 =	sshll.u32 @!p0 s13, $0x6;
	[sflag:s12] =	ssyncset.done @p0 $0x0  }
0xed: {  	p1 =	sne.s32 s11, s24;
	[sflag:s12] =	ssyncadd.s32 @p0 $0xFFFFEFC0;
	s12 =	sor.u32 @!p0 $0x1C06, s13  }
0xee: {  	[hbm:s21], [sflag:s12] =	dma.local @!p0 [spmem:s25], $0x13C0  }
.Ltmp2:
0xef: {  	_ = 	snop;
	(pc) =	sbr.rel @p1 .LBB2_1-.Ltmp2, $4  }
0xf0: {  	s12 =	simm.s32 @!p0 $0x6  }
0xf1: {  	_ =	swait.ge @!p0 [sflag:s12], $0x13C0  }
0xf2: {  	[sflag:s12] =	ssyncset.done @!p0 $0x0  }
0xf3: {  	[sflag:s12] =	ssyncadd.s32 @!p0 $0xFFFFEC40  }
0xf4: {  	_ =	sfence.sel $0x180000  }
0xf5: {  	[bflag:$0x0] =	sbarrier.arrive $0xFFFF  }
0xf6: {  	_ =	strace $0x90000047  }
0xf7: {  	s0 =	stileid.u32;
	[bflag:$0x2] =	sbarrier.arrive $0xFFFF  }
0xf8: {  	p0 =	sne.s32 s0, $0x0;
	s0 =	rddreg [dreg:$0x3]  }
0xf9: {  	s0 =	sadd.s32 @!p0 $0x100000, s0  }
0xfa: {  	[sflag:s0] =	ssyncadd.tile.s32 @!p0 $0x1;
	_ =	shalt  }
.Lfunc_end2:
_tile_overlayer_lowered:
.L_overlay_start_2:
0xfb: {  	(tag) =	ssettag $0x2  }
0xfc: {  	s0 =	rddreg [dreg:$0x0];
	s2 =	stileid.u32  }
0xfd: {  	s1 =	rddreg [dreg:$0x1];
	p0 =	sne.s32 s2, $0x0  }
0xfe: {  	s3 =	rddreg [dreg:$0x2];
	[bflag:$0x3] =	sbarrier.arrive $0xFFFF;
	s2 =	simm.s32 @!p0 $0x1C06  }
0xff: {  	[timem:s3], [sflag:s2] =	dma.local @!p0 [hbm:s0], s1  }
0x100: {  	s0 =	simm.s32 @!p0 $0x6  }
0x101: {  	_ =	swait.ge @!p0 [sflag:s0], s1  }
0x102: {  	s1 =	ssub.s32 @!p0 $0x0, s1;
	[sflag:s0] =	ssyncset.done @!p0 $0x0  }
0x103: {  	[sflag:s0] =	ssyncadd.s32 @!p0 s1  }
0x104: {  	[bflag:$0x3] =	sbarrier.arrive $0xFFFF  }
0x105: {  	_ =	shalt  }

</sc_bundles>
